<compile_context>
chip_gen: v7x
topology: tpu7x:2x2x1
jax: 0.10.2.dev20260603
libtpu: 0.0.44.dev20260713+nightly
codegen_flags: <defaults>
</compile_context>

<pallas_src>
import functools

import jax
import jax.numpy as jnp
from jax import lax
from jax.experimental import pallas as pl
from jax.experimental.pallas import tpu as pltpu
from jax.experimental.pallas import tpu_sc as plsc

N = 10000
D = 128
E = 320000
NC = 2
NS = 16
CH = 128
ROWS_PER_TILE = 160
ROWS = ROWS_PER_TILE * NS
E_PAD = ROWS * CH
NODES_PER_SC = 5120
ACC_ROWS = 5120
OUT_ROWS = 2 * NODES_PER_SC
ZERO_PER_TILE = ACC_ROWS // NS
OUT_PER_TILE = NODES_PER_SC // NS
NBUF = 3

_BM = 1000


def _pre_body(x1_ref, x2_ref, w_ref, b_ref, o1_ref, o2_ref):
    w = w_ref[...]
    b = b_ref[...]
    o1_ref[...] = jnp.dot(x1_ref[...], w, preferred_element_type=jnp.float32) + b
    o2_ref[...] = jnp.dot(x2_ref[...], w, preferred_element_type=jnp.float32) + b


_pre_call = pl.pallas_call(
    _pre_body,
    grid=(N // _BM,),
    in_specs=[
        pl.BlockSpec((_BM, D), lambda i: (i, 0)),
        pl.BlockSpec((_BM, D), lambda i: (i, 0)),
        pl.BlockSpec((D, D), lambda i: (0, 0)),
        pl.BlockSpec((1, D), lambda i: (0, 0)),
    ],
    out_specs=[pl.BlockSpec((_BM, D), lambda i: (i, 0))] * 2,
    out_shape=[jax.ShapeDtypeStruct((N, D), jnp.float32)] * 2,
)



def _sc_body(pre1_h, pre2_h, src_h, dst_h, out1_h, out2_h,
             src_v, dst_v, sbuf, gbuf, acc,
             gsem0, gsem1, gsem2):
    cid = lax.axis_index("c")
    sid = lax.axis_index("s")
    lo = cid * NODES_PER_SC
    gsems = (gsem0, gsem1, gsem2)
    R = ROWS_PER_TILE
    WPT = R * CH // 2

    pltpu.sync_copy(src_h.at[pl.ds(sid * WPT, WPT)], src_v)
    pltpu.sync_copy(dst_h.at[pl.ds(sid * R, R)], dst_v)

    def _remap(i, carry):
        r = i // 4
        c = (i % 4) * 32
        d0 = dst_v[r, pl.ds(c, 16)]
        d1 = dst_v[r, pl.ds(c + 16, 16)]
        m0 = (d0 >= lo) & (d0 < lo + NODES_PER_SC)
        m1 = (d1 >= lo) & (d1 < lo + NODES_PER_SC)
        dst_v[r, pl.ds(c, 16)] = jnp.where(m0, d0 - lo, -1)
        dst_v[r, pl.ds(c + 16, 16)] = jnp.where(m1, d1 - lo, -1)
        w = src_v[pl.ds(i * 16, 16)]
        s0 = jnp.where(m0, w & 0xFFFF, 0xFFFF)
        s1 = jnp.where(m1, lax.shift_right_logical(w, 16), 0xFFFF)
        src_v[pl.ds(i * 16, 16)] = s0 | lax.shift_left(s1, 16)
        return carry

    lax.fori_loop(0, WPT // 16, _remap, None)

    def _stage(r):
        base = (r & 3) * CH
        for q in range(CH // 32):
            w = src_v[pl.ds(r * (CH // 2) + q * 16, 16)]
            sbuf[pl.ds(base + q * 32, 16)] = w & 0xFFFF
            sbuf[pl.ds(base + q * 32 + 16, 16)] = lax.shift_right_logical(w, 16)

    def _gidx(r):
        return plsc.Indices(sbuf.at[pl.ds((r & 3) * CH, CH)],
                            ignored_value=0xFFFF)

    def _sidx(r):
        return plsc.Indices(dst_v.at[r], ignored_value=-1)

    def _start_g(pre_h, r, b):
        pltpu.async_copy(pre_h.at[_gidx(r)], gbuf.at[b], gsems[b])

    def _wait_g(pre_h, r, b):
        pltpu.make_async_copy(pre_h.at[_gidx(r)], gbuf.at[b], gsems[b]).wait()

    def _process(pre_h):
        for r in range(NBUF):
            _stage(r)
            _start_g(pre_h, r, r)

        def _loop(j, carry):
            r0 = j * NBUF
            for u in range(NBUF):
                r = r0 + u
                _wait_g(pre_h, r, u)
                pltpu.sync_copy(gbuf.at[u], acc.at[_sidx(r)], add=True)
                _stage(r + NBUF)
                _start_g(pre_h, r + NBUF, u)
            return carry

        lax.fori_loop(0, (R - 4) // NBUF, _loop, None)
        for k, r in enumerate(range(R - 4, R)):
            b = r % NBUF
            _wait_g(pre_h, r, b)
            pltpu.sync_copy(gbuf.at[b], acc.at[_sidx(r)], add=True)
            if k == 0:
                _stage(R - 1)
                _start_g(pre_h, R - 1, b)

    pres = (pre1_h, pre2_h)
    outs = (out1_h, out2_h)
    zrow = sid * ZERO_PER_TILE
    row0 = sid * OUT_PER_TILE
    g0 = gbuf.at[0]
    for phase in range(2):
        def _zero(i, carry):
            r = i // (D // 16)
            c = i % (D // 16)
            g0[r, pl.ds(c * 16, 16)] = jnp.zeros((16,), jnp.float32)
            return carry

        lax.fori_loop(0, CH * (D // 16), _zero, None)
        pltpu.sync_copy(g0, acc.at[pl.ds(zrow, CH)])
        pltpu.sync_copy(g0, acc.at[pl.ds(zrow + CH, CH)])
        pltpu.sync_copy(g0.at[pl.ds(0, ZERO_PER_TILE - 2 * CH)],
                        acc.at[pl.ds(zrow + 2 * CH, ZERO_PER_TILE - 2 * CH)])
        plsc.subcore_barrier()

        _process(pres[phase])

        plsc.subcore_barrier()

        pltpu.sync_copy(acc.at[pl.ds(row0, OUT_PER_TILE)],
                        outs[phase].at[pl.ds(lo + row0, OUT_PER_TILE)])

        plsc.subcore_barrier()

@functools.cache
def _sc_call():
    return pl.kernel(
        _sc_body,
        out_type=[jax.ShapeDtypeStruct((OUT_ROWS, D), jnp.float32)] * 2,
        mesh=plsc.VectorSubcoreMesh(core_axis_name="c", subcore_axis_name="s"),
        scratch_types=[
            pltpu.VMEM((ROWS_PER_TILE * CH // 2,), jnp.int32),
            pltpu.VMEM((ROWS_PER_TILE, CH), jnp.int32),
            pltpu.VMEM((4 * CH,), jnp.int32),
            pltpu.VMEM((NBUF, CH, D), jnp.float32),
            pltpu.VMEM_SHARED((ACC_ROWS, D), jnp.float32),
            pltpu.SemaphoreType.DMA,
            pltpu.SemaphoreType.DMA,
            pltpu.SemaphoreType.DMA,
        ],
    )



def _disc_body(a1_ref, a2_ref, wd_ref, bd_ref, o1_ref, o2_ref):
    valid = lax.broadcasted_iota(jnp.int32, (OUT_ROWS, 1), 0) < N
    h1 = a1_ref[...]
    h1 = jnp.where(valid, jnp.where(h1 > 0, h1, 0.25 * h1), 0.0)
    h2 = a2_ref[...]
    h2 = jnp.where(h2 > 0, h2, 0.25 * h2)
    c = jax.nn.sigmoid(jnp.sum(h1, axis=0, keepdims=True) / N)
    wc = lax.dot_general(c, wd_ref[...], (((1,), (1,)), ((), ())))
    b = bd_ref[0, 0]
    o1_ref[...] = jnp.sum(h1 * wc, axis=1, keepdims=True) + b
    o2_ref[...] = jnp.sum(h2 * wc, axis=1, keepdims=True) + b


_disc_call = pl.pallas_call(
    _disc_body,
    out_shape=[jax.ShapeDtypeStruct((OUT_ROWS, 1), jnp.float32)] * 2,
)


def kernel(seq1, seq2, adj, W_gcn, b_gcn, W_disc, b_disc):
    pre1, pre2 = _pre_call(seq1, seq2, W_gcn, b_gcn.reshape(1, D))
    pad = E_PAD - E
    sp = jnp.concatenate([adj[0], jnp.zeros((pad,), jnp.int32)])
    sp = sp.reshape(E_PAD // 32, 2, 16)
    src = (sp[:, 0, :] | (sp[:, 1, :] << 16)).reshape(E_PAD // 2)
    dst = jnp.concatenate([adj[1], jnp.full((pad,), 2 * N, jnp.int32)]).reshape(ROWS, CH)
    agg1, agg2 = _sc_call()(pre1, pre2, src, dst)
    o1, o2 = _disc_call(agg1, agg2, W_disc, b_disc.reshape(1, 1))
    return jnp.concatenate([o1[:N, 0], o2[:N, 0]])

# --- scband reference (transcript-rebuilt; emitter-appended) ---
"""Pipeline reference for scband-dgi-7241314861554 (READ-ONLY COPY).

The authoritative reference and input builder live on the scoring server;
editing this copy changes nothing except your own understanding.
"""

import jax, jax.numpy as jnp
import numpy as np

N = 10000
E = 320000
D = 128


def setup_inputs(seed: int = 0) -> dict:
    key = jax.random.key(seed)
    k1, k2, k3, k4, k5, k6, k7 = jax.random.split(key, 7)
    seq1 = jax.random.normal(k1, (N, D), dtype=jnp.float32)
    seq2 = jax.random.normal(k2, (N, D), dtype=jnp.float32)
    adj = jax.random.randint(k3, (2, E), 0, N, dtype=jnp.int32)
    # learned params: GCN weight/bias, Discriminator bilinear weight/bias
    W_gcn = jax.random.normal(k4, (D, D), dtype=jnp.float32) * (1.0 / np.sqrt(D))
    b_gcn = jnp.zeros((D,), dtype=jnp.float32)
    W_disc = jax.random.normal(k5, (D, D), dtype=jnp.float32) * (1.0 / np.sqrt(D))
    b_disc = jnp.zeros((1,), dtype=jnp.float32)
    return {"seq1": seq1, "seq2": seq2, "adj": adj, "W_gcn": W_gcn, "b_gcn": b_gcn, "W_disc": W_disc, "b_disc": b_disc}


def reference(seq1, seq2, adj, W_gcn, b_gcn, W_disc, b_disc):
    src = adj[0]
    dst = adj[1]

    def gcn(x):
        # GCN_org: aggregate A @ (X W) + b via gather + scatter-add over edges
        pre = x @ W_gcn + b_gcn
        msg = jnp.take(pre, src, axis=0)
        agg = jax.ops.segment_sum(msg, dst, num_segments=N)
        return agg

    def act(h):
        # act_layer(activation, neg_slope=0.25) -> leaky relu with slope 0.25
        return jnp.where(h > 0, h, 0.25 * h)

    h_1 = act(gcn(seq1))
    # AvgReadout: mean over nodes
    c = jnp.mean(h_1, axis=0)
    # sigmoid
    c = jax.nn.sigmoid(c)
    h_2 = act(gcn(seq2))
    # Discriminator: bilinear scores vs summary c for positive (h_1) and negative (h_2)
    wc = W_disc @ c
    sc_1 = h_1 @ wc + b_disc[0]
    sc_2 = h_2 @ wc + b_disc[0]
    ret = jnp.concatenate([sc_1, sc_2], axis=0)
    return ret

if __name__ == "__main__":
    import jax
    _d = setup_inputs()
    print(jax.jit(kernel)(*tuple(_d.values())))

</pallas_src>

<mosaic_0001>
#map = affine_map<(d0, d1) -> (0, 0)>
#map1 = affine_map<(d0, d1) -> (0)>
module attributes {stable_mosaic.version = 14 : i64} {
  func.func @_sc_body(%arg0: i32, %arg1: i32, %arg2: memref<10000x128xf32, #tpu.memory_space<hbm>>, %arg3: memref<10000x128xf32, #tpu.memory_space<hbm>>, %arg4: memref<163840xi32, #tpu.memory_space<hbm>>, %arg5: memref<2560x128xi32, #tpu.memory_space<hbm>>, %arg6: memref<10240x128xf32, #tpu.memory_space<hbm>>, %arg7: memref<10240x128xf32, #tpu.memory_space<hbm>>, %arg8: memref<10240xi32, #tpu.memory_space<vmem>>, %arg9: memref<160x128xi32, #tpu.memory_space<vmem>>, %arg10: memref<512xi32, #tpu.memory_space<vmem>>, %arg11: memref<3x128x128xf32, #tpu.memory_space<vmem>>, %arg12: memref<5120x128xf32, #tpu.memory_space<vmem_shared>>, %arg13: memref<!tpu.dma_semaphore, #tpu.memory_space<semaphore_mem>>, %arg14: memref<!tpu.dma_semaphore, #tpu.memory_space<semaphore_mem>>, %arg15: memref<!tpu.dma_semaphore, #tpu.memory_space<semaphore_mem>>) attributes {dimension_semantics = [#tpu.dimension_semantics<core_parallel>, #tpu.dimension_semantics<subcore_parallel>], iteration_bounds = array<i64: 2, 16>, scalar_prefetch = 0 : i64, scratch_operands = 8 : i64, tpu.core_type = #tpu.core_type<sc_vector_subcore>, window_params = [{transform_indices = #map}, {transform_indices = #map}, {transform_indices = #map1}, {transform_indices = #map}, {transform_indices = #map}, {transform_indices = #map}]} {
    %mul3A = arith.constant 5120 : i32
    %mul3A_0 = arith.muli %arg0, %mul3A : i32
    %mul3A_1 = arith.constant 10240 : i32
    %mul3A_2 = arith.muli %arg1, %mul3A_1 : i32
    "tpu.region"() ({
      %run_scoped3A_776 = tpu.sem_alloc : memref<!tpu.dma_semaphore, #tpu.memory_space<semaphore_mem>>
      %dma_start3A_777 = tpu.memref_slice %arg4[%mul3A_2] : memref<163840xi32, #tpu.memory_space<hbm>> -> memref<10240xi32, #tpu.memory_space<hbm>>
      %dma_start3A_778 = tpu.memref_slice %arg4[%mul3A_2] : memref<163840xi32, #tpu.memory_space<hbm>> -> memref<10240xi32, #tpu.memory_space<hbm>>
      tpu.enqueue_dma source(%dma_start3A_778 : memref<10240xi32, #tpu.memory_space<hbm>>) target(%arg8 : memref<10240xi32, #tpu.memory_space<vmem>>) target_semaphore(%run_scoped3A_776 : memref<!tpu.dma_semaphore, #tpu.memory_space<semaphore_mem>>)
      %dma_wait3A_779 = tpu.memref_slice %arg4[%mul3A_2] : memref<163840xi32, #tpu.memory_space<hbm>> -> memref<10240xi32, #tpu.memory_space<hbm>>
      %dma_wait3A_780 = tpu.memref_slice %arg4[%mul3A_2] : memref<163840xi32, #tpu.memory_space<hbm>> -> memref<10240xi32, #tpu.memory_space<hbm>>
      tpu.wait_dma2 semaphore(%run_scoped3A_776 : memref<!tpu.dma_semaphore, #tpu.memory_space<semaphore_mem>>) src(%dma_wait3A_780 : memref<10240xi32, #tpu.memory_space<hbm>>) dst(%arg8 : memref<10240xi32, #tpu.memory_space<vmem>>)
      tpu.yield
    }) : () -> ()
    %mul3A_3 = arith.constant 160 : i32
    %mul3A_4 = arith.muli %arg1, %mul3A_3 : i32
    "tpu.region"() ({
      %run_scoped3A_776 = tpu.sem_alloc : memref<!tpu.dma_semaphore, #tpu.memory_space<semaphore_mem>>
      %dma_start3A_777 = arith.constant 0 : i32
      %dma_start3A_778 = tpu.memref_slice %arg5[%mul3A_4, %dma_start3A_777] : memref<2560x128xi32, #tpu.memory_space<hbm>> -> memref<160x128xi32, #tpu.memory_space<hbm>>
      %dma_start3A_779 = arith.constant 0 : i32
      %dma_start3A_780 = tpu.memref_slice %arg5[%mul3A_4, %dma_start3A_779] : memref<2560x128xi32, #tpu.memory_space<hbm>> -> memref<160x128xi32, #tpu.memory_space<hbm>>
      tpu.enqueue_dma source(%dma_start3A_780 : memref<160x128xi32, #tpu.memory_space<hbm>>) target(%arg9 : memref<160x128xi32, #tpu.memory_space<vmem>>) target_semaphore(%run_scoped3A_776 : memref<!tpu.dma_semaphore, #tpu.memory_space<semaphore_mem>>)
      %dma_wait3A_781 = arith.constant 0 : i32
      %dma_wait3A_782 = tpu.memref_slice %arg5[%mul3A_4, %dma_wait3A_781] : memref<2560x128xi32, #tpu.memory_space<hbm>> -> memref<160x128xi32, #tpu.memory_space<hbm>>
      %dma_wait3A_783 = arith.constant 0 : i32
      %dma_wait3A_784 = tpu.memref_slice %arg5[%mul3A_4, %dma_wait3A_783] : memref<2560x128xi32, #tpu.memory_space<hbm>> -> memref<160x128xi32, #tpu.memory_space<hbm>>
      tpu.wait_dma2 semaphore(%run_scoped3A_776 : memref<!tpu.dma_semaphore, #tpu.memory_space<semaphore_mem>>) src(%dma_wait3A_784 : memref<160x128xi32, #tpu.memory_space<hbm>>) dst(%arg9 : memref<160x128xi32, #tpu.memory_space<vmem>>)
      tpu.yield
    }) : () -> ()
    %scan3A = arith.constant 0 : i32
    %scan3A_5 = arith.constant 640 : i32
    %scan3A_6 = arith.addi %scan3A, %scan3A_5 : i32
    %scan3A_7 = arith.constant 1 : i32
    scf.for %scan3A_776 = %scan3A to %scan3A_6 step %scan3A_7  : i32 {
      %jit3A = arith.constant 4 : i32
      %div3A = arith.divsi %scan3A_776, %jit3A : i32
      %sign3A = arith.constant 0 : i32
      %sign3A_777 = arith.cmpi sgt, %scan3A_776, %sign3A : i32
      %sign3A_778 = arith.extui %sign3A_777 : i1 to i32
      %sign3A_779 = arith.constant 0 : i32
      %sign3A_780 = arith.cmpi slt, %scan3A_776, %sign3A_779 : i32
      %sign3A_781 = arith.extui %sign3A_780 : i1 to i32
      %sign3A_782 = arith.subi %sign3A_778, %sign3A_781 : i32
      %sign3A_783 = arith.constant 0 : i32
      %sign3A_784 = arith.cmpi sgt, %jit3A, %sign3A_783 : i32
      %sign3A_785 = arith.extui %sign3A_784 : i1 to i32
      %sign3A_786 = arith.constant 0 : i32
      %sign3A_787 = arith.cmpi slt, %jit3A, %sign3A_786 : i32
      %sign3A_788 = arith.extui %sign3A_787 : i1 to i32
      %sign3A_789 = arith.subi %sign3A_785, %sign3A_788 : i32
      %ne3A = arith.cmpi ne, %sign3A_782, %sign3A_789 : i32
      %rem3A = arith.remsi %scan3A_776, %jit3A : i32
      %ne3A_790 = arith.constant 0 : i32
      %ne3A_791 = arith.cmpi ne, %rem3A, %ne3A_790 : i32
      %and3A_792 = arith.andi %ne3A, %ne3A_791 : i1
      %sub3A = arith.constant 1 : i32
      %sub3A_793 = arith.subi %div3A, %sub3A : i32
      %select_n3A = arith.select %and3A_792, %sub3A_793, %div3A : i32
      %jit3A_794 = arith.constant 4 : i32
      %eq3A = arith.constant 0 : i32
      %eq3A_795 = arith.cmpi eq, %jit3A_794, %eq3A : i32
      %jit3A_796 = arith.constant 1 : i32
      %select_n3A_797 = arith.select %eq3A_795, %jit3A_796, %jit3A_794 : i32
      %rem3A_798 = arith.remsi %scan3A_776, %select_n3A_797 : i32
      %ne3A_799 = arith.constant 0 : i32
      %ne3A_800 = arith.cmpi ne, %rem3A_798, %ne3A_799 : i32
      %lt3A = arith.constant 0 : i32
      %lt3A_801 = arith.cmpi slt, %rem3A_798, %lt3A : i32
      %lt3A_802 = arith.constant 0 : i32
      %lt3A_803 = arith.cmpi slt, %select_n3A_797, %lt3A_802 : i32
      %ne3A_804 = arith.xori %lt3A_801, %lt3A_803 : i1
      %and3A_805 = arith.andi %ne3A_804, %ne3A_800 : i1
      %add3A_806 = arith.addi %rem3A_798, %select_n3A_797 : i32
      %select_n3A_807 = arith.select %and3A_805, %add3A_806, %rem3A_798 : i32
      %mul3A_808 = arith.constant 32 : i32
      %mul3A_809 = arith.muli %select_n3A_807, %mul3A_808 : i32
      %get3A_810 = arith.index_cast %select_n3A : i32 to index
      %get3A_811 = arith.index_cast %mul3A_809 : i32 to index
      %get3A_812 = tpu.vector_load %arg9[%get3A_810, %get3A_811] {strides = array<i32>} : memref<160x128xi32, #tpu.memory_space<vmem>>, vector<1x16xi32>,
      %get3A_813 = vector.shape_cast %get3A_812 : vector<1x16xi32> to vector<16xi32>
      %add3A_814 = arith.constant 16 : i32
      %add3A_815 = arith.addi %mul3A_809, %add3A_814 : i32
      %get3A_816 = arith.index_cast %select_n3A : i32 to index
      %get3A_817 = arith.index_cast %add3A_815 : i32 to index
      %get3A_818 = tpu.vector_load %arg9[%get3A_816, %get3A_817] {strides = array<i32>} : memref<160x128xi32, #tpu.memory_space<vmem>>, vector<1x16xi32>,
      %get3A_819 = vector.shape_cast %get3A_818 : vector<1x16xi32> to vector<16xi32>
      %ge3A = vector.broadcast %mul3A_0 : i32 to vector<16xi32>
      %ge3A_820 = arith.cmpi sge, %get3A_813, %ge3A : vector<16xi32>
      %add3A_821 = arith.constant 5120 : i32
      %add3A_822 = arith.addi %mul3A_0, %add3A_821 : i32
      %lt3A_823 = vector.broadcast %add3A_822 : i32 to vector<16xi32>
      %lt3A_824 = arith.cmpi slt, %get3A_813, %lt3A_823 : vector<16xi32>
      %and3A_825 = arith.andi %ge3A_820, %lt3A_824 : vector<16xi1>
      %ge3A_826 = vector.broadcast %mul3A_0 : i32 to vector<16xi32>
      %ge3A_827 = arith.cmpi sge, %get3A_819, %ge3A_826 : vector<16xi32>
      %add3A_828 = arith.constant 5120 : i32
      %add3A_829 = arith.addi %mul3A_0, %add3A_828 : i32
      %lt3A_830 = vector.broadcast %add3A_829 : i32 to vector<16xi32>
      %lt3A_831 = arith.cmpi slt, %get3A_819, %lt3A_830 : vector<16xi32>
      %and3A_832 = arith.andi %ge3A_827, %lt3A_831 : vector<16xi1>
      %sub3A_833 = vector.broadcast %mul3A_0 : i32 to vector<16xi32>
      %sub3A_834 = arith.subi %get3A_813, %sub3A_833 : vector<16xi32>
      %jit3A_835 = arith.constant -1 : i32
      %broadcast_in_dim3A = vector.broadcast %jit3A_835 : i32 to vector<16xi32>
      %select_n3A_836 = arith.select %and3A_825, %sub3A_834, %broadcast_in_dim3A : vector<16xi1>, vector<16xi32>
      %swap3A_837 = arith.index_cast %select_n3A : i32 to index
      %swap3A_838 = arith.index_cast %mul3A_809 : i32 to index
      %swap3A_839 = tpu.vector_load %arg9[%swap3A_837, %swap3A_838] {strides = array<i32>} : memref<160x128xi32, #tpu.memory_space<vmem>>, vector<1x16xi32>,
      %swap3A_840 = vector.shape_cast %swap3A_839 : vector<1x16xi32> to vector<16xi32>
      %swap3A_841 = vector.shape_cast %select_n3A_836 : vector<16xi32> to vector<1x16xi32>
      tpu.vector_store %arg9[%swap3A_837, %swap3A_838], %swap3A_841 {strides = array<i32>} : memref<160x128xi32, #tpu.memory_space<vmem>>, vector<1x16xi32>,
      %sub3A_842 = vector.broadcast %mul3A_0 : i32 to vector<16xi32>
      %sub3A_843 = arith.subi %get3A_819, %sub3A_842 : vector<16xi32>
      %jit3A_844 = arith.constant -1 : i32
      %broadcast_in_dim3A_845 = vector.broadcast %jit3A_844 : i32 to vector<16xi32>
      %select_n3A_846 = arith.select %and3A_832, %sub3A_843, %broadcast_in_dim3A_845 : vector<16xi1>, vector<16xi32>
      %add3A_847 = arith.constant 16 : i32
      %add3A_848 = arith.addi %mul3A_809, %add3A_847 : i32
      %swap3A_849 = arith.index_cast %select_n3A : i32 to index
      %swap3A_850 = arith.index_cast %add3A_848 : i32 to index
      %swap3A_851 = tpu.vector_load %arg9[%swap3A_849, %swap3A_850] {strides = array<i32>} : memref<160x128xi32, #tpu.memory_space<vmem>>, vector<1x16xi32>,
      %swap3A_852 = vector.shape_cast %swap3A_851 : vector<1x16xi32> to vector<16xi32>
      %swap3A_853 = vector.shape_cast %select_n3A_846 : vector<16xi32> to vector<1x16xi32>
      tpu.vector_store %arg9[%swap3A_849, %swap3A_850], %swap3A_853 {strides = array<i32>} : memref<160x128xi32, #tpu.memory_space<vmem>>, vector<1x16xi32>,
      %mul3A_854 = arith.constant 16 : i32
      %mul3A_855 = arith.muli %scan3A_776, %mul3A_854 : i32
      %get3A_856 = arith.index_cast %mul3A_855 : i32 to index
      %get3A_857 = tpu.vector_load %arg8[%get3A_856] {strides = array<i32>} : memref<10240xi32, #tpu.memory_space<vmem>>, vector<16xi32>,
      %get3A_858 = vector.shape_cast %get3A_857 : vector<16xi32> to vector<16xi32>
      %and3A_859 = arith.constant 65535 : i32
      %and3A_860 = vector.broadcast %and3A_859 : i32 to vector<16xi32>
      %and3A_861 = arith.andi %get3A_858, %and3A_860 : vector<16xi32>
      %jit3A_862 = arith.constant 65535 : i32
      %broadcast_in_dim3A_863 = vector.broadcast %jit3A_862 : i32 to vector<16xi32>
      %select_n3A_864 = arith.select %and3A_825, %and3A_861, %broadcast_in_dim3A_863 : vector<16xi1>, vector<16xi32>
      %shift_right_logical3A_865 = arith.constant 16 : i32
      %shift_right_logical3A_866 = vector.broadcast %shift_right_logical3A_865 : i32 to vector<16xi32>
      %shift_right_logical3A_867 = arith.shrui %get3A_858, %shift_right_logical3A_866 : vector<16xi32>
      %jit3A_868 = arith.constant 65535 : i32
      %broadcast_in_dim3A_869 = vector.broadcast %jit3A_868 : i32 to vector<16xi32>
      %select_n3A_870 = arith.select %and3A_832, %shift_right_logical3A_867, %broadcast_in_dim3A_869 : vector<16xi1>, vector<16xi32>
      %shift_left3A = arith.constant 16 : i32
      %shift_left3A_871 = vector.broadcast %shift_left3A : i32 to vector<16xi32>
      %shift_left3A_872 = arith.shli %select_n3A_870, %shift_left3A_871 : vector<16xi32>
      %or3A = arith.ori %select_n3A_864, %shift_left3A_872 : vector<16xi32>
      %mul3A_873 = arith.constant 16 : i32
      %mul3A_874 = arith.muli %scan3A_776, %mul3A_873 : i32
      %swap3A_875 = arith.index_cast %mul3A_874 : i32 to index
      %swap3A_876 = tpu.vector_load %arg8[%swap3A_875] {strides = array<i32>} : memref<10240xi32, #tpu.memory_space<vmem>>, vector<16xi32>,
      %swap3A_877 = vector.shape_cast %swap3A_876 : vector<16xi32> to vector<16xi32>
      %swap3A_878 = vector.shape_cast %or3A : vector<16xi32> to vector<16xi32>
      tpu.vector_store %arg8[%swap3A_875], %swap3A_878 {strides = array<i32>} : memref<10240xi32, #tpu.memory_space<vmem>>, vector<16xi32>,
    }
    %scan3A_8 = arith.constant 640 : i32
    %mul3A_9 = arith.constant 320 : i32
    %mul3A_10 = arith.muli %arg1, %mul3A_9 : i32
    %mul3A_11 = arith.constant 320 : i32
    %mul3A_12 = arith.muli %arg1, %mul3A_11 : i32
    %scan3A_13 = arith.constant 0 : i32
    %scan3A_14 = arith.constant 0 : i32
    %scan3A_15 = arith.constant 1024 : i32
    %scan3A_16 = arith.addi %scan3A_14, %scan3A_15 : i32
    %scan3A_17 = arith.constant 1 : i32
    scf.for %scan3A_776 = %scan3A_14 to %scan3A_16 step %scan3A_17  : i32 {
      %jit3A = arith.constant 8 : i32
      %div3A = arith.divsi %scan3A_776, %jit3A : i32
      %sign3A = arith.constant 0 : i32
      %sign3A_777 = arith.cmpi sgt, %scan3A_776, %sign3A : i32
      %sign3A_778 = arith.extui %sign3A_777 : i1 to i32
      %sign3A_779 = arith.constant 0 : i32
      %sign3A_780 = arith.cmpi slt, %scan3A_776, %sign3A_779 : i32
      %sign3A_781 = arith.extui %sign3A_780 : i1 to i32
      %sign3A_782 = arith.subi %sign3A_778, %sign3A_781 : i32
      %sign3A_783 = arith.constant 0 : i32
      %sign3A_784 = arith.cmpi sgt, %jit3A, %sign3A_783 : i32
      %sign3A_785 = arith.extui %sign3A_784 : i1 to i32
      %sign3A_786 = arith.constant 0 : i32
      %sign3A_787 = arith.cmpi slt, %jit3A, %sign3A_786 : i32
      %sign3A_788 = arith.extui %sign3A_787 : i1 to i32
      %sign3A_789 = arith.subi %sign3A_785, %sign3A_788 : i32
      %ne3A = arith.cmpi ne, %sign3A_782, %sign3A_789 : i32
      %rem3A = arith.remsi %scan3A_776, %jit3A : i32
      %ne3A_790 = arith.constant 0 : i32
      %ne3A_791 = arith.cmpi ne, %rem3A, %ne3A_790 : i32
      %and3A_792 = arith.andi %ne3A, %ne3A_791 : i1
      %sub3A = arith.constant 1 : i32
      %sub3A_793 = arith.subi %div3A, %sub3A : i32
      %select_n3A = arith.select %and3A_792, %sub3A_793, %div3A : i32
      %jit3A_794 = arith.constant 8 : i32
      %eq3A = arith.constant 0 : i32
      %eq3A_795 = arith.cmpi eq, %jit3A_794, %eq3A : i32
      %jit3A_796 = arith.constant 1 : i32
      %select_n3A_797 = arith.select %eq3A_795, %jit3A_796, %jit3A_794 : i32
      %rem3A_798 = arith.remsi %scan3A_776, %select_n3A_797 : i32
      %ne3A_799 = arith.constant 0 : i32
      %ne3A_800 = arith.cmpi ne, %rem3A_798, %ne3A_799 : i32
      %lt3A = arith.constant 0 : i32
      %lt3A_801 = arith.cmpi slt, %rem3A_798, %lt3A : i32
      %lt3A_802 = arith.constant 0 : i32
      %lt3A_803 = arith.cmpi slt, %select_n3A_797, %lt3A_802 : i32
      %ne3A_804 = arith.xori %lt3A_801, %lt3A_803 : i1
      %and3A_805 = arith.andi %ne3A_804, %ne3A_800 : i1
      %add3A_806 = arith.addi %rem3A_798, %select_n3A_797 : i32
      %select_n3A_807 = arith.select %and3A_805, %add3A_806, %rem3A_798 : i32
      %broadcast_in_dim3A = arith.constant 0.000000e+00 : f32
      %broadcast_in_dim3A_808 = vector.broadcast %broadcast_in_dim3A : f32 to vector<16xf32>
      %mul3A_809 = arith.constant 16 : i32
      %mul3A_810 = arith.muli %select_n3A_807, %mul3A_809 : i32
      %swap3A_811 = arith.constant 0 : i32
      %swap3A_812 = arith.constant 0 : i32
      %swap3A_813 = tpu.memref_slice %arg11[%scan3A_13, %swap3A_811, %swap3A_812] : memref<3x128x128xf32, #tpu.memory_space<vmem>> -> memref<1x128x128xf32, #tpu.memory_space<vmem>>
      %swap3A_814 = tpu.memref_squeeze %swap3A_813 : memref<1x128x128xf32, #tpu.memory_space<vmem>> -> memref<128x128xf32, #tpu.memory_space<vmem>>
      %swap3A_815 = arith.index_cast %select_n3A : i32 to index
      %swap3A_816 = arith.index_cast %mul3A_810 : i32 to index
      %swap3A_817 = tpu.vector_load %swap3A_814[%swap3A_815, %swap3A_816] {strides = array<i32>} : memref<128x128xf32, #tpu.memory_space<vmem>>, vector<1x16xf32>,
      %swap3A_818 = vector.shape_cast %swap3A_817 : vector<1x16xf32> to vector<16xf32>
      %swap3A_819 = vector.shape_cast %broadcast_in_dim3A_808 : vector<16xf32> to vector<1x16xf32>
      tpu.vector_store %swap3A_814[%swap3A_815, %swap3A_816], %swap3A_819 {strides = array<i32>} : memref<128x128xf32, #tpu.memory_space<vmem>>, vector<1x16xf32>,
    }
    %scan3A_18 = arith.constant 1024 : i32
    %run_scoped3A = arith.constant 0 : i32
    "tpu.region"() ({
      %run_scoped3A_776 = tpu.sem_alloc : memref<!tpu.dma_semaphore, #tpu.memory_space<semaphore_mem>>
      %dma_start3A_777 = arith.constant 0 : i32
      %dma_start3A_778 = arith.constant 0 : i32
      %dma_start3A_779 = tpu.memref_slice %arg11[%run_scoped3A, %dma_start3A_777, %dma_start3A_778] : memref<3x128x128xf32, #tpu.memory_space<vmem>> -> memref<1x128x128xf32, #tpu.memory_space<vmem>>
      %dma_start3A_780 = tpu.memref_squeeze %dma_start3A_779 : memref<1x128x128xf32, #tpu.memory_space<vmem>> -> memref<128x128xf32, #tpu.memory_space<vmem>>
      %dma_start3A_781 = arith.constant 0 : i32
      %dma_start3A_782 = tpu.memref_slice %arg12[%mul3A_10, %dma_start3A_781] : memref<5120x128xf32, #tpu.memory_space<vmem_shared>> -> memref<128x128xf32, #tpu.memory_space<vmem_shared>>
      %dma_start3A_783 = arith.constant 0 : i32
      %dma_start3A_784 = tpu.memref_slice %arg12[%mul3A_10, %dma_start3A_783] : memref<5120x128xf32, #tpu.memory_space<vmem_shared>> -> memref<128x128xf32, #tpu.memory_space<vmem_shared>>
      %dma_start3A_785 = arith.constant 0 : i32
      %dma_start3A_786 = arith.constant 0 : i32
      %dma_start3A_787 = tpu.memref_slice %arg11[%run_scoped3A, %dma_start3A_785, %dma_start3A_786] : memref<3x128x128xf32, #tpu.memory_space<vmem>> -> memref<1x128x128xf32, #tpu.memory_space<vmem>>
      %dma_start3A_788 = tpu.memref_squeeze %dma_start3A_787 : memref<1x128x128xf32, #tpu.memory_space<vmem>> -> memref<128x128xf32, #tpu.memory_space<vmem>>
      tpu.enqueue_dma source(%dma_start3A_788 : memref<128x128xf32, #tpu.memory_space<vmem>>) target(%dma_start3A_784 : memref<128x128xf32, #tpu.memory_space<vmem_shared>>) target_semaphore(%run_scoped3A_776 : memref<!tpu.dma_semaphore, #tpu.memory_space<semaphore_mem>>)
      %dma_wait3A_789 = arith.constant 0 : i32
      %dma_wait3A_790 = arith.constant 0 : i32
      %dma_wait3A_791 = tpu.memref_slice %arg11[%run_scoped3A, %dma_wait3A_789, %dma_wait3A_790] : memref<3x128x128xf32, #tpu.memory_space<vmem>> -> memref<1x128x128xf32, #tpu.memory_space<vmem>>
      %dma_wait3A_792 = tpu.memref_squeeze %dma_wait3A_791 : memref<1x128x128xf32, #tpu.memory_space<vmem>> -> memref<128x128xf32, #tpu.memory_space<vmem>>
      %dma_wait3A_793 = arith.constant 0 : i32
      %dma_wait3A_794 = tpu.memref_slice %arg12[%mul3A_10, %dma_wait3A_793] : memref<5120x128xf32, #tpu.memory_space<vmem_shared>> -> memref<128x128xf32, #tpu.memory_space<vmem_shared>>
      %dma_wait3A_795 = arith.constant 0 : i32
      %dma_wait3A_796 = tpu.memref_slice %arg12[%mul3A_10, %dma_wait3A_795] : memref<5120x128xf32, #tpu.memory_space<vmem_shared>> -> memref<128x128xf32, #tpu.memory_space<vmem_shared>>
      %dma_wait3A_797 = arith.constant 0 : i32
      %dma_wait3A_798 = arith.constant 0 : i32
      %dma_wait3A_799 = tpu.memref_slice %arg11[%run_scoped3A, %dma_wait3A_797, %dma_wait3A_798] : memref<3x128x128xf32, #tpu.memory_space<vmem>> -> memref<1x128x128xf32, #tpu.memory_space<vmem>>
      %dma_wait3A_800 = tpu.memref_squeeze %dma_wait3A_799 : memref<1x128x128xf32, #tpu.memory_space<vmem>> -> memref<128x128xf32, #tpu.memory_space<vmem>>
      tpu.wait_dma2 semaphore(%run_scoped3A_776 : memref<!tpu.dma_semaphore, #tpu.memory_space<semaphore_mem>>) src(%dma_wait3A_800 : memref<128x128xf32, #tpu.memory_space<vmem>>) dst(%dma_wait3A_796 : memref<128x128xf32, #tpu.memory_space<vmem_shared>>)
      tpu.yield
    }) : () -> ()
    %add3A = arith.constant 128 : i32
    %add3A_19 = arith.addi %mul3A_10, %add3A : i32
    %run_scoped3A_20 = arith.constant 0 : i32
    "tpu.region"() ({
      %run_scoped3A_776 = tpu.sem_alloc : memref<!tpu.dma_semaphore, #tpu.memory_space<semaphore_mem>>
      %dma_start3A_777 = arith.constant 0 : i32
      %dma_start3A_778 = arith.constant 0 : i32
      %dma_start3A_779 = tpu.memref_slice %arg11[%run_scoped3A_20, %dma_start3A_777, %dma_start3A_778] : memref<3x128x128xf32, #tpu.memory_space<vmem>> -> memref<1x128x128xf32, #tpu.memory_space<vmem>>
      %dma_start3A_780 = tpu.memref_squeeze %dma_start3A_779 : memref<1x128x128xf32, #tpu.memory_space<vmem>> -> memref<128x128xf32, #tpu.memory_space<vmem>>
      %dma_start3A_781 = arith.constant 0 : i32
      %dma_start3A_782 = tpu.memref_slice %arg12[%add3A_19, %dma_start3A_781] : memref<5120x128xf32, #tpu.memory_space<vmem_shared>> -> memref<128x128xf32, #tpu.memory_space<vmem_shared>>
      %dma_start3A_783 = arith.constant 0 : i32
      %dma_start3A_784 = tpu.memref_slice %arg12[%add3A_19, %dma_start3A_783] : memref<5120x128xf32, #tpu.memory_space<vmem_shared>> -> memref<128x128xf32, #tpu.memory_space<vmem_shared>>
      %dma_start3A_785 = arith.constant 0 : i32
      %dma_start3A_786 = arith.constant 0 : i32
      %dma_start3A_787 = tpu.memref_slice %arg11[%run_scoped3A_20, %dma_start3A_785, %dma_start3A_786] : memref<3x128x128xf32, #tpu.memory_space<vmem>> -> memref<1x128x128xf32, #tpu.memory_space<vmem>>
      %dma_start3A_788 = tpu.memref_squeeze %dma_start3A_787 : memref<1x128x128xf32, #tpu.memory_space<vmem>> -> memref<128x128xf32, #tpu.memory_space<vmem>>
      tpu.enqueue_dma source(%dma_start3A_788 : memref<128x128xf32, #tpu.memory_space<vmem>>) target(%dma_start3A_784 : memref<128x128xf32, #tpu.memory_space<vmem_shared>>) target_semaphore(%run_scoped3A_776 : memref<!tpu.dma_semaphore, #tpu.memory_space<semaphore_mem>>)
      %dma_wait3A_789 = arith.constant 0 : i32
      %dma_wait3A_790 = arith.constant 0 : i32
      %dma_wait3A_791 = tpu.memref_slice %arg11[%run_scoped3A_20, %dma_wait3A_789, %dma_wait3A_790] : memref<3x128x128xf32, #tpu.memory_space<vmem>> -> memref<1x128x128xf32, #tpu.memory_space<vmem>>
      %dma_wait3A_792 = tpu.memref_squeeze %dma_wait3A_791 : memref<1x128x128xf32, #tpu.memory_space<vmem>> -> memref<128x128xf32, #tpu.memory_space<vmem>>
      %dma_wait3A_793 = arith.constant 0 : i32
      %dma_wait3A_794 = tpu.memref_slice %arg12[%add3A_19, %dma_wait3A_793] : memref<5120x128xf32, #tpu.memory_space<vmem_shared>> -> memref<128x128xf32, #tpu.memory_space<vmem_shared>>
      %dma_wait3A_795 = arith.constant 0 : i32
      %dma_wait3A_796 = tpu.memref_slice %arg12[%add3A_19, %dma_wait3A_795] : memref<5120x128xf32, #tpu.memory_space<vmem_shared>> -> memref<128x128xf32, #tpu.memory_space<vmem_shared>>
      %dma_wait3A_797 = arith.constant 0 : i32
      %dma_wait3A_798 = arith.constant 0 : i32
      %dma_wait3A_799 = tpu.memref_slice %arg11[%run_scoped3A_20, %dma_wait3A_797, %dma_wait3A_798] : memref<3x128x128xf32, #tpu.memory_space<vmem>> -> memref<1x128x128xf32, #tpu.memory_space<vmem>>
      %dma_wait3A_800 = tpu.memref_squeeze %dma_wait3A_799 : memref<1x128x128xf32, #tpu.memory_space<vmem>> -> memref<128x128xf32, #tpu.memory_space<vmem>>
      tpu.wait_dma2 semaphore(%run_scoped3A_776 : memref<!tpu.dma_semaphore, #tpu.memory_space<semaphore_mem>>) src(%dma_wait3A_800 : memref<128x128xf32, #tpu.memory_space<vmem>>) dst(%dma_wait3A_796 : memref<128x128xf32, #tpu.memory_space<vmem_shared>>)
      tpu.yield
    }) : () -> ()
    %add3A_21 = arith.constant 256 : i32
    %add3A_22 = arith.addi %mul3A_10, %add3A_21 : i32
    %run_scoped3A_23 = arith.constant 0 : i32
    "tpu.region"() ({
      %run_scoped3A_776 = tpu.sem_alloc : memref<!tpu.dma_semaphore, #tpu.memory_space<semaphore_mem>>
      %dma_start3A_777 = arith.constant 0 : i32
      %dma_start3A_778 = arith.constant 0 : i32
      %dma_start3A_779 = tpu.memref_slice %arg11[%run_scoped3A_23, %dma_start3A_777, %dma_start3A_778] : memref<3x128x128xf32, #tpu.memory_space<vmem>> -> memref<1x128x128xf32, #tpu.memory_space<vmem>>
      %dma_start3A_780 = tpu.memref_squeeze %dma_start3A_779 : memref<1x128x128xf32, #tpu.memory_space<vmem>> -> memref<128x128xf32, #tpu.memory_space<vmem>>
      %dma_start3A_781 = arith.constant 0 : i32
      %dma_start3A_782 = arith.constant 0 : i32
      %dma_start3A_783 = tpu.memref_slice %dma_start3A_780[%dma_start3A_781, %dma_start3A_782] : memref<128x128xf32, #tpu.memory_space<vmem>> -> memref<64x128xf32, #tpu.memory_space<vmem>>
      %dma_start3A_784 = arith.constant 0 : i32
      %dma_start3A_785 = tpu.memref_slice %arg12[%add3A_22, %dma_start3A_784] : memref<5120x128xf32, #tpu.memory_space<vmem_shared>> -> memref<64x128xf32, #tpu.memory_space<vmem_shared>>
      %dma_start3A_786 = arith.constant 0 : i32
      %dma_start3A_787 = tpu.memref_slice %arg12[%add3A_22, %dma_start3A_786] : memref<5120x128xf32, #tpu.memory_space<vmem_shared>> -> memref<64x128xf32, #tpu.memory_space<vmem_shared>>
      %dma_start3A_788 = arith.constant 0 : i32
      %dma_start3A_789 = arith.constant 0 : i32
      %dma_start3A_790 = tpu.memref_slice %arg11[%run_scoped3A_23, %dma_start3A_788, %dma_start3A_789] : memref<3x128x128xf32, #tpu.memory_space<vmem>> -> memref<1x128x128xf32, #tpu.memory_space<vmem>>
      %dma_start3A_791 = tpu.memref_squeeze %dma_start3A_790 : memref<1x128x128xf32, #tpu.memory_space<vmem>> -> memref<128x128xf32, #tpu.memory_space<vmem>>
      %dma_start3A_792 = arith.constant 0 : i32
      %dma_start3A_793 = arith.constant 0 : i32
      %dma_start3A_794 = tpu.memref_slice %dma_start3A_791[%dma_start3A_792, %dma_start3A_793] : memref<128x128xf32, #tpu.memory_space<vmem>> -> memref<64x128xf32, #tpu.memory_space<vmem>>
      tpu.enqueue_dma source(%dma_start3A_794 : memref<64x128xf32, #tpu.memory_space<vmem>>) target(%dma_start3A_787 : memref<64x128xf32, #tpu.memory_space<vmem_shared>>) target_semaphore(%run_scoped3A_776 : memref<!tpu.dma_semaphore, #tpu.memory_space<semaphore_mem>>)
      %dma_wait3A_795 = arith.constant 0 : i32
      %dma_wait3A_796 = arith.constant 0 : i32
      %dma_wait3A_797 = tpu.memref_slice %arg11[%run_scoped3A_23, %dma_wait3A_795, %dma_wait3A_796] : memref<3x128x128xf32, #tpu.memory_space<vmem>> -> memref<1x128x128xf32, #tpu.memory_space<vmem>>
      %dma_wait3A_798 = tpu.memref_squeeze %dma_wait3A_797 : memref<1x128x128xf32, #tpu.memory_space<vmem>> -> memref<128x128xf32, #tpu.memory_space<vmem>>
      %dma_wait3A_799 = arith.constant 0 : i32
      %dma_wait3A_800 = arith.constant 0 : i32
      %dma_wait3A_801 = tpu.memref_slice %dma_wait3A_798[%dma_wait3A_799, %dma_wait3A_800] : memref<128x128xf32, #tpu.memory_space<vmem>> -> memref<64x128xf32, #tpu.memory_space<vmem>>
      %dma_wait3A_802 = arith.constant 0 : i32
      %dma_wait3A_803 = tpu.memref_slice %arg12[%add3A_22, %dma_wait3A_802] : memref<5120x128xf32, #tpu.memory_space<vmem_shared>> -> memref<64x128xf32, #tpu.memory_space<vmem_shared>>
      %dma_wait3A_804 = arith.constant 0 : i32
      %dma_wait3A_805 = tpu.memref_slice %arg12[%add3A_22, %dma_wait3A_804] : memref<5120x128xf32, #tpu.memory_space<vmem_shared>> -> memref<64x128xf32, #tpu.memory_space<vmem_shared>>
      %dma_wait3A_806 = arith.constant 0 : i32
      %dma_wait3A_807 = arith.constant 0 : i32
      %dma_wait3A_808 = tpu.memref_slice %arg11[%run_scoped3A_23, %dma_wait3A_806, %dma_wait3A_807] : memref<3x128x128xf32, #tpu.memory_space<vmem>> -> memref<1x128x128xf32, #tpu.memory_space<vmem>>
      %dma_wait3A_809 = tpu.memref_squeeze %dma_wait3A_808 : memref<1x128x128xf32, #tpu.memory_space<vmem>> -> memref<128x128xf32, #tpu.memory_space<vmem>>
      %dma_wait3A_810 = arith.constant 0 : i32
      %dma_wait3A_811 = arith.constant 0 : i32
      %dma_wait3A_812 = tpu.memref_slice %dma_wait3A_809[%dma_wait3A_810, %dma_wait3A_811] : memref<128x128xf32, #tpu.memory_space<vmem>> -> memref<64x128xf32, #tpu.memory_space<vmem>>
      tpu.wait_dma2 semaphore(%run_scoped3A_776 : memref<!tpu.dma_semaphore, #tpu.memory_space<semaphore_mem>>) src(%dma_wait3A_812 : memref<64x128xf32, #tpu.memory_space<vmem>>) dst(%dma_wait3A_805 : memref<64x128xf32, #tpu.memory_space<vmem_shared>>)
      tpu.yield
    }) : () -> ()
    %barrier3A = arith.constant 0 : index
    tpu.barrier barrier_id(%barrier3A)
    %get3A = arith.constant 0 : index
    %get3A_24 = tpu.vector_load %arg8[%get3A] {strides = array<i32>} : memref<10240xi32, #tpu.memory_space<vmem>>, vector<16xi32>,
    %get3A_25 = vector.shape_cast %get3A_24 : vector<16xi32> to vector<16xi32>
    %and3A = arith.constant 65535 : i32
    %and3A_26 = vector.broadcast %and3A : i32 to vector<16xi32>
    %and3A_27 = arith.andi %get3A_25, %and3A_26 : vector<16xi32>
    %swap3A = arith.constant 0 : index
    %swap3A_28 = tpu.vector_load %arg10[%swap3A] {strides = array<i32>} : memref<512xi32, #tpu.memory_space<vmem>>, vector<16xi32>,
    %swap3A_29 = vector.shape_cast %swap3A_28 : vector<16xi32> to vector<16xi32>
    %swap3A_30 = vector.shape_cast %and3A_27 : vector<16xi32> to vector<16xi32>
    tpu.vector_store %arg10[%swap3A], %swap3A_30 {strides = array<i32>} : memref<512xi32, #tpu.memory_space<vmem>>, vector<16xi32>,
    %shift_right_logical3A = arith.constant 16 : i32
    %shift_right_logical3A_31 = vector.broadcast %shift_right_logical3A : i32 to vector<16xi32>
    %shift_right_logical3A_32 = arith.shrui %get3A_25, %shift_right_logical3A_31 : vector<16xi32>
    %swap3A_33 = arith.constant 16 : index
    %swap3A_34 = tpu.vector_load %arg10[%swap3A_33] {strides = array<i32>} : memref<512xi32, #tpu.memory_space<vmem>>, vector<16xi32>,
    %swap3A_35 = vector.shape_cast %swap3A_34 : vector<16xi32> to vector<16xi32>
    %swap3A_36 = vector.shape_cast %shift_right_logical3A_32 : vector<16xi32> to vector<16xi32>
    tpu.vector_store %arg10[%swap3A_33], %swap3A_36 {strides = array<i32>} : memref<512xi32, #tpu.memory_space<vmem>>, vector<16xi32>,
    %get3A_37 = arith.constant 16 : index
    %get3A_38 = tpu.vector_load %arg8[%get3A_37] {strides = array<i32>} : memref<10240xi32, #tpu.memory_space<vmem>>, vector<16xi32>,
    %get3A_39 = vector.shape_cast %get3A_38 : vector<16xi32> to vector<16xi32>
    %and3A_40 = arith.constant 65535 : i32
    %and3A_41 = vector.broadcast %and3A_40 : i32 to vector<16xi32>
    %and3A_42 = arith.andi %get3A_39, %and3A_41 : vector<16xi32>
    %swap3A_43 = arith.constant 32 : index
    %swap3A_44 = tpu.vector_load %arg10[%swap3A_43] {strides = array<i32>} : memref<512xi32, #tpu.memory_space<vmem>>, vector<16xi32>,
    %swap3A_45 = vector.shape_cast %swap3A_44 : vector<16xi32> to vector<16xi32>
    %swap3A_46 = vector.shape_cast %and3A_42 : vector<16xi32> to vector<16xi32>
    tpu.vector_store %arg10[%swap3A_43], %swap3A_46 {strides = array<i32>} : memref<512xi32, #tpu.memory_space<vmem>>, vector<16xi32>,
    %shift_right_logical3A_47 = arith.constant 16 : i32
    %shift_right_logical3A_48 = vector.broadcast %shift_right_logical3A_47 : i32 to vector<16xi32>
    %shift_right_logical3A_49 = arith.shrui %get3A_39, %shift_right_logical3A_48 : vector<16xi32>
    %swap3A_50 = arith.constant 48 : index
    %swap3A_51 = tpu.vector_load %arg10[%swap3A_50] {strides = array<i32>} : memref<512xi32, #tpu.memory_space<vmem>>, vector<16xi32>,
    %swap3A_52 = vector.shape_cast %swap3A_51 : vector<16xi32> to vector<16xi32>
    %swap3A_53 = vector.shape_cast %shift_right_logical3A_49 : vector<16xi32> to vector<16xi32>
    tpu.vector_store %arg10[%swap3A_50], %swap3A_53 {strides = array<i32>} : memref<512xi32, #tpu.memory_space<vmem>>, vector<16xi32>,
    %get3A_54 = arith.constant 32 : index
    %get3A_55 = tpu.vector_load %arg8[%get3A_54] {strides = array<i32>} : memref<10240xi32, #tpu.memory_space<vmem>>, vector<16xi32>,
    %get3A_56 = vector.shape_cast %get3A_55 : vector<16xi32> to vector<16xi32>
    %and3A_57 = arith.constant 65535 : i32
    %and3A_58 = vector.broadcast %and3A_57 : i32 to vector<16xi32>
    %and3A_59 = arith.andi %get3A_56, %and3A_58 : vector<16xi32>
    %swap3A_60 = arith.constant 64 : index
    %swap3A_61 = tpu.vector_load %arg10[%swap3A_60] {strides = array<i32>} : memref<512xi32, #tpu.memory_space<vmem>>, vector<16xi32>,
    %swap3A_62 = vector.shape_cast %swap3A_61 : vector<16xi32> to vector<16xi32>
    %swap3A_63 = vector.shape_cast %and3A_59 : vector<16xi32> to vector<16xi32>
    tpu.vector_store %arg10[%swap3A_60], %swap3A_63 {strides = array<i32>} : memref<512xi32, #tpu.memory_space<vmem>>, vector<16xi32>,
    %shift_right_logical3A_64 = arith.constant 16 : i32
    %shift_right_logical3A_65 = vector.broadcast %shift_right_logical3A_64 : i32 to vector<16xi32>
    %shift_right_logical3A_66 = arith.shrui %get3A_56, %shift_right_logical3A_65 : vector<16xi32>
    %swap3A_67 = arith.constant 80 : index
    %swap3A_68 = tpu.vector_load %arg10[%swap3A_67] {strides = array<i32>} : memref<512xi32, #tpu.memory_space<vmem>>, vector<16xi32>,
    %swap3A_69 = vector.shape_cast %swap3A_68 : vector<16xi32> to vector<16xi32>
    %swap3A_70 = vector.shape_cast %shift_right_logical3A_66 : vector<16xi32> to vector<16xi32>
    tpu.vector_store %arg10[%swap3A_67], %swap3A_70 {strides = array<i32>} : memref<512xi32, #tpu.memory_space<vmem>>, vector<16xi32>,
    %get3A_71 = arith.constant 48 : index
    %get3A_72 = tpu.vector_load %arg8[%get3A_71] {strides = array<i32>} : memref<10240xi32, #tpu.memory_space<vmem>>, vector<16xi32>,
    %get3A_73 = vector.shape_cast %get3A_72 : vector<16xi32> to vector<16xi32>
    %and3A_74 = arith.constant 65535 : i32
    %and3A_75 = vector.broadcast %and3A_74 : i32 to vector<16xi32>
    %and3A_76 = arith.andi %get3A_73, %and3A_75 : vector<16xi32>
    %swap3A_77 = arith.constant 96 : index
    %swap3A_78 = tpu.vector_load %arg10[%swap3A_77] {strides = array<i32>} : memref<512xi32, #tpu.memory_space<vmem>>, vector<16xi32>,
    %swap3A_79 = vector.shape_cast %swap3A_78 : vector<16xi32> to vector<16xi32>
    %swap3A_80 = vector.shape_cast %and3A_76 : vector<16xi32> to vector<16xi32>
    tpu.vector_store %arg10[%swap3A_77], %swap3A_80 {strides = array<i32>} : memref<512xi32, #tpu.memory_space<vmem>>, vector<16xi32>,
    %shift_right_logical3A_81 = arith.constant 16 : i32
    %shift_right_logical3A_82 = vector.broadcast %shift_right_logical3A_81 : i32 to vector<16xi32>
    %shift_right_logical3A_83 = arith.shrui %get3A_73, %shift_right_logical3A_82 : vector<16xi32>
    %swap3A_84 = arith.constant 112 : index
    %swap3A_85 = tpu.vector_load %arg10[%swap3A_84] {strides = array<i32>} : memref<512xi32, #tpu.memory_space<vmem>>, vector<16xi32>,
    %swap3A_86 = vector.shape_cast %swap3A_85 : vector<16xi32> to vector<16xi32>
    %swap3A_87 = vector.shape_cast %shift_right_logical3A_83 : vector<16xi32> to vector<16xi32>
    tpu.vector_store %arg10[%swap3A_84], %swap3A_87 {strides = array<i32>} : memref<512xi32, #tpu.memory_space<vmem>>, vector<16xi32>,
    %dma_start3A = arith.constant 0 : i32
    %dma_start3A_88 = arith.constant 0 : i32
    %dma_start3A_89 = arith.constant 0 : i32
    %dma_start3A_90 = tpu.memref_slice %arg11[%dma_start3A, %dma_start3A_88, %dma_start3A_89] : memref<3x128x128xf32, #tpu.memory_space<vmem>> -> memref<1x128x128xf32, #tpu.memory_space<vmem>>
    %dma_start3A_91 = tpu.memref_squeeze %dma_start3A_90 : memref<1x128x128xf32, #tpu.memory_space<vmem>> -> memref<128x128xf32, #tpu.memory_space<vmem>>
    %dma_start3A_92 = arith.constant 0 : i32
    %dma_start3A_93 = tpu.memref_slice %arg10[%dma_start3A_92] : memref<512xi32, #tpu.memory_space<vmem>> -> memref<128xi32, #tpu.memory_space<vmem>>
    %dma_start3A_94 = arith.constant 0 : i32
    %dma_start3A_95 = arith.constant 0 : i32
    %dma_start3A_96 = tpu.memref_slice %arg2[%dma_start3A_94, %dma_start3A_95] : memref<10000x128xf32, #tpu.memory_space<hbm>> -> memref<10000x128xf32, #tpu.memory_space<hbm>>
    %dma_start3A_97 = arith.constant 65535 : i32
    tpu.enqueue_indirect_dma source(%dma_start3A_96 : memref<10000x128xf32, #tpu.memory_space<hbm>>) target(%dma_start3A_91 : memref<128x128xf32, #tpu.memory_space<vmem>>) offsets(%dma_start3A_93 : memref<128xi32, #tpu.memory_space<vmem>>) offset_filter(%dma_start3A_97) semaphore(%arg13 : memref<!tpu.dma_semaphore, #tpu.memory_space<semaphore_mem>>)
    %get3A_98 = arith.constant 64 : index
    %get3A_99 = tpu.vector_load %arg8[%get3A_98] {strides = array<i32>} : memref<10240xi32, #tpu.memory_space<vmem>>, vector<16xi32>,
    %get3A_100 = vector.shape_cast %get3A_99 : vector<16xi32> to vector<16xi32>
    %and3A_101 = arith.constant 65535 : i32
    %and3A_102 = vector.broadcast %and3A_101 : i32 to vector<16xi32>
    %and3A_103 = arith.andi %get3A_100, %and3A_102 : vector<16xi32>
    %swap3A_104 = arith.constant 128 : index
    %swap3A_105 = tpu.vector_load %arg10[%swap3A_104] {strides = array<i32>} : memref<512xi32, #tpu.memory_space<vmem>>, vector<16xi32>,
    %swap3A_106 = vector.shape_cast %swap3A_105 : vector<16xi32> to vector<16xi32>
    %swap3A_107 = vector.shape_cast %and3A_103 : vector<16xi32> to vector<16xi32>
    tpu.vector_store %arg10[%swap3A_104], %swap3A_107 {strides = array<i32>} : memref<512xi32, #tpu.memory_space<vmem>>, vector<16xi32>,
    %shift_right_logical3A_108 = arith.constant 16 : i32
    %shift_right_logical3A_109 = vector.broadcast %shift_right_logical3A_108 : i32 to vector<16xi32>
    %shift_right_logical3A_110 = arith.shrui %get3A_100, %shift_right_logical3A_109 : vector<16xi32>
    %swap3A_111 = arith.constant 144 : index
    %swap3A_112 = tpu.vector_load %arg10[%swap3A_111] {strides = array<i32>} : memref<512xi32, #tpu.memory_space<vmem>>, vector<16xi32>,
    %swap3A_113 = vector.shape_cast %swap3A_112 : vector<16xi32> to vector<16xi32>
    %swap3A_114 = vector.shape_cast %shift_right_logical3A_110 : vector<16xi32> to vector<16xi32>
    tpu.vector_store %arg10[%swap3A_111], %swap3A_114 {strides = array<i32>} : memref<512xi32, #tpu.memory_space<vmem>>, vector<16xi32>,
    %get3A_115 = arith.constant 80 : index
    %get3A_116 = tpu.vector_load %arg8[%get3A_115] {strides = array<i32>} : memref<10240xi32, #tpu.memory_space<vmem>>, vector<16xi32>,
    %get3A_117 = vector.shape_cast %get3A_116 : vector<16xi32> to vector<16xi32>
    %and3A_118 = arith.constant 65535 : i32
    %and3A_119 = vector.broadcast %and3A_118 : i32 to vector<16xi32>
    %and3A_120 = arith.andi %get3A_117, %and3A_119 : vector<16xi32>
    %swap3A_121 = arith.constant 160 : index
    %swap3A_122 = tpu.vector_load %arg10[%swap3A_121] {strides = array<i32>} : memref<512xi32, #tpu.memory_space<vmem>>, vector<16xi32>,
    %swap3A_123 = vector.shape_cast %swap3A_122 : vector<16xi32> to vector<16xi32>
    %swap3A_124 = vector.shape_cast %and3A_120 : vector<16xi32> to vector<16xi32>
    tpu.vector_store %arg10[%swap3A_121], %swap3A_124 {strides = array<i32>} : memref<512xi32, #tpu.memory_space<vmem>>, vector<16xi32>,
    %shift_right_logical3A_125 = arith.constant 16 : i32
    %shift_right_logical3A_126 = vector.broadcast %shift_right_logical3A_125 : i32 to vector<16xi32>
    %shift_right_logical3A_127 = arith.shrui %get3A_117, %shift_right_logical3A_126 : vector<16xi32>
    %swap3A_128 = arith.constant 176 : index
    %swap3A_129 = tpu.vector_load %arg10[%swap3A_128] {strides = array<i32>} : memref<512xi32, #tpu.memory_space<vmem>>, vector<16xi32>,
    %swap3A_130 = vector.shape_cast %swap3A_129 : vector<16xi32> to vector<16xi32>
    %swap3A_131 = vector.shape_cast %shift_right_logical3A_127 : vector<16xi32> to vector<16xi32>
    tpu.vector_store %arg10[%swap3A_128], %swap3A_131 {strides = array<i32>} : memref<512xi32, #tpu.memory_space<vmem>>, vector<16xi32>,
    %get3A_132 = arith.constant 96 : index
    %get3A_133 = tpu.vector_load %arg8[%get3A_132] {strides = array<i32>} : memref<10240xi32, #tpu.memory_space<vmem>>, vector<16xi32>,
    %get3A_134 = vector.shape_cast %get3A_133 : vector<16xi32> to vector<16xi32>
    %and3A_135 = arith.constant 65535 : i32
    %and3A_136 = vector.broadcast %and3A_135 : i32 to vector<16xi32>
    %and3A_137 = arith.andi %get3A_134, %and3A_136 : vector<16xi32>
    %swap3A_138 = arith.constant 192 : index
    %swap3A_139 = tpu.vector_load %arg10[%swap3A_138] {strides = array<i32>} : memref<512xi32, #tpu.memory_space<vmem>>, vector<16xi32>,
    %swap3A_140 = vector.shape_cast %swap3A_139 : vector<16xi32> to vector<16xi32>
    %swap3A_141 = vector.shape_cast %and3A_137 : vector<16xi32> to vector<16xi32>
    tpu.vector_store %arg10[%swap3A_138], %swap3A_141 {strides = array<i32>} : memref<512xi32, #tpu.memory_space<vmem>>, vector<16xi32>,
    %shift_right_logical3A_142 = arith.constant 16 : i32
    %shift_right_logical3A_143 = vector.broadcast %shift_right_logical3A_142 : i32 to vector<16xi32>
    %shift_right_logical3A_144 = arith.shrui %get3A_134, %shift_right_logical3A_143 : vector<16xi32>
    %swap3A_145 = arith.constant 208 : index
    %swap3A_146 = tpu.vector_load %arg10[%swap3A_145] {strides = array<i32>} : memref<512xi32, #tpu.memory_space<vmem>>, vector<16xi32>,
    %swap3A_147 = vector.shape_cast %swap3A_146 : vector<16xi32> to vector<16xi32>
    %swap3A_148 = vector.shape_cast %shift_right_logical3A_144 : vector<16xi32> to vector<16xi32>
    tpu.vector_store %arg10[%swap3A_145], %swap3A_148 {strides = array<i32>} : memref<512xi32, #tpu.memory_space<vmem>>, vector<16xi32>,
    %get3A_149 = arith.constant 112 : index
    %get3A_150 = tpu.vector_load %arg8[%get3A_149] {strides = array<i32>} : memref<10240xi32, #tpu.memory_space<vmem>>, vector<16xi32>,
    %get3A_151 = vector.shape_cast %get3A_150 : vector<16xi32> to vector<16xi32>
    %and3A_152 = arith.constant 65535 : i32
    %and3A_153 = vector.broadcast %and3A_152 : i32 to vector<16xi32>
    %and3A_154 = arith.andi %get3A_151, %and3A_153 : vector<16xi32>
    %swap3A_155 = arith.constant 224 : index
    %swap3A_156 = tpu.vector_load %arg10[%swap3A_155] {strides = array<i32>} : memref<512xi32, #tpu.memory_space<vmem>>, vector<16xi32>,
    %swap3A_157 = vector.shape_cast %swap3A_156 : vector<16xi32> to vector<16xi32>
    %swap3A_158 = vector.shape_cast %and3A_154 : vector<16xi32> to vector<16xi32>
    tpu.vector_store %arg10[%swap3A_155], %swap3A_158 {strides = array<i32>} : memref<512xi32, #tpu.memory_space<vmem>>, vector<16xi32>,
    %shift_right_logical3A_159 = arith.constant 16 : i32
    %shift_right_logical3A_160 = vector.broadcast %shift_right_logical3A_159 : i32 to vector<16xi32>
    %shift_right_logical3A_161 = arith.shrui %get3A_151, %shift_right_logical3A_160 : vector<16xi32>
    %swap3A_162 = arith.constant 240 : index
    %swap3A_163 = tpu.vector_load %arg10[%swap3A_162] {strides = array<i32>} : memref<512xi32, #tpu.memory_space<vmem>>, vector<16xi32>,
    %swap3A_164 = vector.shape_cast %swap3A_163 : vector<16xi32> to vector<16xi32>
    %swap3A_165 = vector.shape_cast %shift_right_logical3A_161 : vector<16xi32> to vector<16xi32>
    tpu.vector_store %arg10[%swap3A_162], %swap3A_165 {strides = array<i32>} : memref<512xi32, #tpu.memory_space<vmem>>, vector<16xi32>,
    %dma_start3A_166 = arith.constant 1 : i32
    %dma_start3A_167 = arith.constant 0 : i32
    %dma_start3A_168 = arith.constant 0 : i32
    %dma_start3A_169 = tpu.memref_slice %arg11[%dma_start3A_166, %dma_start3A_167, %dma_start3A_168] : memref<3x128x128xf32, #tpu.memory_space<vmem>> -> memref<1x128x128xf32, #tpu.memory_space<vmem>>
    %dma_start3A_170 = tpu.memref_squeeze %dma_start3A_169 : memref<1x128x128xf32, #tpu.memory_space<vmem>> -> memref<128x128xf32, #tpu.memory_space<vmem>>
    %dma_start3A_171 = arith.constant 128 : i32
    %dma_start3A_172 = tpu.memref_slice %arg10[%dma_start3A_171] : memref<512xi32, #tpu.memory_space<vmem>> -> memref<128xi32, #tpu.memory_space<vmem>>
    %dma_start3A_173 = arith.constant 0 : i32
    %dma_start3A_174 = arith.constant 0 : i32
    %dma_start3A_175 = tpu.memref_slice %arg2[%dma_start3A_173, %dma_start3A_174] : memref<10000x128xf32, #tpu.memory_space<hbm>> -> memref<10000x128xf32, #tpu.memory_space<hbm>>
    %dma_start3A_176 = arith.constant 65535 : i32
    tpu.enqueue_indirect_dma source(%dma_start3A_175 : memref<10000x128xf32, #tpu.memory_space<hbm>>) target(%dma_start3A_170 : memref<128x128xf32, #tpu.memory_space<vmem>>) offsets(%dma_start3A_172 : memref<128xi32, #tpu.memory_space<vmem>>) offset_filter(%dma_start3A_176) semaphore(%arg14 : memref<!tpu.dma_semaphore, #tpu.memory_space<semaphore_mem>>)
    %get3A_177 = arith.constant 128 : index
    %get3A_178 = tpu.vector_load %arg8[%get3A_177] {strides = array<i32>} : memref<10240xi32, #tpu.memory_space<vmem>>, vector<16xi32>,
    %get3A_179 = vector.shape_cast %get3A_178 : vector<16xi32> to vector<16xi32>
    %and3A_180 = arith.constant 65535 : i32
    %and3A_181 = vector.broadcast %and3A_180 : i32 to vector<16xi32>
    %and3A_182 = arith.andi %get3A_179, %and3A_181 : vector<16xi32>
    %swap3A_183 = arith.constant 256 : index
    %swap3A_184 = tpu.vector_load %arg10[%swap3A_183] {strides = array<i32>} : memref<512xi32, #tpu.memory_space<vmem>>, vector<16xi32>,
    %swap3A_185 = vector.shape_cast %swap3A_184 : vector<16xi32> to vector<16xi32>
    %swap3A_186 = vector.shape_cast %and3A_182 : vector<16xi32> to vector<16xi32>
    tpu.vector_store %arg10[%swap3A_183], %swap3A_186 {strides = array<i32>} : memref<512xi32, #tpu.memory_space<vmem>>, vector<16xi32>,
    %shift_right_logical3A_187 = arith.constant 16 : i32
    %shift_right_logical3A_188 = vector.broadcast %shift_right_logical3A_187 : i32 to vector<16xi32>
    %shift_right_logical3A_189 = arith.shrui %get3A_179, %shift_right_logical3A_188 : vector<16xi32>
    %swap3A_190 = arith.constant 272 : index
    %swap3A_191 = tpu.vector_load %arg10[%swap3A_190] {strides = array<i32>} : memref<512xi32, #tpu.memory_space<vmem>>, vector<16xi32>,
    %swap3A_192 = vector.shape_cast %swap3A_191 : vector<16xi32> to vector<16xi32>
    %swap3A_193 = vector.shape_cast %shift_right_logical3A_189 : vector<16xi32> to vector<16xi32>
    tpu.vector_store %arg10[%swap3A_190], %swap3A_193 {strides = array<i32>} : memref<512xi32, #tpu.memory_space<vmem>>, vector<16xi32>,
    %get3A_194 = arith.constant 144 : index
    %get3A_195 = tpu.vector_load %arg8[%get3A_194] {strides = array<i32>} : memref<10240xi32, #tpu.memory_space<vmem>>, vector<16xi32>,
    %get3A_196 = vector.shape_cast %get3A_195 : vector<16xi32> to vector<16xi32>
    %and3A_197 = arith.constant 65535 : i32
    %and3A_198 = vector.broadcast %and3A_197 : i32 to vector<16xi32>
    %and3A_199 = arith.andi %get3A_196, %and3A_198 : vector<16xi32>
    %swap3A_200 = arith.constant 288 : index
    %swap3A_201 = tpu.vector_load %arg10[%swap3A_200] {strides = array<i32>} : memref<512xi32, #tpu.memory_space<vmem>>, vector<16xi32>,
    %swap3A_202 = vector.shape_cast %swap3A_201 : vector<16xi32> to vector<16xi32>
    %swap3A_203 = vector.shape_cast %and3A_199 : vector<16xi32> to vector<16xi32>
    tpu.vector_store %arg10[%swap3A_200], %swap3A_203 {strides = array<i32>} : memref<512xi32, #tpu.memory_space<vmem>>, vector<16xi32>,
    %shift_right_logical3A_204 = arith.constant 16 : i32
    %shift_right_logical3A_205 = vector.broadcast %shift_right_logical3A_204 : i32 to vector<16xi32>
    %shift_right_logical3A_206 = arith.shrui %get3A_196, %shift_right_logical3A_205 : vector<16xi32>
    %swap3A_207 = arith.constant 304 : index
    %swap3A_208 = tpu.vector_load %arg10[%swap3A_207] {strides = array<i32>} : memref<512xi32, #tpu.memory_space<vmem>>, vector<16xi32>,
    %swap3A_209 = vector.shape_cast %swap3A_208 : vector<16xi32> to vector<16xi32>
    %swap3A_210 = vector.shape_cast %shift_right_logical3A_206 : vector<16xi32> to vector<16xi32>
    tpu.vector_store %arg10[%swap3A_207], %swap3A_210 {strides = array<i32>} : memref<512xi32, #tpu.memory_space<vmem>>, vector<16xi32>,
    %get3A_211 = arith.constant 160 : index
    %get3A_212 = tpu.vector_load %arg8[%get3A_211] {strides = array<i32>} : memref<10240xi32, #tpu.memory_space<vmem>>, vector<16xi32>,
    %get3A_213 = vector.shape_cast %get3A_212 : vector<16xi32> to vector<16xi32>
    %and3A_214 = arith.constant 65535 : i32
    %and3A_215 = vector.broadcast %and3A_214 : i32 to vector<16xi32>
    %and3A_216 = arith.andi %get3A_213, %and3A_215 : vector<16xi32>
    %swap3A_217 = arith.constant 320 : index
    %swap3A_218 = tpu.vector_load %arg10[%swap3A_217] {strides = array<i32>} : memref<512xi32, #tpu.memory_space<vmem>>, vector<16xi32>,
    %swap3A_219 = vector.shape_cast %swap3A_218 : vector<16xi32> to vector<16xi32>
    %swap3A_220 = vector.shape_cast %and3A_216 : vector<16xi32> to vector<16xi32>
    tpu.vector_store %arg10[%swap3A_217], %swap3A_220 {strides = array<i32>} : memref<512xi32, #tpu.memory_space<vmem>>, vector<16xi32>,
    %shift_right_logical3A_221 = arith.constant 16 : i32
    %shift_right_logical3A_222 = vector.broadcast %shift_right_logical3A_221 : i32 to vector<16xi32>
    %shift_right_logical3A_223 = arith.shrui %get3A_213, %shift_right_logical3A_222 : vector<16xi32>
    %swap3A_224 = arith.constant 336 : index
    %swap3A_225 = tpu.vector_load %arg10[%swap3A_224] {strides = array<i32>} : memref<512xi32, #tpu.memory_space<vmem>>, vector<16xi32>,
    %swap3A_226 = vector.shape_cast %swap3A_225 : vector<16xi32> to vector<16xi32>
    %swap3A_227 = vector.shape_cast %shift_right_logical3A_223 : vector<16xi32> to vector<16xi32>
    tpu.vector_store %arg10[%swap3A_224], %swap3A_227 {strides = array<i32>} : memref<512xi32, #tpu.memory_space<vmem>>, vector<16xi32>,
    %get3A_228 = arith.constant 176 : index
    %get3A_229 = tpu.vector_load %arg8[%get3A_228] {strides = array<i32>} : memref<10240xi32, #tpu.memory_space<vmem>>, vector<16xi32>,
    %get3A_230 = vector.shape_cast %get3A_229 : vector<16xi32> to vector<16xi32>
    %and3A_231 = arith.constant 65535 : i32
    %and3A_232 = vector.broadcast %and3A_231 : i32 to vector<16xi32>
    %and3A_233 = arith.andi %get3A_230, %and3A_232 : vector<16xi32>
    %swap3A_234 = arith.constant 352 : index
    %swap3A_235 = tpu.vector_load %arg10[%swap3A_234] {strides = array<i32>} : memref<512xi32, #tpu.memory_space<vmem>>, vector<16xi32>,
    %swap3A_236 = vector.shape_cast %swap3A_235 : vector<16xi32> to vector<16xi32>
    %swap3A_237 = vector.shape_cast %and3A_233 : vector<16xi32> to vector<16xi32>
    tpu.vector_store %arg10[%swap3A_234], %swap3A_237 {strides = array<i32>} : memref<512xi32, #tpu.memory_space<vmem>>, vector<16xi32>,
    %shift_right_logical3A_238 = arith.constant 16 : i32
    %shift_right_logical3A_239 = vector.broadcast %shift_right_logical3A_238 : i32 to vector<16xi32>
    %shift_right_logical3A_240 = arith.shrui %get3A_230, %shift_right_logical3A_239 : vector<16xi32>
    %swap3A_241 = arith.constant 368 : index
    %swap3A_242 = tpu.vector_load %arg10[%swap3A_241] {strides = array<i32>} : memref<512xi32, #tpu.memory_space<vmem>>, vector<16xi32>,
    %swap3A_243 = vector.shape_cast %swap3A_242 : vector<16xi32> to vector<16xi32>
    %swap3A_244 = vector.shape_cast %shift_right_logical3A_240 : vector<16xi32> to vector<16xi32>
    tpu.vector_store %arg10[%swap3A_241], %swap3A_244 {strides = array<i32>} : memref<512xi32, #tpu.memory_space<vmem>>, vector<16xi32>,
    %dma_start3A_245 = arith.constant 2 : i32
    %dma_start3A_246 = arith.constant 0 : i32
    %dma_start3A_247 = arith.constant 0 : i32
    %dma_start3A_248 = tpu.memref_slice %arg11[%dma_start3A_245, %dma_start3A_246, %dma_start3A_247] : memref<3x128x128xf32, #tpu.memory_space<vmem>> -> memref<1x128x128xf32, #tpu.memory_space<vmem>>
    %dma_start3A_249 = tpu.memref_squeeze %dma_start3A_248 : memref<1x128x128xf32, #tpu.memory_space<vmem>> -> memref<128x128xf32, #tpu.memory_space<vmem>>
    %dma_start3A_250 = arith.constant 256 : i32
    %dma_start3A_251 = tpu.memref_slice %arg10[%dma_start3A_250] : memref<512xi32, #tpu.memory_space<vmem>> -> memref<128xi32, #tpu.memory_space<vmem>>
    %dma_start3A_252 = arith.constant 0 : i32
    %dma_start3A_253 = arith.constant 0 : i32
    %dma_start3A_254 = tpu.memref_slice %arg2[%dma_start3A_252, %dma_start3A_253] : memref<10000x128xf32, #tpu.memory_space<hbm>> -> memref<10000x128xf32, #tpu.memory_space<hbm>>
    %dma_start3A_255 = arith.constant 65535 : i32
    tpu.enqueue_indirect_dma source(%dma_start3A_254 : memref<10000x128xf32, #tpu.memory_space<hbm>>) target(%dma_start3A_249 : memref<128x128xf32, #tpu.memory_space<vmem>>) offsets(%dma_start3A_251 : memref<128xi32, #tpu.memory_space<vmem>>) offset_filter(%dma_start3A_255) semaphore(%arg15 : memref<!tpu.dma_semaphore, #tpu.memory_space<semaphore_mem>>)
    %scan3A_256 = arith.constant 0 : i32
    %scan3A_257 = arith.constant 52 : i32
    %scan3A_258 = arith.addi %scan3A_256, %scan3A_257 : i32
    %scan3A_259 = arith.constant 1 : i32
    scf.for %scan3A_776 = %scan3A_256 to %scan3A_258 step %scan3A_259  : i32 {
      %mul3A_777 = arith.constant 3 : i32
      %mul3A_778 = arith.muli %scan3A_776, %mul3A_777 : i32
      %add3A_779 = arith.constant 0 : i32
      %add3A_780 = arith.addi %mul3A_778, %add3A_779 : i32
      %and3A_781 = arith.constant 3 : i32
      %and3A_782 = arith.andi %add3A_780, %and3A_781 : i32
      %mul3A_783 = arith.constant 128 : i32
      %mul3A_784 = arith.muli %and3A_782, %mul3A_783 : i32
      %dma_wait3A_785 = arith.constant 0 : i32
      %dma_wait3A_786 = arith.constant 0 : i32
      %dma_wait3A_787 = arith.constant 0 : i32
      %dma_wait3A_788 = tpu.memref_slice %arg11[%dma_wait3A_785, %dma_wait3A_786, %dma_wait3A_787] : memref<3x128x128xf32, #tpu.memory_space<vmem>> -> memref<1x128x128xf32, #tpu.memory_space<vmem>>
      %dma_wait3A_789 = tpu.memref_squeeze %dma_wait3A_788 : memref<1x128x128xf32, #tpu.memory_space<vmem>> -> memref<128x128xf32, #tpu.memory_space<vmem>>
      %dma_wait3A_790 = tpu.memref_slice %arg10[%mul3A_784] : memref<512xi32, #tpu.memory_space<vmem>> -> memref<128xi32, #tpu.memory_space<vmem>>
      %dma_wait3A_791 = arith.constant 0 : i32
      %dma_wait3A_792 = arith.constant 0 : i32
      %dma_wait3A_793 = tpu.memref_slice %arg2[%dma_wait3A_791, %dma_wait3A_792] : memref<10000x128xf32, #tpu.memory_space<hbm>> -> memref<10000x128xf32, #tpu.memory_space<hbm>>
      tpu.wait_indirect_dma semaphore(%arg13 : memref<!tpu.dma_semaphore, #tpu.memory_space<semaphore_mem>>) src(%dma_wait3A_793 : memref<10000x128xf32, #tpu.memory_space<hbm>>) dst(%dma_wait3A_789 : memref<128x128xf32, #tpu.memory_space<vmem>>)
      %run_scoped3A_794 = arith.constant 0 : i32
      "tpu.region"() ({
        %run_scoped3A_1217 = tpu.sem_alloc : memref<!tpu.dma_semaphore, #tpu.memory_space<semaphore_mem>>
        %dma_start3A_1218 = arith.constant 0 : i32
        %dma_start3A_1219 = arith.constant 0 : i32
        %dma_start3A_1220 = tpu.memref_slice %arg11[%run_scoped3A_794, %dma_start3A_1218, %dma_start3A_1219] : memref<3x128x128xf32, #tpu.memory_space<vmem>> -> memref<1x128x128xf32, #tpu.memory_space<vmem>>
        %dma_start3A_1221 = tpu.memref_squeeze %dma_start3A_1220 : memref<1x128x128xf32, #tpu.memory_space<vmem>> -> memref<128x128xf32, #tpu.memory_space<vmem>>
        %dma_start3A_1222 = arith.constant 0 : i32
        %dma_start3A_1223 = tpu.memref_slice %arg9[%add3A_780, %dma_start3A_1222] : memref<160x128xi32, #tpu.memory_space<vmem>> -> memref<1x128xi32, #tpu.memory_space<vmem>>
        %dma_start3A_1224 = tpu.memref_squeeze %dma_start3A_1223 : memref<1x128xi32, #tpu.memory_space<vmem>> -> memref<128xi32, #tpu.memory_space<vmem>>
        %dma_start3A_1225 = arith.constant 0 : i32
        %dma_start3A_1226 = arith.constant 0 : i32
        %dma_start3A_1227 = tpu.memref_slice %arg12[%dma_start3A_1225, %dma_start3A_1226] : memref<5120x128xf32, #tpu.memory_space<vmem_shared>> -> memref<5120x128xf32, #tpu.memory_space<vmem_shared>>
        %dma_start3A_1228 = arith.constant -1 : i32
        tpu.enqueue_indirect_dma source(%dma_start3A_1221 : memref<128x128xf32, #tpu.memory_space<vmem>>) target(%dma_start3A_1227 : memref<5120x128xf32, #tpu.memory_space<vmem_shared>>) offsets(%dma_start3A_1224 : memref<128xi32, #tpu.memory_space<vmem>>) offset_filter(%dma_start3A_1228) semaphore(%run_scoped3A_1217 : memref<!tpu.dma_semaphore, #tpu.memory_space<semaphore_mem>>) {add = true}
        %dma_wait3A_1229 = arith.constant 0 : i32
        %dma_wait3A_1230 = arith.constant 0 : i32
        %dma_wait3A_1231 = tpu.memref_slice %arg11[%run_scoped3A_794, %dma_wait3A_1229, %dma_wait3A_1230] : memref<3x128x128xf32, #tpu.memory_space<vmem>> -> memref<1x128x128xf32, #tpu.memory_space<vmem>>
        %dma_wait3A_1232 = tpu.memref_squeeze %dma_wait3A_1231 : memref<1x128x128xf32, #tpu.memory_space<vmem>> -> memref<128x128xf32, #tpu.memory_space<vmem>>
        %dma_wait3A_1233 = arith.constant 0 : i32
        %dma_wait3A_1234 = tpu.memref_slice %arg9[%add3A_780, %dma_wait3A_1233] : memref<160x128xi32, #tpu.memory_space<vmem>> -> memref<1x128xi32, #tpu.memory_space<vmem>>
        %dma_wait3A_1235 = tpu.memref_squeeze %dma_wait3A_1234 : memref<1x128xi32, #tpu.memory_space<vmem>> -> memref<128xi32, #tpu.memory_space<vmem>>
        %dma_wait3A_1236 = arith.constant 0 : i32
        %dma_wait3A_1237 = arith.constant 0 : i32
        %dma_wait3A_1238 = tpu.memref_slice %arg12[%dma_wait3A_1236, %dma_wait3A_1237] : memref<5120x128xf32, #tpu.memory_space<vmem_shared>> -> memref<5120x128xf32, #tpu.memory_space<vmem_shared>>
        tpu.wait_indirect_dma semaphore(%run_scoped3A_1217 : memref<!tpu.dma_semaphore, #tpu.memory_space<semaphore_mem>>) src(%dma_wait3A_1232 : memref<128x128xf32, #tpu.memory_space<vmem>>) dst(%dma_wait3A_1238 : memref<5120x128xf32, #tpu.memory_space<vmem_shared>>)
        tpu.yield
      }) : () -> ()
      %add3A_795 = arith.constant 3 : i32
      %add3A_796 = arith.addi %add3A_780, %add3A_795 : i32
      %and3A_797 = arith.constant 3 : i32
      %and3A_798 = arith.andi %add3A_796, %and3A_797 : i32
      %mul3A_799 = arith.constant 128 : i32
      %mul3A_800 = arith.muli %and3A_798, %mul3A_799 : i32
      %mul3A_801 = arith.constant 64 : i32
      %mul3A_802 = arith.muli %add3A_796, %mul3A_801 : i32
      %add3A_803 = arith.constant 0 : i32
      %add3A_804 = arith.addi %mul3A_802, %add3A_803 : i32
      %get3A_805 = arith.index_cast %add3A_804 : i32 to index
      %get3A_806 = tpu.vector_load %arg8[%get3A_805] {strides = array<i32>} : memref<10240xi32, #tpu.memory_space<vmem>>, vector<16xi32>,
      %get3A_807 = vector.shape_cast %get3A_806 : vector<16xi32> to vector<16xi32>
      %and3A_808 = arith.constant 65535 : i32
      %and3A_809 = vector.broadcast %and3A_808 : i32 to vector<16xi32>
      %and3A_810 = arith.andi %get3A_807, %and3A_809 : vector<16xi32>
      %add3A_811 = arith.constant 0 : i32
      %add3A_812 = arith.addi %mul3A_800, %add3A_811 : i32
      %swap3A_813 = arith.index_cast %add3A_812 : i32 to index
      %swap3A_814 = tpu.vector_load %arg10[%swap3A_813] {strides = array<i32>} : memref<512xi32, #tpu.memory_space<vmem>>, vector<16xi32>,
      %swap3A_815 = vector.shape_cast %swap3A_814 : vector<16xi32> to vector<16xi32>
      %swap3A_816 = vector.shape_cast %and3A_810 : vector<16xi32> to vector<16xi32>
      tpu.vector_store %arg10[%swap3A_813], %swap3A_816 {strides = array<i32>} : memref<512xi32, #tpu.memory_space<vmem>>, vector<16xi32>,
      %shift_right_logical3A_817 = arith.constant 16 : i32
      %shift_right_logical3A_818 = vector.broadcast %shift_right_logical3A_817 : i32 to vector<16xi32>
      %shift_right_logical3A_819 = arith.shrui %get3A_807, %shift_right_logical3A_818 : vector<16xi32>
      %add3A_820 = arith.constant 0 : i32
      %add3A_821 = arith.addi %mul3A_800, %add3A_820 : i32
      %add3A_822 = arith.constant 16 : i32
      %add3A_823 = arith.addi %add3A_821, %add3A_822 : i32
      %swap3A_824 = arith.index_cast %add3A_823 : i32 to index
      %swap3A_825 = tpu.vector_load %arg10[%swap3A_824] {strides = array<i32>} : memref<512xi32, #tpu.memory_space<vmem>>, vector<16xi32>,
      %swap3A_826 = vector.shape_cast %swap3A_825 : vector<16xi32> to vector<16xi32>
      %swap3A_827 = vector.shape_cast %shift_right_logical3A_819 : vector<16xi32> to vector<16xi32>
      tpu.vector_store %arg10[%swap3A_824], %swap3A_827 {strides = array<i32>} : memref<512xi32, #tpu.memory_space<vmem>>, vector<16xi32>,
      %mul3A_828 = arith.constant 64 : i32
      %mul3A_829 = arith.muli %add3A_796, %mul3A_828 : i32
      %add3A_830 = arith.constant 16 : i32
      %add3A_831 = arith.addi %mul3A_829, %add3A_830 : i32
      %get3A_832 = arith.index_cast %add3A_831 : i32 to index
      %get3A_833 = tpu.vector_load %arg8[%get3A_832] {strides = array<i32>} : memref<10240xi32, #tpu.memory_space<vmem>>, vector<16xi32>,
      %get3A_834 = vector.shape_cast %get3A_833 : vector<16xi32> to vector<16xi32>
      %and3A_835 = arith.constant 65535 : i32
      %and3A_836 = vector.broadcast %and3A_835 : i32 to vector<16xi32>
      %and3A_837 = arith.andi %get3A_834, %and3A_836 : vector<16xi32>
      %add3A_838 = arith.constant 32 : i32
      %add3A_839 = arith.addi %mul3A_800, %add3A_838 : i32
      %swap3A_840 = arith.index_cast %add3A_839 : i32 to index
      %swap3A_841 = tpu.vector_load %arg10[%swap3A_840] {strides = array<i32>} : memref<512xi32, #tpu.memory_space<vmem>>, vector<16xi32>,
      %swap3A_842 = vector.shape_cast %swap3A_841 : vector<16xi32> to vector<16xi32>
      %swap3A_843 = vector.shape_cast %and3A_837 : vector<16xi32> to vector<16xi32>
      tpu.vector_store %arg10[%swap3A_840], %swap3A_843 {strides = array<i32>} : memref<512xi32, #tpu.memory_space<vmem>>, vector<16xi32>,
      %shift_right_logical3A_844 = arith.constant 16 : i32
      %shift_right_logical3A_845 = vector.broadcast %shift_right_logical3A_844 : i32 to vector<16xi32>
      %shift_right_logical3A_846 = arith.shrui %get3A_834, %shift_right_logical3A_845 : vector<16xi32>
      %add3A_847 = arith.constant 32 : i32
      %add3A_848 = arith.addi %mul3A_800, %add3A_847 : i32
      %add3A_849 = arith.constant 16 : i32
      %add3A_850 = arith.addi %add3A_848, %add3A_849 : i32
      %swap3A_851 = arith.index_cast %add3A_850 : i32 to index
      %swap3A_852 = tpu.vector_load %arg10[%swap3A_851] {strides = array<i32>} : memref<512xi32, #tpu.memory_space<vmem>>, vector<16xi32>,
      %swap3A_853 = vector.shape_cast %swap3A_852 : vector<16xi32> to vector<16xi32>
      %swap3A_854 = vector.shape_cast %shift_right_logical3A_846 : vector<16xi32> to vector<16xi32>
      tpu.vector_store %arg10[%swap3A_851], %swap3A_854 {strides = array<i32>} : memref<512xi32, #tpu.memory_space<vmem>>, vector<16xi32>,
      %mul3A_855 = arith.constant 64 : i32
      %mul3A_856 = arith.muli %add3A_796, %mul3A_855 : i32
      %add3A_857 = arith.constant 32 : i32
      %add3A_858 = arith.addi %mul3A_856, %add3A_857 : i32
      %get3A_859 = arith.index_cast %add3A_858 : i32 to index
      %get3A_860 = tpu.vector_load %arg8[%get3A_859] {strides = array<i32>} : memref<10240xi32, #tpu.memory_space<vmem>>, vector<16xi32>,
      %get3A_861 = vector.shape_cast %get3A_860 : vector<16xi32> to vector<16xi32>
      %and3A_862 = arith.constant 65535 : i32
      %and3A_863 = vector.broadcast %and3A_862 : i32 to vector<16xi32>
      %and3A_864 = arith.andi %get3A_861, %and3A_863 : vector<16xi32>
      %add3A_865 = arith.constant 64 : i32
      %add3A_866 = arith.addi %mul3A_800, %add3A_865 : i32
      %swap3A_867 = arith.index_cast %add3A_866 : i32 to index
      %swap3A_868 = tpu.vector_load %arg10[%swap3A_867] {strides = array<i32>} : memref<512xi32, #tpu.memory_space<vmem>>, vector<16xi32>,
      %swap3A_869 = vector.shape_cast %swap3A_868 : vector<16xi32> to vector<16xi32>
      %swap3A_870 = vector.shape_cast %and3A_864 : vector<16xi32> to vector<16xi32>
      tpu.vector_store %arg10[%swap3A_867], %swap3A_870 {strides = array<i32>} : memref<512xi32, #tpu.memory_space<vmem>>, vector<16xi32>,
      %shift_right_logical3A_871 = arith.constant 16 : i32
      %shift_right_logical3A_872 = vector.broadcast %shift_right_logical3A_871 : i32 to vector<16xi32>
      %shift_right_logical3A_873 = arith.shrui %get3A_861, %shift_right_logical3A_872 : vector<16xi32>
      %add3A_874 = arith.constant 64 : i32
      %add3A_875 = arith.addi %mul3A_800, %add3A_874 : i32
      %add3A_876 = arith.constant 16 : i32
      %add3A_877 = arith.addi %add3A_875, %add3A_876 : i32
      %swap3A_878 = arith.index_cast %add3A_877 : i32 to index
      %swap3A_879 = tpu.vector_load %arg10[%swap3A_878] {strides = array<i32>} : memref<512xi32, #tpu.memory_space<vmem>>, vector<16xi32>,
      %swap3A_880 = vector.shape_cast %swap3A_879 : vector<16xi32> to vector<16xi32>
      %swap3A_881 = vector.shape_cast %shift_right_logical3A_873 : vector<16xi32> to vector<16xi32>
      tpu.vector_store %arg10[%swap3A_878], %swap3A_881 {strides = array<i32>} : memref<512xi32, #tpu.memory_space<vmem>>, vector<16xi32>,
      %mul3A_882 = arith.constant 64 : i32
      %mul3A_883 = arith.muli %add3A_796, %mul3A_882 : i32
      %add3A_884 = arith.constant 48 : i32
      %add3A_885 = arith.addi %mul3A_883, %add3A_884 : i32
      %get3A_886 = arith.index_cast %add3A_885 : i32 to index
      %get3A_887 = tpu.vector_load %arg8[%get3A_886] {strides = array<i32>} : memref<10240xi32, #tpu.memory_space<vmem>>, vector<16xi32>,
      %get3A_888 = vector.shape_cast %get3A_887 : vector<16xi32> to vector<16xi32>
      %and3A_889 = arith.constant 65535 : i32
      %and3A_890 = vector.broadcast %and3A_889 : i32 to vector<16xi32>
      %and3A_891 = arith.andi %get3A_888, %and3A_890 : vector<16xi32>
      %add3A_892 = arith.constant 96 : i32
      %add3A_893 = arith.addi %mul3A_800, %add3A_892 : i32
      %swap3A_894 = arith.index_cast %add3A_893 : i32 to index
      %swap3A_895 = tpu.vector_load %arg10[%swap3A_894] {strides = array<i32>} : memref<512xi32, #tpu.memory_space<vmem>>, vector<16xi32>,
      %swap3A_896 = vector.shape_cast %swap3A_895 : vector<16xi32> to vector<16xi32>
      %swap3A_897 = vector.shape_cast %and3A_891 : vector<16xi32> to vector<16xi32>
      tpu.vector_store %arg10[%swap3A_894], %swap3A_897 {strides = array<i32>} : memref<512xi32, #tpu.memory_space<vmem>>, vector<16xi32>,
      %shift_right_logical3A_898 = arith.constant 16 : i32
      %shift_right_logical3A_899 = vector.broadcast %shift_right_logical3A_898 : i32 to vector<16xi32>
      %shift_right_logical3A_900 = arith.shrui %get3A_888, %shift_right_logical3A_899 : vector<16xi32>
      %add3A_901 = arith.constant 96 : i32
      %add3A_902 = arith.addi %mul3A_800, %add3A_901 : i32
      %add3A_903 = arith.constant 16 : i32
      %add3A_904 = arith.addi %add3A_902, %add3A_903 : i32
      %swap3A_905 = arith.index_cast %add3A_904 : i32 to index
      %swap3A_906 = tpu.vector_load %arg10[%swap3A_905] {strides = array<i32>} : memref<512xi32, #tpu.memory_space<vmem>>, vector<16xi32>,
      %swap3A_907 = vector.shape_cast %swap3A_906 : vector<16xi32> to vector<16xi32>
      %swap3A_908 = vector.shape_cast %shift_right_logical3A_900 : vector<16xi32> to vector<16xi32>
      tpu.vector_store %arg10[%swap3A_905], %swap3A_908 {strides = array<i32>} : memref<512xi32, #tpu.memory_space<vmem>>, vector<16xi32>,
      %add3A_909 = arith.constant 3 : i32
      %add3A_910 = arith.addi %add3A_780, %add3A_909 : i32
      %and3A_911 = arith.constant 3 : i32
      %and3A_912 = arith.andi %add3A_910, %and3A_911 : i32
      %mul3A_913 = arith.constant 128 : i32
      %mul3A_914 = arith.muli %and3A_912, %mul3A_913 : i32
      %dma_start3A_915 = arith.constant 0 : i32
      %dma_start3A_916 = arith.constant 0 : i32
      %dma_start3A_917 = arith.constant 0 : i32
      %dma_start3A_918 = tpu.memref_slice %arg11[%dma_start3A_915, %dma_start3A_916, %dma_start3A_917] : memref<3x128x128xf32, #tpu.memory_space<vmem>> -> memref<1x128x128xf32, #tpu.memory_space<vmem>>
      %dma_start3A_919 = tpu.memref_squeeze %dma_start3A_918 : memref<1x128x128xf32, #tpu.memory_space<vmem>> -> memref<128x128xf32, #tpu.memory_space<vmem>>
      %dma_start3A_920 = tpu.memref_slice %arg10[%mul3A_914] : memref<512xi32, #tpu.memory_space<vmem>> -> memref<128xi32, #tpu.memory_space<vmem>>
      %dma_start3A_921 = arith.constant 0 : i32
      %dma_start3A_922 = arith.constant 0 : i32
      %dma_start3A_923 = tpu.memref_slice %arg2[%dma_start3A_921, %dma_start3A_922] : memref<10000x128xf32, #tpu.memory_space<hbm>> -> memref<10000x128xf32, #tpu.memory_space<hbm>>
      %dma_start3A_924 = arith.constant 65535 : i32
      tpu.enqueue_indirect_dma source(%dma_start3A_923 : memref<10000x128xf32, #tpu.memory_space<hbm>>) target(%dma_start3A_919 : memref<128x128xf32, #tpu.memory_space<vmem>>) offsets(%dma_start3A_920 : memref<128xi32, #tpu.memory_space<vmem>>) offset_filter(%dma_start3A_924) semaphore(%arg13 : memref<!tpu.dma_semaphore, #tpu.memory_space<semaphore_mem>>)
      %add3A_925 = arith.constant 1 : i32
      %add3A_926 = arith.addi %mul3A_778, %add3A_925 : i32
      %and3A_927 = arith.constant 3 : i32
      %and3A_928 = arith.andi %add3A_926, %and3A_927 : i32
      %mul3A_929 = arith.constant 128 : i32
      %mul3A_930 = arith.muli %and3A_928, %mul3A_929 : i32
      %dma_wait3A_931 = arith.constant 1 : i32
      %dma_wait3A_932 = arith.constant 0 : i32
      %dma_wait3A_933 = arith.constant 0 : i32
      %dma_wait3A_934 = tpu.memref_slice %arg11[%dma_wait3A_931, %dma_wait3A_932, %dma_wait3A_933] : memref<3x128x128xf32, #tpu.memory_space<vmem>> -> memref<1x128x128xf32, #tpu.memory_space<vmem>>
      %dma_wait3A_935 = tpu.memref_squeeze %dma_wait3A_934 : memref<1x128x128xf32, #tpu.memory_space<vmem>> -> memref<128x128xf32, #tpu.memory_space<vmem>>
      %dma_wait3A_936 = tpu.memref_slice %arg10[%mul3A_930] : memref<512xi32, #tpu.memory_space<vmem>> -> memref<128xi32, #tpu.memory_space<vmem>>
      %dma_wait3A_937 = arith.constant 0 : i32
      %dma_wait3A_938 = arith.constant 0 : i32
      %dma_wait3A_939 = tpu.memref_slice %arg2[%dma_wait3A_937, %dma_wait3A_938] : memref<10000x128xf32, #tpu.memory_space<hbm>> -> memref<10000x128xf32, #tpu.memory_space<hbm>>
      tpu.wait_indirect_dma semaphore(%arg14 : memref<!tpu.dma_semaphore, #tpu.memory_space<semaphore_mem>>) src(%dma_wait3A_939 : memref<10000x128xf32, #tpu.memory_space<hbm>>) dst(%dma_wait3A_935 : memref<128x128xf32, #tpu.memory_space<vmem>>)
      %run_scoped3A_940 = arith.constant 1 : i32
      "tpu.region"() ({
        %run_scoped3A_1217 = tpu.sem_alloc : memref<!tpu.dma_semaphore, #tpu.memory_space<semaphore_mem>>
        %dma_start3A_1218 = arith.constant 0 : i32
        %dma_start3A_1219 = arith.constant 0 : i32
        %dma_start3A_1220 = tpu.memref_slice %arg11[%run_scoped3A_940, %dma_start3A_1218, %dma_start3A_1219] : memref<3x128x128xf32, #tpu.memory_space<vmem>> -> memref<1x128x128xf32, #tpu.memory_space<vmem>>
        %dma_start3A_1221 = tpu.memref_squeeze %dma_start3A_1220 : memref<1x128x128xf32, #tpu.memory_space<vmem>> -> memref<128x128xf32, #tpu.memory_space<vmem>>
        %dma_start3A_1222 = arith.constant 0 : i32
        %dma_start3A_1223 = tpu.memref_slice %arg9[%add3A_926, %dma_start3A_1222] : memref<160x128xi32, #tpu.memory_space<vmem>> -> memref<1x128xi32, #tpu.memory_space<vmem>>
        %dma_start3A_1224 = tpu.memref_squeeze %dma_start3A_1223 : memref<1x128xi32, #tpu.memory_space<vmem>> -> memref<128xi32, #tpu.memory_space<vmem>>
        %dma_start3A_1225 = arith.constant 0 : i32
        %dma_start3A_1226 = arith.constant 0 : i32
        %dma_start3A_1227 = tpu.memref_slice %arg12[%dma_start3A_1225, %dma_start3A_1226] : memref<5120x128xf32, #tpu.memory_space<vmem_shared>> -> memref<5120x128xf32, #tpu.memory_space<vmem_shared>>
        %dma_start3A_1228 = arith.constant -1 : i32
        tpu.enqueue_indirect_dma source(%dma_start3A_1221 : memref<128x128xf32, #tpu.memory_space<vmem>>) target(%dma_start3A_1227 : memref<5120x128xf32, #tpu.memory_space<vmem_shared>>) offsets(%dma_start3A_1224 : memref<128xi32, #tpu.memory_space<vmem>>) offset_filter(%dma_start3A_1228) semaphore(%run_scoped3A_1217 : memref<!tpu.dma_semaphore, #tpu.memory_space<semaphore_mem>>) {add = true}
        %dma_wait3A_1229 = arith.constant 0 : i32
        %dma_wait3A_1230 = arith.constant 0 : i32
        %dma_wait3A_1231 = tpu.memref_slice %arg11[%run_scoped3A_940, %dma_wait3A_1229, %dma_wait3A_1230] : memref<3x128x128xf32, #tpu.memory_space<vmem>> -> memref<1x128x128xf32, #tpu.memory_space<vmem>>
        %dma_wait3A_1232 = tpu.memref_squeeze %dma_wait3A_1231 : memref<1x128x128xf32, #tpu.memory_space<vmem>> -> memref<128x128xf32, #tpu.memory_space<vmem>>
        %dma_wait3A_1233 = arith.constant 0 : i32
        %dma_wait3A_1234 = tpu.memref_slice %arg9[%add3A_926, %dma_wait3A_1233] : memref<160x128xi32, #tpu.memory_space<vmem>> -> memref<1x128xi32, #tpu.memory_space<vmem>>
        %dma_wait3A_1235 = tpu.memref_squeeze %dma_wait3A_1234 : memref<1x128xi32, #tpu.memory_space<vmem>> -> memref<128xi32, #tpu.memory_space<vmem>>
        %dma_wait3A_1236 = arith.constant 0 : i32
        %dma_wait3A_1237 = arith.constant 0 : i32
        %dma_wait3A_1238 = tpu.memref_slice %arg12[%dma_wait3A_1236, %dma_wait3A_1237] : memref<5120x128xf32, #tpu.memory_space<vmem_shared>> -> memref<5120x128xf32, #tpu.memory_space<vmem_shared>>
        tpu.wait_indirect_dma semaphore(%run_scoped3A_1217 : memref<!tpu.dma_semaphore, #tpu.memory_space<semaphore_mem>>) src(%dma_wait3A_1232 : memref<128x128xf32, #tpu.memory_space<vmem>>) dst(%dma_wait3A_1238 : memref<5120x128xf32, #tpu.memory_space<vmem_shared>>)
        tpu.yield
      }) : () -> ()
      %add3A_941 = arith.constant 3 : i32
      %add3A_942 = arith.addi %add3A_926, %add3A_941 : i32
      %and3A_943 = arith.constant 3 : i32
      %and3A_944 = arith.andi %add3A_942, %and3A_943 : i32
      %mul3A_945 = arith.constant 128 : i32
      %mul3A_946 = arith.muli %and3A_944, %mul3A_945 : i32
      %mul3A_947 = arith.constant 64 : i32
      %mul3A_948 = arith.muli %add3A_942, %mul3A_947 : i32
      %add3A_949 = arith.constant 0 : i32
      %add3A_950 = arith.addi %mul3A_948, %add3A_949 : i32
      %get3A_951 = arith.index_cast %add3A_950 : i32 to index
      %get3A_952 = tpu.vector_load %arg8[%get3A_951] {strides = array<i32>} : memref<10240xi32, #tpu.memory_space<vmem>>, vector<16xi32>,
      %get3A_953 = vector.shape_cast %get3A_952 : vector<16xi32> to vector<16xi32>
      %and3A_954 = arith.constant 65535 : i32
      %and3A_955 = vector.broadcast %and3A_954 : i32 to vector<16xi32>
      %and3A_956 = arith.andi %get3A_953, %and3A_955 : vector<16xi32>
      %add3A_957 = arith.constant 0 : i32
      %add3A_958 = arith.addi %mul3A_946, %add3A_957 : i32
      %swap3A_959 = arith.index_cast %add3A_958 : i32 to index
      %swap3A_960 = tpu.vector_load %arg10[%swap3A_959] {strides = array<i32>} : memref<512xi32, #tpu.memory_space<vmem>>, vector<16xi32>,
      %swap3A_961 = vector.shape_cast %swap3A_960 : vector<16xi32> to vector<16xi32>
      %swap3A_962 = vector.shape_cast %and3A_956 : vector<16xi32> to vector<16xi32>
      tpu.vector_store %arg10[%swap3A_959], %swap3A_962 {strides = array<i32>} : memref<512xi32, #tpu.memory_space<vmem>>, vector<16xi32>,
      %shift_right_logical3A_963 = arith.constant 16 : i32
      %shift_right_logical3A_964 = vector.broadcast %shift_right_logical3A_963 : i32 to vector<16xi32>
      %shift_right_logical3A_965 = arith.shrui %get3A_953, %shift_right_logical3A_964 : vector<16xi32>
      %add3A_966 = arith.constant 0 : i32
      %add3A_967 = arith.addi %mul3A_946, %add3A_966 : i32
      %add3A_968 = arith.constant 16 : i32
      %add3A_969 = arith.addi %add3A_967, %add3A_968 : i32
      %swap3A_970 = arith.index_cast %add3A_969 : i32 to index
      %swap3A_971 = tpu.vector_load %arg10[%swap3A_970] {strides = array<i32>} : memref<512xi32, #tpu.memory_space<vmem>>, vector<16xi32>,
      %swap3A_972 = vector.shape_cast %swap3A_971 : vector<16xi32> to vector<16xi32>
      %swap3A_973 = vector.shape_cast %shift_right_logical3A_965 : vector<16xi32> to vector<16xi32>
      tpu.vector_store %arg10[%swap3A_970], %swap3A_973 {strides = array<i32>} : memref<512xi32, #tpu.memory_space<vmem>>, vector<16xi32>,
      %mul3A_974 = arith.constant 64 : i32
      %mul3A_975 = arith.muli %add3A_942, %mul3A_974 : i32
      %add3A_976 = arith.constant 16 : i32
      %add3A_977 = arith.addi %mul3A_975, %add3A_976 : i32
      %get3A_978 = arith.index_cast %add3A_977 : i32 to index
      %get3A_979 = tpu.vector_load %arg8[%get3A_978] {strides = array<i32>} : memref<10240xi32, #tpu.memory_space<vmem>>, vector<16xi32>,
      %get3A_980 = vector.shape_cast %get3A_979 : vector<16xi32> to vector<16xi32>
      %and3A_981 = arith.constant 65535 : i32
      %and3A_982 = vector.broadcast %and3A_981 : i32 to vector<16xi32>
      %and3A_983 = arith.andi %get3A_980, %and3A_982 : vector<16xi32>
      %add3A_984 = arith.constant 32 : i32
      %add3A_985 = arith.addi %mul3A_946, %add3A_984 : i32
      %swap3A_986 = arith.index_cast %add3A_985 : i32 to index
      %swap3A_987 = tpu.vector_load %arg10[%swap3A_986] {strides = array<i32>} : memref<512xi32, #tpu.memory_space<vmem>>, vector<16xi32>,
      %swap3A_988 = vector.shape_cast %swap3A_987 : vector<16xi32> to vector<16xi32>
      %swap3A_989 = vector.shape_cast %and3A_983 : vector<16xi32> to vector<16xi32>
      tpu.vector_store %arg10[%swap3A_986], %swap3A_989 {strides = array<i32>} : memref<512xi32, #tpu.memory_space<vmem>>, vector<16xi32>,
      %shift_right_logical3A_990 = arith.constant 16 : i32
      %shift_right_logical3A_991 = vector.broadcast %shift_right_logical3A_990 : i32 to vector<16xi32>
      %shift_right_logical3A_992 = arith.shrui %get3A_980, %shift_right_logical3A_991 : vector<16xi32>
      %add3A_993 = arith.constant 32 : i32
      %add3A_994 = arith.addi %mul3A_946, %add3A_993 : i32
      %add3A_995 = arith.constant 16 : i32
      %add3A_996 = arith.addi %add3A_994, %add3A_995 : i32
      %swap3A_997 = arith.index_cast %add3A_996 : i32 to index
      %swap3A_998 = tpu.vector_load %arg10[%swap3A_997] {strides = array<i32>} : memref<512xi32, #tpu.memory_space<vmem>>, vector<16xi32>,
      %swap3A_999 = vector.shape_cast %swap3A_998 : vector<16xi32> to vector<16xi32>
      %swap3A_1000 = vector.shape_cast %shift_right_logical3A_992 : vector<16xi32> to vector<16xi32>
      tpu.vector_store %arg10[%swap3A_997], %swap3A_1000 {strides = array<i32>} : memref<512xi32, #tpu.memory_space<vmem>>, vector<16xi32>,
      %mul3A_1001 = arith.constant 64 : i32
      %mul3A_1002 = arith.muli %add3A_942, %mul3A_1001 : i32
      %add3A_1003 = arith.constant 32 : i32
      %add3A_1004 = arith.addi %mul3A_1002, %add3A_1003 : i32
      %get3A_1005 = arith.index_cast %add3A_1004 : i32 to index
      %get3A_1006 = tpu.vector_load %arg8[%get3A_1005] {strides = array<i32>} : memref<10240xi32, #tpu.memory_space<vmem>>, vector<16xi32>,
      %get3A_1007 = vector.shape_cast %get3A_1006 : vector<16xi32> to vector<16xi32>
      %and3A_1008 = arith.constant 65535 : i32
      %and3A_1009 = vector.broadcast %and3A_1008 : i32 to vector<16xi32>
      %and3A_1010 = arith.andi %get3A_1007, %and3A_1009 : vector<16xi32>
      %add3A_1011 = arith.constant 64 : i32
      %add3A_1012 = arith.addi %mul3A_946, %add3A_1011 : i32
      %swap3A_1013 = arith.index_cast %add3A_1012 : i32 to index
      %swap3A_1014 = tpu.vector_load %arg10[%swap3A_1013] {strides = array<i32>} : memref<512xi32, #tpu.memory_space<vmem>>, vector<16xi32>,
      %swap3A_1015 = vector.shape_cast %swap3A_1014 : vector<16xi32> to vector<16xi32>
      %swap3A_1016 = vector.shape_cast %and3A_1010 : vector<16xi32> to vector<16xi32>
      tpu.vector_store %arg10[%swap3A_1013], %swap3A_1016 {strides = array<i32>} : memref<512xi32, #tpu.memory_space<vmem>>, vector<16xi32>,
      %shift_right_logical3A_1017 = arith.constant 16 : i32
      %shift_right_logical3A_1018 = vector.broadcast %shift_right_logical3A_1017 : i32 to vector<16xi32>
      %shift_right_logical3A_1019 = arith.shrui %get3A_1007, %shift_right_logical3A_1018 : vector<16xi32>
      %add3A_1020 = arith.constant 64 : i32
      %add3A_1021 = arith.addi %mul3A_946, %add3A_1020 : i32
      %add3A_1022 = arith.constant 16 : i32
      %add3A_1023 = arith.addi %add3A_1021, %add3A_1022 : i32
      %swap3A_1024 = arith.index_cast %add3A_1023 : i32 to index
      %swap3A_1025 = tpu.vector_load %arg10[%swap3A_1024] {strides = array<i32>} : memref<512xi32, #tpu.memory_space<vmem>>, vector<16xi32>,
      %swap3A_1026 = vector.shape_cast %swap3A_1025 : vector<16xi32> to vector<16xi32>
      %swap3A_1027 = vector.shape_cast %shift_right_logical3A_1019 : vector<16xi32> to vector<16xi32>
      tpu.vector_store %arg10[%swap3A_1024], %swap3A_1027 {strides = array<i32>} : memref<512xi32, #tpu.memory_space<vmem>>, vector<16xi32>,
      %mul3A_1028 = arith.constant 64 : i32
      %mul3A_1029 = arith.muli %add3A_942, %mul3A_1028 : i32
      %add3A_1030 = arith.constant 48 : i32
      %add3A_1031 = arith.addi %mul3A_1029, %add3A_1030 : i32
      %get3A_1032 = arith.index_cast %add3A_1031 : i32 to index
      %get3A_1033 = tpu.vector_load %arg8[%get3A_1032] {strides = array<i32>} : memref<10240xi32, #tpu.memory_space<vmem>>, vector<16xi32>,
      %get3A_1034 = vector.shape_cast %get3A_1033 : vector<16xi32> to vector<16xi32>
      %and3A_1035 = arith.constant 65535 : i32
      %and3A_1036 = vector.broadcast %and3A_1035 : i32 to vector<16xi32>
      %and3A_1037 = arith.andi %get3A_1034, %and3A_1036 : vector<16xi32>
      %add3A_1038 = arith.constant 96 : i32
      %add3A_1039 = arith.addi %mul3A_946, %add3A_1038 : i32
      %swap3A_1040 = arith.index_cast %add3A_1039 : i32 to index
      %swap3A_1041 = tpu.vector_load %arg10[%swap3A_1040] {strides = array<i32>} : memref<512xi32, #tpu.memory_space<vmem>>, vector<16xi32>,
      %swap3A_1042 = vector.shape_cast %swap3A_1041 : vector<16xi32> to vector<16xi32>
      %swap3A_1043 = vector.shape_cast %and3A_1037 : vector<16xi32> to vector<16xi32>
      tpu.vector_store %arg10[%swap3A_1040], %swap3A_1043 {strides = array<i32>} : memref<512xi32, #tpu.memory_space<vmem>>, vector<16xi32>,
      %shift_right_logical3A_1044 = arith.constant 16 : i32
      %shift_right_logical3A_1045 = vector.broadcast %shift_right_logical3A_1044 : i32 to vector<16xi32>
      %shift_right_logical3A_1046 = arith.shrui %get3A_1034, %shift_right_logical3A_1045 : vector<16xi32>
      %add3A_1047 = arith.constant 96 : i32
      %add3A_1048 = arith.addi %mul3A_946, %add3A_1047 : i32
      %add3A_1049 = arith.constant 16 : i32
      %add3A_1050 = arith.addi %add3A_1048, %add3A_1049 : i32
      %swap3A_1051 = arith.index_cast %add3A_1050 : i32 to index
      %swap3A_1052 = tpu.vector_load %arg10[%swap3A_1051] {strides = array<i32>} : memref<512xi32, #tpu.memory_space<vmem>>, vector<16xi32>,
      %swap3A_1053 = vector.shape_cast %swap3A_1052 : vector<16xi32> to vector<16xi32>
      %swap3A_1054 = vector.shape_cast %shift_right_logical3A_1046 : vector<16xi32> to vector<16xi32>
      tpu.vector_store %arg10[%swap3A_1051], %swap3A_1054 {strides = array<i32>} : memref<512xi32, #tpu.memory_space<vmem>>, vector<16xi32>,
      %add3A_1055 = arith.constant 3 : i32
      %add3A_1056 = arith.addi %add3A_926, %add3A_1055 : i32
      %and3A_1057 = arith.constant 3 : i32
      %and3A_1058 = arith.andi %add3A_1056, %and3A_1057 : i32
      %mul3A_1059 = arith.constant 128 : i32
      %mul3A_1060 = arith.muli %and3A_1058, %mul3A_1059 : i32
      %dma_start3A_1061 = arith.constant 1 : i32
      %dma_start3A_1062 = arith.constant 0 : i32
      %dma_start3A_1063 = arith.constant 0 : i32
      %dma_start3A_1064 = tpu.memref_slice %arg11[%dma_start3A_1061, %dma_start3A_1062, %dma_start3A_1063] : memref<3x128x128xf32, #tpu.memory_space<vmem>> -> memref<1x128x128xf32, #tpu.memory_space<vmem>>
      %dma_start3A_1065 = tpu.memref_squeeze %dma_start3A_1064 : memref<1x128x128xf32, #tpu.memory_space<vmem>> -> memref<128x128xf32, #tpu.memory_space<vmem>>
      %dma_start3A_1066 = tpu.memref_slice %arg10[%mul3A_1060] : memref<512xi32, #tpu.memory_space<vmem>> -> memref<128xi32, #tpu.memory_space<vmem>>
      %dma_start3A_1067 = arith.constant 0 : i32
      %dma_start3A_1068 = arith.constant 0 : i32
      %dma_start3A_1069 = tpu.memref_slice %arg2[%dma_start3A_1067, %dma_start3A_1068] : memref<10000x128xf32, #tpu.memory_space<hbm>> -> memref<10000x128xf32, #tpu.memory_space<hbm>>
      %dma_start3A_1070 = arith.constant 65535 : i32
      tpu.enqueue_indirect_dma source(%dma_start3A_1069 : memref<10000x128xf32, #tpu.memory_space<hbm>>) target(%dma_start3A_1065 : memref<128x128xf32, #tpu.memory_space<vmem>>) offsets(%dma_start3A_1066 : memref<128xi32, #tpu.memory_space<vmem>>) offset_filter(%dma_start3A_1070) semaphore(%arg14 : memref<!tpu.dma_semaphore, #tpu.memory_space<semaphore_mem>>)
      %add3A_1071 = arith.constant 2 : i32
      %add3A_1072 = arith.addi %mul3A_778, %add3A_1071 : i32
      %and3A_1073 = arith.constant 3 : i32
      %and3A_1074 = arith.andi %add3A_1072, %and3A_1073 : i32
      %mul3A_1075 = arith.constant 128 : i32
      %mul3A_1076 = arith.muli %and3A_1074, %mul3A_1075 : i32
      %dma_wait3A_1077 = arith.constant 2 : i32
      %dma_wait3A_1078 = arith.constant 0 : i32
      %dma_wait3A_1079 = arith.constant 0 : i32
      %dma_wait3A_1080 = tpu.memref_slice %arg11[%dma_wait3A_1077, %dma_wait3A_1078, %dma_wait3A_1079] : memref<3x128x128xf32, #tpu.memory_space<vmem>> -> memref<1x128x128xf32, #tpu.memory_space<vmem>>
      %dma_wait3A_1081 = tpu.memref_squeeze %dma_wait3A_1080 : memref<1x128x128xf32, #tpu.memory_space<vmem>> -> memref<128x128xf32, #tpu.memory_space<vmem>>
      %dma_wait3A_1082 = tpu.memref_slice %arg10[%mul3A_1076] : memref<512xi32, #tpu.memory_space<vmem>> -> memref<128xi32, #tpu.memory_space<vmem>>
      %dma_wait3A_1083 = arith.constant 0 : i32
      %dma_wait3A_1084 = arith.constant 0 : i32
      %dma_wait3A_1085 = tpu.memref_slice %arg2[%dma_wait3A_1083, %dma_wait3A_1084] : memref<10000x128xf32, #tpu.memory_space<hbm>> -> memref<10000x128xf32, #tpu.memory_space<hbm>>
      tpu.wait_indirect_dma semaphore(%arg15 : memref<!tpu.dma_semaphore, #tpu.memory_space<semaphore_mem>>) src(%dma_wait3A_1085 : memref<10000x128xf32, #tpu.memory_space<hbm>>) dst(%dma_wait3A_1081 : memref<128x128xf32, #tpu.memory_space<vmem>>)
      %run_scoped3A_1086 = arith.constant 2 : i32
      "tpu.region"() ({
        %run_scoped3A_1217 = tpu.sem_alloc : memref<!tpu.dma_semaphore, #tpu.memory_space<semaphore_mem>>
        %dma_start3A_1218 = arith.constant 0 : i32
        %dma_start3A_1219 = arith.constant 0 : i32
        %dma_start3A_1220 = tpu.memref_slice %arg11[%run_scoped3A_1086, %dma_start3A_1218, %dma_start3A_1219] : memref<3x128x128xf32, #tpu.memory_space<vmem>> -> memref<1x128x128xf32, #tpu.memory_space<vmem>>
        %dma_start3A_1221 = tpu.memref_squeeze %dma_start3A_1220 : memref<1x128x128xf32, #tpu.memory_space<vmem>> -> memref<128x128xf32, #tpu.memory_space<vmem>>
        %dma_start3A_1222 = arith.constant 0 : i32
        %dma_start3A_1223 = tpu.memref_slice %arg9[%add3A_1072, %dma_start3A_1222] : memref<160x128xi32, #tpu.memory_space<vmem>> -> memref<1x128xi32, #tpu.memory_space<vmem>>
        %dma_start3A_1224 = tpu.memref_squeeze %dma_start3A_1223 : memref<1x128xi32, #tpu.memory_space<vmem>> -> memref<128xi32, #tpu.memory_space<vmem>>
        %dma_start3A_1225 = arith.constant 0 : i32
        %dma_start3A_1226 = arith.constant 0 : i32
        %dma_start3A_1227 = tpu.memref_slice %arg12[%dma_start3A_1225, %dma_start3A_1226] : memref<5120x128xf32, #tpu.memory_space<vmem_shared>> -> memref<5120x128xf32, #tpu.memory_space<vmem_shared>>
        %dma_start3A_1228 = arith.constant -1 : i32
        tpu.enqueue_indirect_dma source(%dma_start3A_1221 : memref<128x128xf32, #tpu.memory_space<vmem>>) target(%dma_start3A_1227 : memref<5120x128xf32, #tpu.memory_space<vmem_shared>>) offsets(%dma_start3A_1224 : memref<128xi32, #tpu.memory_space<vmem>>) offset_filter(%dma_start3A_1228) semaphore(%run_scoped3A_1217 : memref<!tpu.dma_semaphore, #tpu.memory_space<semaphore_mem>>) {add = true}
        %dma_wait3A_1229 = arith.constant 0 : i32
        %dma_wait3A_1230 = arith.constant 0 : i32
        %dma_wait3A_1231 = tpu.memref_slice %arg11[%run_scoped3A_1086, %dma_wait3A_1229, %dma_wait3A_1230] : memref<3x128x128xf32, #tpu.memory_space<vmem>> -> memref<1x128x128xf32, #tpu.memory_space<vmem>>
        %dma_wait3A_1232 = tpu.memref_squeeze %dma_wait3A_1231 : memref<1x128x128xf32, #tpu.memory_space<vmem>> -> memref<128x128xf32, #tpu.memory_space<vmem>>
        %dma_wait3A_1233 = arith.constant 0 : i32
        %dma_wait3A_1234 = tpu.memref_slice %arg9[%add3A_1072, %dma_wait3A_1233] : memref<160x128xi32, #tpu.memory_space<vmem>> -> memref<1x128xi32, #tpu.memory_space<vmem>>
        %dma_wait3A_1235 = tpu.memref_squeeze %dma_wait3A_1234 : memref<1x128xi32, #tpu.memory_space<vmem>> -> memref<128xi32, #tpu.memory_space<vmem>>
        %dma_wait3A_1236 = arith.constant 0 : i32
        %dma_wait3A_1237 = arith.constant 0 : i32
        %dma_wait3A_1238 = tpu.memref_slice %arg12[%dma_wait3A_1236, %dma_wait3A_1237] : memref<5120x128xf32, #tpu.memory_space<vmem_shared>> -> memref<5120x128xf32, #tpu.memory_space<vmem_shared>>
        tpu.wait_indirect_dma semaphore(%run_scoped3A_1217 : memref<!tpu.dma_semaphore, #tpu.memory_space<semaphore_mem>>) src(%dma_wait3A_1232 : memref<128x128xf32, #tpu.memory_space<vmem>>) dst(%dma_wait3A_1238 : memref<5120x128xf32, #tpu.memory_space<vmem_shared>>)
        tpu.yield
      }) : () -> ()
      %add3A_1087 = arith.constant 3 : i32
      %add3A_1088 = arith.addi %add3A_1072, %add3A_1087 : i32
      %and3A_1089 = arith.constant 3 : i32
      %and3A_1090 = arith.andi %add3A_1088, %and3A_1089 : i32
      %mul3A_1091 = arith.constant 128 : i32
      %mul3A_1092 = arith.muli %and3A_1090, %mul3A_1091 : i32
      %mul3A_1093 = arith.constant 64 : i32
      %mul3A_1094 = arith.muli %add3A_1088, %mul3A_1093 : i32
      %add3A_1095 = arith.constant 0 : i32
      %add3A_1096 = arith.addi %mul3A_1094, %add3A_1095 : i32
      %get3A_1097 = arith.index_cast %add3A_1096 : i32 to index
      %get3A_1098 = tpu.vector_load %arg8[%get3A_1097] {strides = array<i32>} : memref<10240xi32, #tpu.memory_space<vmem>>, vector<16xi32>,
      %get3A_1099 = vector.shape_cast %get3A_1098 : vector<16xi32> to vector<16xi32>
      %and3A_1100 = arith.constant 65535 : i32
      %and3A_1101 = vector.broadcast %and3A_1100 : i32 to vector<16xi32>
      %and3A_1102 = arith.andi %get3A_1099, %and3A_1101 : vector<16xi32>
      %add3A_1103 = arith.constant 0 : i32
      %add3A_1104 = arith.addi %mul3A_1092, %add3A_1103 : i32
      %swap3A_1105 = arith.index_cast %add3A_1104 : i32 to index
      %swap3A_1106 = tpu.vector_load %arg10[%swap3A_1105] {strides = array<i32>} : memref<512xi32, #tpu.memory_space<vmem>>, vector<16xi32>,
      %swap3A_1107 = vector.shape_cast %swap3A_1106 : vector<16xi32> to vector<16xi32>
      %swap3A_1108 = vector.shape_cast %and3A_1102 : vector<16xi32> to vector<16xi32>
      tpu.vector_store %arg10[%swap3A_1105], %swap3A_1108 {strides = array<i32>} : memref<512xi32, #tpu.memory_space<vmem>>, vector<16xi32>,
      %shift_right_logical3A_1109 = arith.constant 16 : i32
      %shift_right_logical3A_1110 = vector.broadcast %shift_right_logical3A_1109 : i32 to vector<16xi32>
      %shift_right_logical3A_1111 = arith.shrui %get3A_1099, %shift_right_logical3A_1110 : vector<16xi32>
      %add3A_1112 = arith.constant 0 : i32
      %add3A_1113 = arith.addi %mul3A_1092, %add3A_1112 : i32
      %add3A_1114 = arith.constant 16 : i32
      %add3A_1115 = arith.addi %add3A_1113, %add3A_1114 : i32
      %swap3A_1116 = arith.index_cast %add3A_1115 : i32 to index
      %swap3A_1117 = tpu.vector_load %arg10[%swap3A_1116] {strides = array<i32>} : memref<512xi32, #tpu.memory_space<vmem>>, vector<16xi32>,
      %swap3A_1118 = vector.shape_cast %swap3A_1117 : vector<16xi32> to vector<16xi32>
      %swap3A_1119 = vector.shape_cast %shift_right_logical3A_1111 : vector<16xi32> to vector<16xi32>
      tpu.vector_store %arg10[%swap3A_1116], %swap3A_1119 {strides = array<i32>} : memref<512xi32, #tpu.memory_space<vmem>>, vector<16xi32>,
      %mul3A_1120 = arith.constant 64 : i32
      %mul3A_1121 = arith.muli %add3A_1088, %mul3A_1120 : i32
      %add3A_1122 = arith.constant 16 : i32
      %add3A_1123 = arith.addi %mul3A_1121, %add3A_1122 : i32
      %get3A_1124 = arith.index_cast %add3A_1123 : i32 to index
      %get3A_1125 = tpu.vector_load %arg8[%get3A_1124] {strides = array<i32>} : memref<10240xi32, #tpu.memory_space<vmem>>, vector<16xi32>,
      %get3A_1126 = vector.shape_cast %get3A_1125 : vector<16xi32> to vector<16xi32>
      %and3A_1127 = arith.constant 65535 : i32
      %and3A_1128 = vector.broadcast %and3A_1127 : i32 to vector<16xi32>
      %and3A_1129 = arith.andi %get3A_1126, %and3A_1128 : vector<16xi32>
      %add3A_1130 = arith.constant 32 : i32
      %add3A_1131 = arith.addi %mul3A_1092, %add3A_1130 : i32
      %swap3A_1132 = arith.index_cast %add3A_1131 : i32 to index
      %swap3A_1133 = tpu.vector_load %arg10[%swap3A_1132] {strides = array<i32>} : memref<512xi32, #tpu.memory_space<vmem>>, vector<16xi32>,
      %swap3A_1134 = vector.shape_cast %swap3A_1133 : vector<16xi32> to vector<16xi32>
      %swap3A_1135 = vector.shape_cast %and3A_1129 : vector<16xi32> to vector<16xi32>
      tpu.vector_store %arg10[%swap3A_1132], %swap3A_1135 {strides = array<i32>} : memref<512xi32, #tpu.memory_space<vmem>>, vector<16xi32>,
      %shift_right_logical3A_1136 = arith.constant 16 : i32
      %shift_right_logical3A_1137 = vector.broadcast %shift_right_logical3A_1136 : i32 to vector<16xi32>
      %shift_right_logical3A_1138 = arith.shrui %get3A_1126, %shift_right_logical3A_1137 : vector<16xi32>
      %add3A_1139 = arith.constant 32 : i32
      %add3A_1140 = arith.addi %mul3A_1092, %add3A_1139 : i32
      %add3A_1141 = arith.constant 16 : i32
      %add3A_1142 = arith.addi %add3A_1140, %add3A_1141 : i32
      %swap3A_1143 = arith.index_cast %add3A_1142 : i32 to index
      %swap3A_1144 = tpu.vector_load %arg10[%swap3A_1143] {strides = array<i32>} : memref<512xi32, #tpu.memory_space<vmem>>, vector<16xi32>,
      %swap3A_1145 = vector.shape_cast %swap3A_1144 : vector<16xi32> to vector<16xi32>
      %swap3A_1146 = vector.shape_cast %shift_right_logical3A_1138 : vector<16xi32> to vector<16xi32>
      tpu.vector_store %arg10[%swap3A_1143], %swap3A_1146 {strides = array<i32>} : memref<512xi32, #tpu.memory_space<vmem>>, vector<16xi32>,
      %mul3A_1147 = arith.constant 64 : i32
      %mul3A_1148 = arith.muli %add3A_1088, %mul3A_1147 : i32
      %add3A_1149 = arith.constant 32 : i32
      %add3A_1150 = arith.addi %mul3A_1148, %add3A_1149 : i32
      %get3A_1151 = arith.index_cast %add3A_1150 : i32 to index
      %get3A_1152 = tpu.vector_load %arg8[%get3A_1151] {strides = array<i32>} : memref<10240xi32, #tpu.memory_space<vmem>>, vector<16xi32>,
      %get3A_1153 = vector.shape_cast %get3A_1152 : vector<16xi32> to vector<16xi32>
      %and3A_1154 = arith.constant 65535 : i32
      %and3A_1155 = vector.broadcast %and3A_1154 : i32 to vector<16xi32>
      %and3A_1156 = arith.andi %get3A_1153, %and3A_1155 : vector<16xi32>
      %add3A_1157 = arith.constant 64 : i32
      %add3A_1158 = arith.addi %mul3A_1092, %add3A_1157 : i32
      %swap3A_1159 = arith.index_cast %add3A_1158 : i32 to index
      %swap3A_1160 = tpu.vector_load %arg10[%swap3A_1159] {strides = array<i32>} : memref<512xi32, #tpu.memory_space<vmem>>, vector<16xi32>,
      %swap3A_1161 = vector.shape_cast %swap3A_1160 : vector<16xi32> to vector<16xi32>
      %swap3A_1162 = vector.shape_cast %and3A_1156 : vector<16xi32> to vector<16xi32>
      tpu.vector_store %arg10[%swap3A_1159], %swap3A_1162 {strides = array<i32>} : memref<512xi32, #tpu.memory_space<vmem>>, vector<16xi32>,
      %shift_right_logical3A_1163 = arith.constant 16 : i32
      %shift_right_logical3A_1164 = vector.broadcast %shift_right_logical3A_1163 : i32 to vector<16xi32>
      %shift_right_logical3A_1165 = arith.shrui %get3A_1153, %shift_right_logical3A_1164 : vector<16xi32>
      %add3A_1166 = arith.constant 64 : i32
      %add3A_1167 = arith.addi %mul3A_1092, %add3A_1166 : i32
      %add3A_1168 = arith.constant 16 : i32
      %add3A_1169 = arith.addi %add3A_1167, %add3A_1168 : i32
      %swap3A_1170 = arith.index_cast %add3A_1169 : i32 to index
      %swap3A_1171 = tpu.vector_load %arg10[%swap3A_1170] {strides = array<i32>} : memref<512xi32, #tpu.memory_space<vmem>>, vector<16xi32>,
      %swap3A_1172 = vector.shape_cast %swap3A_1171 : vector<16xi32> to vector<16xi32>
      %swap3A_1173 = vector.shape_cast %shift_right_logical3A_1165 : vector<16xi32> to vector<16xi32>
      tpu.vector_store %arg10[%swap3A_1170], %swap3A_1173 {strides = array<i32>} : memref<512xi32, #tpu.memory_space<vmem>>, vector<16xi32>,
      %mul3A_1174 = arith.constant 64 : i32
      %mul3A_1175 = arith.muli %add3A_1088, %mul3A_1174 : i32
      %add3A_1176 = arith.constant 48 : i32
      %add3A_1177 = arith.addi %mul3A_1175, %add3A_1176 : i32
      %get3A_1178 = arith.index_cast %add3A_1177 : i32 to index
      %get3A_1179 = tpu.vector_load %arg8[%get3A_1178] {strides = array<i32>} : memref<10240xi32, #tpu.memory_space<vmem>>, vector<16xi32>,
      %get3A_1180 = vector.shape_cast %get3A_1179 : vector<16xi32> to vector<16xi32>
      %and3A_1181 = arith.constant 65535 : i32
      %and3A_1182 = vector.broadcast %and3A_1181 : i32 to vector<16xi32>
      %and3A_1183 = arith.andi %get3A_1180, %and3A_1182 : vector<16xi32>
      %add3A_1184 = arith.constant 96 : i32
      %add3A_1185 = arith.addi %mul3A_1092, %add3A_1184 : i32
      %swap3A_1186 = arith.index_cast %add3A_1185 : i32 to index
      %swap3A_1187 = tpu.vector_load %arg10[%swap3A_1186] {strides = array<i32>} : memref<512xi32, #tpu.memory_space<vmem>>, vector<16xi32>,
      %swap3A_1188 = vector.shape_cast %swap3A_1187 : vector<16xi32> to vector<16xi32>
      %swap3A_1189 = vector.shape_cast %and3A_1183 : vector<16xi32> to vector<16xi32>
      tpu.vector_store %arg10[%swap3A_1186], %swap3A_1189 {strides = array<i32>} : memref<512xi32, #tpu.memory_space<vmem>>, vector<16xi32>,
      %shift_right_logical3A_1190 = arith.constant 16 : i32
      %shift_right_logical3A_1191 = vector.broadcast %shift_right_logical3A_1190 : i32 to vector<16xi32>
      %shift_right_logical3A_1192 = arith.shrui %get3A_1180, %shift_right_logical3A_1191 : vector<16xi32>
      %add3A_1193 = arith.constant 96 : i32
      %add3A_1194 = arith.addi %mul3A_1092, %add3A_1193 : i32
      %add3A_1195 = arith.constant 16 : i32
      %add3A_1196 = arith.addi %add3A_1194, %add3A_1195 : i32
      %swap3A_1197 = arith.index_cast %add3A_1196 : i32 to index
      %swap3A_1198 = tpu.vector_load %arg10[%swap3A_1197] {strides = array<i32>} : memref<512xi32, #tpu.memory_space<vmem>>, vector<16xi32>,
      %swap3A_1199 = vector.shape_cast %swap3A_1198 : vector<16xi32> to vector<16xi32>
      %swap3A_1200 = vector.shape_cast %shift_right_logical3A_1192 : vector<16xi32> to vector<16xi32>
      tpu.vector_store %arg10[%swap3A_1197], %swap3A_1200 {strides = array<i32>} : memref<512xi32, #tpu.memory_space<vmem>>, vector<16xi32>,
      %add3A_1201 = arith.constant 3 : i32
      %add3A_1202 = arith.addi %add3A_1072, %add3A_1201 : i32
      %and3A_1203 = arith.constant 3 : i32
      %and3A_1204 = arith.andi %add3A_1202, %and3A_1203 : i32
      %mul3A_1205 = arith.constant 128 : i32
      %mul3A_1206 = arith.muli %and3A_1204, %mul3A_1205 : i32
      %dma_start3A_1207 = arith.constant 2 : i32
      %dma_start3A_1208 = arith.constant 0 : i32
      %dma_start3A_1209 = arith.constant 0 : i32
      %dma_start3A_1210 = tpu.memref_slice %arg11[%dma_start3A_1207, %dma_start3A_1208, %dma_start3A_1209] : memref<3x128x128xf32, #tpu.memory_space<vmem>> -> memref<1x128x128xf32, #tpu.memory_space<vmem>>
      %dma_start3A_1211 = tpu.memref_squeeze %dma_start3A_1210 : memref<1x128x128xf32, #tpu.memory_space<vmem>> -> memref<128x128xf32, #tpu.memory_space<vmem>>
      %dma_start3A_1212 = tpu.memref_slice %arg10[%mul3A_1206] : memref<512xi32, #tpu.memory_space<vmem>> -> memref<128xi32, #tpu.memory_space<vmem>>
      %dma_start3A_1213 = arith.constant 0 : i32
      %dma_start3A_1214 = arith.constant 0 : i32
      %dma_start3A_1215 = tpu.memref_slice %arg2[%dma_start3A_1213, %dma_start3A_1214] : memref<10000x128xf32, #tpu.memory_space<hbm>> -> memref<10000x128xf32, #tpu.memory_space<hbm>>
      %dma_start3A_1216 = arith.constant 65535 : i32
      tpu.enqueue_indirect_dma source(%dma_start3A_1215 : memref<10000x128xf32, #tpu.memory_space<hbm>>) target(%dma_start3A_1211 : memref<128x128xf32, #tpu.memory_space<vmem>>) offsets(%dma_start3A_1212 : memref<128xi32, #tpu.memory_space<vmem>>) offset_filter(%dma_start3A_1216) semaphore(%arg15 : memref<!tpu.dma_semaphore, #tpu.memory_space<semaphore_mem>>)
    }
    %scan3A_260 = arith.constant 52 : i32
    %dma_wait3A = arith.constant 0 : i32
    %dma_wait3A_261 = arith.constant 0 : i32
    %dma_wait3A_262 = arith.constant 0 : i32
    %dma_wait3A_263 = tpu.memref_slice %arg11[%dma_wait3A, %dma_wait3A_261, %dma_wait3A_262] : memref<3x128x128xf32, #tpu.memory_space<vmem>> -> memref<1x128x128xf32, #tpu.memory_space<vmem>>
    %dma_wait3A_264 = tpu.memref_squeeze %dma_wait3A_263 : memref<1x128x128xf32, #tpu.memory_space<vmem>> -> memref<128x128xf32, #tpu.memory_space<vmem>>
    %dma_wait3A_265 = arith.constant 0 : i32
    %dma_wait3A_266 = tpu.memref_slice %arg10[%dma_wait3A_265] : memref<512xi32, #tpu.memory_space<vmem>> -> memref<128xi32, #tpu.memory_space<vmem>>
    %dma_wait3A_267 = arith.constant 0 : i32
    %dma_wait3A_268 = arith.constant 0 : i32
    %dma_wait3A_269 = tpu.memref_slice %arg2[%dma_wait3A_267, %dma_wait3A_268] : memref<10000x128xf32, #tpu.memory_space<hbm>> -> memref<10000x128xf32, #tpu.memory_space<hbm>>
    tpu.wait_indirect_dma semaphore(%arg13 : memref<!tpu.dma_semaphore, #tpu.memory_space<semaphore_mem>>) src(%dma_wait3A_269 : memref<10000x128xf32, #tpu.memory_space<hbm>>) dst(%dma_wait3A_264 : memref<128x128xf32, #tpu.memory_space<vmem>>)
    %run_scoped3A_270 = arith.constant 0 : i32
    %run_scoped3A_271 = arith.constant 156 : i32
    "tpu.region"() ({
      %run_scoped3A_776 = tpu.sem_alloc : memref<!tpu.dma_semaphore, #tpu.memory_space<semaphore_mem>>
      %dma_start3A_777 = arith.constant 0 : i32
      %dma_start3A_778 = arith.constant 0 : i32
      %dma_start3A_779 = tpu.memref_slice %arg11[%run_scoped3A_270, %dma_start3A_777, %dma_start3A_778] : memref<3x128x128xf32, #tpu.memory_space<vmem>> -> memref<1x128x128xf32, #tpu.memory_space<vmem>>
      %dma_start3A_780 = tpu.memref_squeeze %dma_start3A_779 : memref<1x128x128xf32, #tpu.memory_space<vmem>> -> memref<128x128xf32, #tpu.memory_space<vmem>>
      %dma_start3A_781 = arith.constant 0 : i32
      %dma_start3A_782 = tpu.memref_slice %arg9[%run_scoped3A_271, %dma_start3A_781] : memref<160x128xi32, #tpu.memory_space<vmem>> -> memref<1x128xi32, #tpu.memory_space<vmem>>
      %dma_start3A_783 = tpu.memref_squeeze %dma_start3A_782 : memref<1x128xi32, #tpu.memory_space<vmem>> -> memref<128xi32, #tpu.memory_space<vmem>>
      %dma_start3A_784 = arith.constant 0 : i32
      %dma_start3A_785 = arith.constant 0 : i32
      %dma_start3A_786 = tpu.memref_slice %arg12[%dma_start3A_784, %dma_start3A_785] : memref<5120x128xf32, #tpu.memory_space<vmem_shared>> -> memref<5120x128xf32, #tpu.memory_space<vmem_shared>>
      %dma_start3A_787 = arith.constant -1 : i32
      tpu.enqueue_indirect_dma source(%dma_start3A_780 : memref<128x128xf32, #tpu.memory_space<vmem>>) target(%dma_start3A_786 : memref<5120x128xf32, #tpu.memory_space<vmem_shared>>) offsets(%dma_start3A_783 : memref<128xi32, #tpu.memory_space<vmem>>) offset_filter(%dma_start3A_787) semaphore(%run_scoped3A_776 : memref<!tpu.dma_semaphore, #tpu.memory_space<semaphore_mem>>) {add = true}
      %dma_wait3A_788 = arith.constant 0 : i32
      %dma_wait3A_789 = arith.constant 0 : i32
      %dma_wait3A_790 = tpu.memref_slice %arg11[%run_scoped3A_270, %dma_wait3A_788, %dma_wait3A_789] : memref<3x128x128xf32, #tpu.memory_space<vmem>> -> memref<1x128x128xf32, #tpu.memory_space<vmem>>
      %dma_wait3A_791 = tpu.memref_squeeze %dma_wait3A_790 : memref<1x128x128xf32, #tpu.memory_space<vmem>> -> memref<128x128xf32, #tpu.memory_space<vmem>>
      %dma_wait3A_792 = arith.constant 0 : i32
      %dma_wait3A_793 = tpu.memref_slice %arg9[%run_scoped3A_271, %dma_wait3A_792] : memref<160x128xi32, #tpu.memory_space<vmem>> -> memref<1x128xi32, #tpu.memory_space<vmem>>
      %dma_wait3A_794 = tpu.memref_squeeze %dma_wait3A_793 : memref<1x128xi32, #tpu.memory_space<vmem>> -> memref<128xi32, #tpu.memory_space<vmem>>
      %dma_wait3A_795 = arith.constant 0 : i32
      %dma_wait3A_796 = arith.constant 0 : i32
      %dma_wait3A_797 = tpu.memref_slice %arg12[%dma_wait3A_795, %dma_wait3A_796] : memref<5120x128xf32, #tpu.memory_space<vmem_shared>> -> memref<5120x128xf32, #tpu.memory_space<vmem_shared>>
      tpu.wait_indirect_dma semaphore(%run_scoped3A_776 : memref<!tpu.dma_semaphore, #tpu.memory_space<semaphore_mem>>) src(%dma_wait3A_791 : memref<128x128xf32, #tpu.memory_space<vmem>>) dst(%dma_wait3A_797 : memref<5120x128xf32, #tpu.memory_space<vmem_shared>>)
      tpu.yield
    }) : () -> ()
    %get3A_272 = arith.constant 10176 : index
    %get3A_273 = tpu.vector_load %arg8[%get3A_272] {strides = array<i32>} : memref<10240xi32, #tpu.memory_space<vmem>>, vector<16xi32>,
    %get3A_274 = vector.shape_cast %get3A_273 : vector<16xi32> to vector<16xi32>
    %and3A_275 = arith.constant 65535 : i32
    %and3A_276 = vector.broadcast %and3A_275 : i32 to vector<16xi32>
    %and3A_277 = arith.andi %get3A_274, %and3A_276 : vector<16xi32>
    %swap3A_278 = arith.constant 384 : index
    %swap3A_279 = tpu.vector_load %arg10[%swap3A_278] {strides = array<i32>} : memref<512xi32, #tpu.memory_space<vmem>>, vector<16xi32>,
    %swap3A_280 = vector.shape_cast %swap3A_279 : vector<16xi32> to vector<16xi32>
    %swap3A_281 = vector.shape_cast %and3A_277 : vector<16xi32> to vector<16xi32>
    tpu.vector_store %arg10[%swap3A_278], %swap3A_281 {strides = array<i32>} : memref<512xi32, #tpu.memory_space<vmem>>, vector<16xi32>,
    %shift_right_logical3A_282 = arith.constant 16 : i32
    %shift_right_logical3A_283 = vector.broadcast %shift_right_logical3A_282 : i32 to vector<16xi32>
    %shift_right_logical3A_284 = arith.shrui %get3A_274, %shift_right_logical3A_283 : vector<16xi32>
    %swap3A_285 = arith.constant 400 : index
    %swap3A_286 = tpu.vector_load %arg10[%swap3A_285] {strides = array<i32>} : memref<512xi32, #tpu.memory_space<vmem>>, vector<16xi32>,
    %swap3A_287 = vector.shape_cast %swap3A_286 : vector<16xi32> to vector<16xi32>
    %swap3A_288 = vector.shape_cast %shift_right_logical3A_284 : vector<16xi32> to vector<16xi32>
    tpu.vector_store %arg10[%swap3A_285], %swap3A_288 {strides = array<i32>} : memref<512xi32, #tpu.memory_space<vmem>>, vector<16xi32>,
    %get3A_289 = arith.constant 10192 : index
    %get3A_290 = tpu.vector_load %arg8[%get3A_289] {strides = array<i32>} : memref<10240xi32, #tpu.memory_space<vmem>>, vector<16xi32>,
    %get3A_291 = vector.shape_cast %get3A_290 : vector<16xi32> to vector<16xi32>
    %and3A_292 = arith.constant 65535 : i32
    %and3A_293 = vector.broadcast %and3A_292 : i32 to vector<16xi32>
    %and3A_294 = arith.andi %get3A_291, %and3A_293 : vector<16xi32>
    %swap3A_295 = arith.constant 416 : index
    %swap3A_296 = tpu.vector_load %arg10[%swap3A_295] {strides = array<i32>} : memref<512xi32, #tpu.memory_space<vmem>>, vector<16xi32>,
    %swap3A_297 = vector.shape_cast %swap3A_296 : vector<16xi32> to vector<16xi32>
    %swap3A_298 = vector.shape_cast %and3A_294 : vector<16xi32> to vector<16xi32>
    tpu.vector_store %arg10[%swap3A_295], %swap3A_298 {strides = array<i32>} : memref<512xi32, #tpu.memory_space<vmem>>, vector<16xi32>,
    %shift_right_logical3A_299 = arith.constant 16 : i32
    %shift_right_logical3A_300 = vector.broadcast %shift_right_logical3A_299 : i32 to vector<16xi32>
    %shift_right_logical3A_301 = arith.shrui %get3A_291, %shift_right_logical3A_300 : vector<16xi32>
    %swap3A_302 = arith.constant 432 : index
    %swap3A_303 = tpu.vector_load %arg10[%swap3A_302] {strides = array<i32>} : memref<512xi32, #tpu.memory_space<vmem>>, vector<16xi32>,
    %swap3A_304 = vector.shape_cast %swap3A_303 : vector<16xi32> to vector<16xi32>
    %swap3A_305 = vector.shape_cast %shift_right_logical3A_301 : vector<16xi32> to vector<16xi32>
    tpu.vector_store %arg10[%swap3A_302], %swap3A_305 {strides = array<i32>} : memref<512xi32, #tpu.memory_space<vmem>>, vector<16xi32>,
    %get3A_306 = arith.constant 10208 : index
    %get3A_307 = tpu.vector_load %arg8[%get3A_306] {strides = array<i32>} : memref<10240xi32, #tpu.memory_space<vmem>>, vector<16xi32>,
    %get3A_308 = vector.shape_cast %get3A_307 : vector<16xi32> to vector<16xi32>
    %and3A_309 = arith.constant 65535 : i32
    %and3A_310 = vector.broadcast %and3A_309 : i32 to vector<16xi32>
    %and3A_311 = arith.andi %get3A_308, %and3A_310 : vector<16xi32>
    %swap3A_312 = arith.constant 448 : index
    %swap3A_313 = tpu.vector_load %arg10[%swap3A_312] {strides = array<i32>} : memref<512xi32, #tpu.memory_space<vmem>>, vector<16xi32>,
    %swap3A_314 = vector.shape_cast %swap3A_313 : vector<16xi32> to vector<16xi32>
    %swap3A_315 = vector.shape_cast %and3A_311 : vector<16xi32> to vector<16xi32>
    tpu.vector_store %arg10[%swap3A_312], %swap3A_315 {strides = array<i32>} : memref<512xi32, #tpu.memory_space<vmem>>, vector<16xi32>,
    %shift_right_logical3A_316 = arith.constant 16 : i32
    %shift_right_logical3A_317 = vector.broadcast %shift_right_logical3A_316 : i32 to vector<16xi32>
    %shift_right_logical3A_318 = arith.shrui %get3A_308, %shift_right_logical3A_317 : vector<16xi32>
    %swap3A_319 = arith.constant 464 : index
    %swap3A_320 = tpu.vector_load %arg10[%swap3A_319] {strides = array<i32>} : memref<512xi32, #tpu.memory_space<vmem>>, vector<16xi32>,
    %swap3A_321 = vector.shape_cast %swap3A_320 : vector<16xi32> to vector<16xi32>
    %swap3A_322 = vector.shape_cast %shift_right_logical3A_318 : vector<16xi32> to vector<16xi32>
    tpu.vector_store %arg10[%swap3A_319], %swap3A_322 {strides = array<i32>} : memref<512xi32, #tpu.memory_space<vmem>>, vector<16xi32>,
    %get3A_323 = arith.constant 10224 : index
    %get3A_324 = tpu.vector_load %arg8[%get3A_323] {strides = array<i32>} : memref<10240xi32, #tpu.memory_space<vmem>>, vector<16xi32>,
    %get3A_325 = vector.shape_cast %get3A_324 : vector<16xi32> to vector<16xi32>
    %and3A_326 = arith.constant 65535 : i32
    %and3A_327 = vector.broadcast %and3A_326 : i32 to vector<16xi32>
    %and3A_328 = arith.andi %get3A_325, %and3A_327 : vector<16xi32>
    %swap3A_329 = arith.constant 480 : index
    %swap3A_330 = tpu.vector_load %arg10[%swap3A_329] {strides = array<i32>} : memref<512xi32, #tpu.memory_space<vmem>>, vector<16xi32>,
    %swap3A_331 = vector.shape_cast %swap3A_330 : vector<16xi32> to vector<16xi32>
    %swap3A_332 = vector.shape_cast %and3A_328 : vector<16xi32> to vector<16xi32>
    tpu.vector_store %arg10[%swap3A_329], %swap3A_332 {strides = array<i32>} : memref<512xi32, #tpu.memory_space<vmem>>, vector<16xi32>,
    %shift_right_logical3A_333 = arith.constant 16 : i32
    %shift_right_logical3A_334 = vector.broadcast %shift_right_logical3A_333 : i32 to vector<16xi32>
    %shift_right_logical3A_335 = arith.shrui %get3A_325, %shift_right_logical3A_334 : vector<16xi32>
    %swap3A_336 = arith.constant 496 : index
    %swap3A_337 = tpu.vector_load %arg10[%swap3A_336] {strides = array<i32>} : memref<512xi32, #tpu.memory_space<vmem>>, vector<16xi32>,
    %swap3A_338 = vector.shape_cast %swap3A_337 : vector<16xi32> to vector<16xi32>
    %swap3A_339 = vector.shape_cast %shift_right_logical3A_335 : vector<16xi32> to vector<16xi32>
    tpu.vector_store %arg10[%swap3A_336], %swap3A_339 {strides = array<i32>} : memref<512xi32, #tpu.memory_space<vmem>>, vector<16xi32>,
    %dma_start3A_340 = arith.constant 0 : i32
    %dma_start3A_341 = arith.constant 0 : i32
    %dma_start3A_342 = arith.constant 0 : i32
    %dma_start3A_343 = tpu.memref_slice %arg11[%dma_start3A_340, %dma_start3A_341, %dma_start3A_342] : memref<3x128x128xf32, #tpu.memory_space<vmem>> -> memref<1x128x128xf32, #tpu.memory_space<vmem>>
    %dma_start3A_344 = tpu.memref_squeeze %dma_start3A_343 : memref<1x128x128xf32, #tpu.memory_space<vmem>> -> memref<128x128xf32, #tpu.memory_space<vmem>>
    %dma_start3A_345 = arith.constant 384 : i32
    %dma_start3A_346 = tpu.memref_slice %arg10[%dma_start3A_345] : memref<512xi32, #tpu.memory_space<vmem>> -> memref<128xi32, #tpu.memory_space<vmem>>
    %dma_start3A_347 = arith.constant 0 : i32
    %dma_start3A_348 = arith.constant 0 : i32
    %dma_start3A_349 = tpu.memref_slice %arg2[%dma_start3A_347, %dma_start3A_348] : memref<10000x128xf32, #tpu.memory_space<hbm>> -> memref<10000x128xf32, #tpu.memory_space<hbm>>
    %dma_start3A_350 = arith.constant 65535 : i32
    tpu.enqueue_indirect_dma source(%dma_start3A_349 : memref<10000x128xf32, #tpu.memory_space<hbm>>) target(%dma_start3A_344 : memref<128x128xf32, #tpu.memory_space<vmem>>) offsets(%dma_start3A_346 : memref<128xi32, #tpu.memory_space<vmem>>) offset_filter(%dma_start3A_350) semaphore(%arg13 : memref<!tpu.dma_semaphore, #tpu.memory_space<semaphore_mem>>)
    %dma_wait3A_351 = arith.constant 1 : i32
    %dma_wait3A_352 = arith.constant 0 : i32
    %dma_wait3A_353 = arith.constant 0 : i32
    %dma_wait3A_354 = tpu.memref_slice %arg11[%dma_wait3A_351, %dma_wait3A_352, %dma_wait3A_353] : memref<3x128x128xf32, #tpu.memory_space<vmem>> -> memref<1x128x128xf32, #tpu.memory_space<vmem>>
    %dma_wait3A_355 = tpu.memref_squeeze %dma_wait3A_354 : memref<1x128x128xf32, #tpu.memory_space<vmem>> -> memref<128x128xf32, #tpu.memory_space<vmem>>
    %dma_wait3A_356 = arith.constant 128 : i32
    %dma_wait3A_357 = tpu.memref_slice %arg10[%dma_wait3A_356] : memref<512xi32, #tpu.memory_space<vmem>> -> memref<128xi32, #tpu.memory_space<vmem>>
    %dma_wait3A_358 = arith.constant 0 : i32
    %dma_wait3A_359 = arith.constant 0 : i32
    %dma_wait3A_360 = tpu.memref_slice %arg2[%dma_wait3A_358, %dma_wait3A_359] : memref<10000x128xf32, #tpu.memory_space<hbm>> -> memref<10000x128xf32, #tpu.memory_space<hbm>>
    tpu.wait_indirect_dma semaphore(%arg14 : memref<!tpu.dma_semaphore, #tpu.memory_space<semaphore_mem>>) src(%dma_wait3A_360 : memref<10000x128xf32, #tpu.memory_space<hbm>>) dst(%dma_wait3A_355 : memref<128x128xf32, #tpu.memory_space<vmem>>)
    %run_scoped3A_361 = arith.constant 1 : i32
    %run_scoped3A_362 = arith.constant 157 : i32
    "tpu.region"() ({
      %run_scoped3A_776 = tpu.sem_alloc : memref<!tpu.dma_semaphore, #tpu.memory_space<semaphore_mem>>
      %dma_start3A_777 = arith.constant 0 : i32
      %dma_start3A_778 = arith.constant 0 : i32
      %dma_start3A_779 = tpu.memref_slice %arg11[%run_scoped3A_361, %dma_start3A_777, %dma_start3A_778] : memref<3x128x128xf32, #tpu.memory_space<vmem>> -> memref<1x128x128xf32, #tpu.memory_space<vmem>>
      %dma_start3A_780 = tpu.memref_squeeze %dma_start3A_779 : memref<1x128x128xf32, #tpu.memory_space<vmem>> -> memref<128x128xf32, #tpu.memory_space<vmem>>
      %dma_start3A_781 = arith.constant 0 : i32
      %dma_start3A_782 = tpu.memref_slice %arg9[%run_scoped3A_362, %dma_start3A_781] : memref<160x128xi32, #tpu.memory_space<vmem>> -> memref<1x128xi32, #tpu.memory_space<vmem>>
      %dma_start3A_783 = tpu.memref_squeeze %dma_start3A_782 : memref<1x128xi32, #tpu.memory_space<vmem>> -> memref<128xi32, #tpu.memory_space<vmem>>
      %dma_start3A_784 = arith.constant 0 : i32
      %dma_start3A_785 = arith.constant 0 : i32
      %dma_start3A_786 = tpu.memref_slice %arg12[%dma_start3A_784, %dma_start3A_785] : memref<5120x128xf32, #tpu.memory_space<vmem_shared>> -> memref<5120x128xf32, #tpu.memory_space<vmem_shared>>
      %dma_start3A_787 = arith.constant -1 : i32
      tpu.enqueue_indirect_dma source(%dma_start3A_780 : memref<128x128xf32, #tpu.memory_space<vmem>>) target(%dma_start3A_786 : memref<5120x128xf32, #tpu.memory_space<vmem_shared>>) offsets(%dma_start3A_783 : memref<128xi32, #tpu.memory_space<vmem>>) offset_filter(%dma_start3A_787) semaphore(%run_scoped3A_776 : memref<!tpu.dma_semaphore, #tpu.memory_space<semaphore_mem>>) {add = true}
      %dma_wait3A_788 = arith.constant 0 : i32
      %dma_wait3A_789 = arith.constant 0 : i32
      %dma_wait3A_790 = tpu.memref_slice %arg11[%run_scoped3A_361, %dma_wait3A_788, %dma_wait3A_789] : memref<3x128x128xf32, #tpu.memory_space<vmem>> -> memref<1x128x128xf32, #tpu.memory_space<vmem>>
      %dma_wait3A_791 = tpu.memref_squeeze %dma_wait3A_790 : memref<1x128x128xf32, #tpu.memory_space<vmem>> -> memref<128x128xf32, #tpu.memory_space<vmem>>
      %dma_wait3A_792 = arith.constant 0 : i32
      %dma_wait3A_793 = tpu.memref_slice %arg9[%run_scoped3A_362, %dma_wait3A_792] : memref<160x128xi32, #tpu.memory_space<vmem>> -> memref<1x128xi32, #tpu.memory_space<vmem>>
      %dma_wait3A_794 = tpu.memref_squeeze %dma_wait3A_793 : memref<1x128xi32, #tpu.memory_space<vmem>> -> memref<128xi32, #tpu.memory_space<vmem>>
      %dma_wait3A_795 = arith.constant 0 : i32
      %dma_wait3A_796 = arith.constant 0 : i32
      %dma_wait3A_797 = tpu.memref_slice %arg12[%dma_wait3A_795, %dma_wait3A_796] : memref<5120x128xf32, #tpu.memory_space<vmem_shared>> -> memref<5120x128xf32, #tpu.memory_space<vmem_shared>>
      tpu.wait_indirect_dma semaphore(%run_scoped3A_776 : memref<!tpu.dma_semaphore, #tpu.memory_space<semaphore_mem>>) src(%dma_wait3A_791 : memref<128x128xf32, #tpu.memory_space<vmem>>) dst(%dma_wait3A_797 : memref<5120x128xf32, #tpu.memory_space<vmem_shared>>)
      tpu.yield
    }) : () -> ()
    %dma_wait3A_363 = arith.constant 2 : i32
    %dma_wait3A_364 = arith.constant 0 : i32
    %dma_wait3A_365 = arith.constant 0 : i32
    %dma_wait3A_366 = tpu.memref_slice %arg11[%dma_wait3A_363, %dma_wait3A_364, %dma_wait3A_365] : memref<3x128x128xf32, #tpu.memory_space<vmem>> -> memref<1x128x128xf32, #tpu.memory_space<vmem>>
    %dma_wait3A_367 = tpu.memref_squeeze %dma_wait3A_366 : memref<1x128x128xf32, #tpu.memory_space<vmem>> -> memref<128x128xf32, #tpu.memory_space<vmem>>
    %dma_wait3A_368 = arith.constant 256 : i32
    %dma_wait3A_369 = tpu.memref_slice %arg10[%dma_wait3A_368] : memref<512xi32, #tpu.memory_space<vmem>> -> memref<128xi32, #tpu.memory_space<vmem>>
    %dma_wait3A_370 = arith.constant 0 : i32
    %dma_wait3A_371 = arith.constant 0 : i32
    %dma_wait3A_372 = tpu.memref_slice %arg2[%dma_wait3A_370, %dma_wait3A_371] : memref<10000x128xf32, #tpu.memory_space<hbm>> -> memref<10000x128xf32, #tpu.memory_space<hbm>>
    tpu.wait_indirect_dma semaphore(%arg15 : memref<!tpu.dma_semaphore, #tpu.memory_space<semaphore_mem>>) src(%dma_wait3A_372 : memref<10000x128xf32, #tpu.memory_space<hbm>>) dst(%dma_wait3A_367 : memref<128x128xf32, #tpu.memory_space<vmem>>)
    %run_scoped3A_373 = arith.constant 2 : i32
    %run_scoped3A_374 = arith.constant 158 : i32
    "tpu.region"() ({
      %run_scoped3A_776 = tpu.sem_alloc : memref<!tpu.dma_semaphore, #tpu.memory_space<semaphore_mem>>
      %dma_start3A_777 = arith.constant 0 : i32
      %dma_start3A_778 = arith.constant 0 : i32
      %dma_start3A_779 = tpu.memref_slice %arg11[%run_scoped3A_373, %dma_start3A_777, %dma_start3A_778] : memref<3x128x128xf32, #tpu.memory_space<vmem>> -> memref<1x128x128xf32, #tpu.memory_space<vmem>>
      %dma_start3A_780 = tpu.memref_squeeze %dma_start3A_779 : memref<1x128x128xf32, #tpu.memory_space<vmem>> -> memref<128x128xf32, #tpu.memory_space<vmem>>
      %dma_start3A_781 = arith.constant 0 : i32
      %dma_start3A_782 = tpu.memref_slice %arg9[%run_scoped3A_374, %dma_start3A_781] : memref<160x128xi32, #tpu.memory_space<vmem>> -> memref<1x128xi32, #tpu.memory_space<vmem>>
      %dma_start3A_783 = tpu.memref_squeeze %dma_start3A_782 : memref<1x128xi32, #tpu.memory_space<vmem>> -> memref<128xi32, #tpu.memory_space<vmem>>
      %dma_start3A_784 = arith.constant 0 : i32
      %dma_start3A_785 = arith.constant 0 : i32
      %dma_start3A_786 = tpu.memref_slice %arg12[%dma_start3A_784, %dma_start3A_785] : memref<5120x128xf32, #tpu.memory_space<vmem_shared>> -> memref<5120x128xf32, #tpu.memory_space<vmem_shared>>
      %dma_start3A_787 = arith.constant -1 : i32
      tpu.enqueue_indirect_dma source(%dma_start3A_780 : memref<128x128xf32, #tpu.memory_space<vmem>>) target(%dma_start3A_786 : memref<5120x128xf32, #tpu.memory_space<vmem_shared>>) offsets(%dma_start3A_783 : memref<128xi32, #tpu.memory_space<vmem>>) offset_filter(%dma_start3A_787) semaphore(%run_scoped3A_776 : memref<!tpu.dma_semaphore, #tpu.memory_space<semaphore_mem>>) {add = true}
      %dma_wait3A_788 = arith.constant 0 : i32
      %dma_wait3A_789 = arith.constant 0 : i32
      %dma_wait3A_790 = tpu.memref_slice %arg11[%run_scoped3A_373, %dma_wait3A_788, %dma_wait3A_789] : memref<3x128x128xf32, #tpu.memory_space<vmem>> -> memref<1x128x128xf32, #tpu.memory_space<vmem>>
      %dma_wait3A_791 = tpu.memref_squeeze %dma_wait3A_790 : memref<1x128x128xf32, #tpu.memory_space<vmem>> -> memref<128x128xf32, #tpu.memory_space<vmem>>
      %dma_wait3A_792 = arith.constant 0 : i32
      %dma_wait3A_793 = tpu.memref_slice %arg9[%run_scoped3A_374, %dma_wait3A_792] : memref<160x128xi32, #tpu.memory_space<vmem>> -> memref<1x128xi32, #tpu.memory_space<vmem>>
      %dma_wait3A_794 = tpu.memref_squeeze %dma_wait3A_793 : memref<1x128xi32, #tpu.memory_space<vmem>> -> memref<128xi32, #tpu.memory_space<vmem>>
      %dma_wait3A_795 = arith.constant 0 : i32
      %dma_wait3A_796 = arith.constant 0 : i32
      %dma_wait3A_797 = tpu.memref_slice %arg12[%dma_wait3A_795, %dma_wait3A_796] : memref<5120x128xf32, #tpu.memory_space<vmem_shared>> -> memref<5120x128xf32, #tpu.memory_space<vmem_shared>>
      tpu.wait_indirect_dma semaphore(%run_scoped3A_776 : memref<!tpu.dma_semaphore, #tpu.memory_space<semaphore_mem>>) src(%dma_wait3A_791 : memref<128x128xf32, #tpu.memory_space<vmem>>) dst(%dma_wait3A_797 : memref<5120x128xf32, #tpu.memory_space<vmem_shared>>)
      tpu.yield
    }) : () -> ()
    %dma_wait3A_375 = arith.constant 0 : i32
    %dma_wait3A_376 = arith.constant 0 : i32
    %dma_wait3A_377 = arith.constant 0 : i32
    %dma_wait3A_378 = tpu.memref_slice %arg11[%dma_wait3A_375, %dma_wait3A_376, %dma_wait3A_377] : memref<3x128x128xf32, #tpu.memory_space<vmem>> -> memref<1x128x128xf32, #tpu.memory_space<vmem>>
    %dma_wait3A_379 = tpu.memref_squeeze %dma_wait3A_378 : memref<1x128x128xf32, #tpu.memory_space<vmem>> -> memref<128x128xf32, #tpu.memory_space<vmem>>
    %dma_wait3A_380 = arith.constant 384 : i32
    %dma_wait3A_381 = tpu.memref_slice %arg10[%dma_wait3A_380] : memref<512xi32, #tpu.memory_space<vmem>> -> memref<128xi32, #tpu.memory_space<vmem>>
    %dma_wait3A_382 = arith.constant 0 : i32
    %dma_wait3A_383 = arith.constant 0 : i32
    %dma_wait3A_384 = tpu.memref_slice %arg2[%dma_wait3A_382, %dma_wait3A_383] : memref<10000x128xf32, #tpu.memory_space<hbm>> -> memref<10000x128xf32, #tpu.memory_space<hbm>>
    tpu.wait_indirect_dma semaphore(%arg13 : memref<!tpu.dma_semaphore, #tpu.memory_space<semaphore_mem>>) src(%dma_wait3A_384 : memref<10000x128xf32, #tpu.memory_space<hbm>>) dst(%dma_wait3A_379 : memref<128x128xf32, #tpu.memory_space<vmem>>)
    %run_scoped3A_385 = arith.constant 0 : i32
    %run_scoped3A_386 = arith.constant 159 : i32
    "tpu.region"() ({
      %run_scoped3A_776 = tpu.sem_alloc : memref<!tpu.dma_semaphore, #tpu.memory_space<semaphore_mem>>
      %dma_start3A_777 = arith.constant 0 : i32
      %dma_start3A_778 = arith.constant 0 : i32
      %dma_start3A_779 = tpu.memref_slice %arg11[%run_scoped3A_385, %dma_start3A_777, %dma_start3A_778] : memref<3x128x128xf32, #tpu.memory_space<vmem>> -> memref<1x128x128xf32, #tpu.memory_space<vmem>>
      %dma_start3A_780 = tpu.memref_squeeze %dma_start3A_779 : memref<1x128x128xf32, #tpu.memory_space<vmem>> -> memref<128x128xf32, #tpu.memory_space<vmem>>
      %dma_start3A_781 = arith.constant 0 : i32
      %dma_start3A_782 = tpu.memref_slice %arg9[%run_scoped3A_386, %dma_start3A_781] : memref<160x128xi32, #tpu.memory_space<vmem>> -> memref<1x128xi32, #tpu.memory_space<vmem>>
      %dma_start3A_783 = tpu.memref_squeeze %dma_start3A_782 : memref<1x128xi32, #tpu.memory_space<vmem>> -> memref<128xi32, #tpu.memory_space<vmem>>
      %dma_start3A_784 = arith.constant 0 : i32
      %dma_start3A_785 = arith.constant 0 : i32
      %dma_start3A_786 = tpu.memref_slice %arg12[%dma_start3A_784, %dma_start3A_785] : memref<5120x128xf32, #tpu.memory_space<vmem_shared>> -> memref<5120x128xf32, #tpu.memory_space<vmem_shared>>
      %dma_start3A_787 = arith.constant -1 : i32
      tpu.enqueue_indirect_dma source(%dma_start3A_780 : memref<128x128xf32, #tpu.memory_space<vmem>>) target(%dma_start3A_786 : memref<5120x128xf32, #tpu.memory_space<vmem_shared>>) offsets(%dma_start3A_783 : memref<128xi32, #tpu.memory_space<vmem>>) offset_filter(%dma_start3A_787) semaphore(%run_scoped3A_776 : memref<!tpu.dma_semaphore, #tpu.memory_space<semaphore_mem>>) {add = true}
      %dma_wait3A_788 = arith.constant 0 : i32
      %dma_wait3A_789 = arith.constant 0 : i32
      %dma_wait3A_790 = tpu.memref_slice %arg11[%run_scoped3A_385, %dma_wait3A_788, %dma_wait3A_789] : memref<3x128x128xf32, #tpu.memory_space<vmem>> -> memref<1x128x128xf32, #tpu.memory_space<vmem>>
      %dma_wait3A_791 = tpu.memref_squeeze %dma_wait3A_790 : memref<1x128x128xf32, #tpu.memory_space<vmem>> -> memref<128x128xf32, #tpu.memory_space<vmem>>
      %dma_wait3A_792 = arith.constant 0 : i32
      %dma_wait3A_793 = tpu.memref_slice %arg9[%run_scoped3A_386, %dma_wait3A_792] : memref<160x128xi32, #tpu.memory_space<vmem>> -> memref<1x128xi32, #tpu.memory_space<vmem>>
      %dma_wait3A_794 = tpu.memref_squeeze %dma_wait3A_793 : memref<1x128xi32, #tpu.memory_space<vmem>> -> memref<128xi32, #tpu.memory_space<vmem>>
      %dma_wait3A_795 = arith.constant 0 : i32
      %dma_wait3A_796 = arith.constant 0 : i32
      %dma_wait3A_797 = tpu.memref_slice %arg12[%dma_wait3A_795, %dma_wait3A_796] : memref<5120x128xf32, #tpu.memory_space<vmem_shared>> -> memref<5120x128xf32, #tpu.memory_space<vmem_shared>>
      tpu.wait_indirect_dma semaphore(%run_scoped3A_776 : memref<!tpu.dma_semaphore, #tpu.memory_space<semaphore_mem>>) src(%dma_wait3A_791 : memref<128x128xf32, #tpu.memory_space<vmem>>) dst(%dma_wait3A_797 : memref<5120x128xf32, #tpu.memory_space<vmem_shared>>)
      tpu.yield
    }) : () -> ()
    %barrier3A_387 = arith.constant 0 : index
    tpu.barrier barrier_id(%barrier3A_387)
    %add3A_388 = arith.addi %mul3A_0, %mul3A_12 : i32
    "tpu.region"() ({
      %run_scoped3A_776 = tpu.sem_alloc : memref<!tpu.dma_semaphore, #tpu.memory_space<semaphore_mem>>
      %dma_start3A_777 = arith.constant 0 : i32
      %dma_start3A_778 = tpu.memref_slice %arg6[%add3A_388, %dma_start3A_777] : memref<10240x128xf32, #tpu.memory_space<hbm>> -> memref<320x128xf32, #tpu.memory_space<hbm>>
      %dma_start3A_779 = arith.constant 0 : i32
      %dma_start3A_780 = tpu.memref_slice %arg12[%mul3A_12, %dma_start3A_779] : memref<5120x128xf32, #tpu.memory_space<vmem_shared>> -> memref<320x128xf32, #tpu.memory_space<vmem_shared>>
      tpu.enqueue_dma source(%dma_start3A_780 : memref<320x128xf32, #tpu.memory_space<vmem_shared>>) target(%dma_start3A_778 : memref<320x128xf32, #tpu.memory_space<hbm>>) target_semaphore(%run_scoped3A_776 : memref<!tpu.dma_semaphore, #tpu.memory_space<semaphore_mem>>)
      %dma_wait3A_781 = arith.constant 0 : i32
      %dma_wait3A_782 = tpu.memref_slice %arg6[%add3A_388, %dma_wait3A_781] : memref<10240x128xf32, #tpu.memory_space<hbm>> -> memref<320x128xf32, #tpu.memory_space<hbm>>
      %dma_wait3A_783 = arith.constant 0 : i32
      %dma_wait3A_784 = tpu.memref_slice %arg12[%mul3A_12, %dma_wait3A_783] : memref<5120x128xf32, #tpu.memory_space<vmem_shared>> -> memref<320x128xf32, #tpu.memory_space<vmem_shared>>
      tpu.wait_dma2 semaphore(%run_scoped3A_776 : memref<!tpu.dma_semaphore, #tpu.memory_space<semaphore_mem>>) src(%dma_wait3A_784 : memref<320x128xf32, #tpu.memory_space<vmem_shared>>) dst(%dma_wait3A_782 : memref<320x128xf32, #tpu.memory_space<hbm>>)
      tpu.yield
    }) : () -> ()
    %barrier3A_389 = arith.constant 0 : index
    tpu.barrier barrier_id(%barrier3A_389)
    %scan3A_390 = arith.constant 0 : i32
    %scan3A_391 = arith.constant 0 : i32
    %scan3A_392 = arith.constant 1024 : i32
    %scan3A_393 = arith.addi %scan3A_391, %scan3A_392 : i32
    %scan3A_394 = arith.constant 1 : i32
    scf.for %scan3A_776 = %scan3A_391 to %scan3A_393 step %scan3A_394  : i32 {
      %jit3A = arith.constant 8 : i32
      %div3A = arith.divsi %scan3A_776, %jit3A : i32
      %sign3A = arith.constant 0 : i32
      %sign3A_777 = arith.cmpi sgt, %scan3A_776, %sign3A : i32
      %sign3A_778 = arith.extui %sign3A_777 : i1 to i32
      %sign3A_779 = arith.constant 0 : i32
      %sign3A_780 = arith.cmpi slt, %scan3A_776, %sign3A_779 : i32
      %sign3A_781 = arith.extui %sign3A_780 : i1 to i32
      %sign3A_782 = arith.subi %sign3A_778, %sign3A_781 : i32
      %sign3A_783 = arith.constant 0 : i32
      %sign3A_784 = arith.cmpi sgt, %jit3A, %sign3A_783 : i32
      %sign3A_785 = arith.extui %sign3A_784 : i1 to i32
      %sign3A_786 = arith.constant 0 : i32
      %sign3A_787 = arith.cmpi slt, %jit3A, %sign3A_786 : i32
      %sign3A_788 = arith.extui %sign3A_787 : i1 to i32
      %sign3A_789 = arith.subi %sign3A_785, %sign3A_788 : i32
      %ne3A = arith.cmpi ne, %sign3A_782, %sign3A_789 : i32
      %rem3A = arith.remsi %scan3A_776, %jit3A : i32
      %ne3A_790 = arith.constant 0 : i32
      %ne3A_791 = arith.cmpi ne, %rem3A, %ne3A_790 : i32
      %and3A_792 = arith.andi %ne3A, %ne3A_791 : i1
      %sub3A = arith.constant 1 : i32
      %sub3A_793 = arith.subi %div3A, %sub3A : i32
      %select_n3A = arith.select %and3A_792, %sub3A_793, %div3A : i32
      %jit3A_794 = arith.constant 8 : i32
      %eq3A = arith.constant 0 : i32
      %eq3A_795 = arith.cmpi eq, %jit3A_794, %eq3A : i32
      %jit3A_796 = arith.constant 1 : i32
      %select_n3A_797 = arith.select %eq3A_795, %jit3A_796, %jit3A_794 : i32
      %rem3A_798 = arith.remsi %scan3A_776, %select_n3A_797 : i32
      %ne3A_799 = arith.constant 0 : i32
      %ne3A_800 = arith.cmpi ne, %rem3A_798, %ne3A_799 : i32
      %lt3A = arith.constant 0 : i32
      %lt3A_801 = arith.cmpi slt, %rem3A_798, %lt3A : i32
      %lt3A_802 = arith.constant 0 : i32
      %lt3A_803 = arith.cmpi slt, %select_n3A_797, %lt3A_802 : i32
      %ne3A_804 = arith.xori %lt3A_801, %lt3A_803 : i1
      %and3A_805 = arith.andi %ne3A_804, %ne3A_800 : i1
      %add3A_806 = arith.addi %rem3A_798, %select_n3A_797 : i32
      %select_n3A_807 = arith.select %and3A_805, %add3A_806, %rem3A_798 : i32
      %broadcast_in_dim3A = arith.constant 0.000000e+00 : f32
      %broadcast_in_dim3A_808 = vector.broadcast %broadcast_in_dim3A : f32 to vector<16xf32>
      %mul3A_809 = arith.constant 16 : i32
      %mul3A_810 = arith.muli %select_n3A_807, %mul3A_809 : i32
      %swap3A_811 = arith.constant 0 : i32
      %swap3A_812 = arith.constant 0 : i32
      %swap3A_813 = tpu.memref_slice %arg11[%scan3A_390, %swap3A_811, %swap3A_812] : memref<3x128x128xf32, #tpu.memory_space<vmem>> -> memref<1x128x128xf32, #tpu.memory_space<vmem>>
      %swap3A_814 = tpu.memref_squeeze %swap3A_813 : memref<1x128x128xf32, #tpu.memory_space<vmem>> -> memref<128x128xf32, #tpu.memory_space<vmem>>
      %swap3A_815 = arith.index_cast %select_n3A : i32 to index
      %swap3A_816 = arith.index_cast %mul3A_810 : i32 to index
      %swap3A_817 = tpu.vector_load %swap3A_814[%swap3A_815, %swap3A_816] {strides = array<i32>} : memref<128x128xf32, #tpu.memory_space<vmem>>, vector<1x16xf32>,
      %swap3A_818 = vector.shape_cast %swap3A_817 : vector<1x16xf32> to vector<16xf32>
      %swap3A_819 = vector.shape_cast %broadcast_in_dim3A_808 : vector<16xf32> to vector<1x16xf32>
      tpu.vector_store %swap3A_814[%swap3A_815, %swap3A_816], %swap3A_819 {strides = array<i32>} : memref<128x128xf32, #tpu.memory_space<vmem>>, vector<1x16xf32>,
    }
    %scan3A_395 = arith.constant 1024 : i32
    %run_scoped3A_396 = arith.constant 0 : i32
    "tpu.region"() ({
      %run_scoped3A_776 = tpu.sem_alloc : memref<!tpu.dma_semaphore, #tpu.memory_space<semaphore_mem>>
      %dma_start3A_777 = arith.constant 0 : i32
      %dma_start3A_778 = arith.constant 0 : i32
      %dma_start3A_779 = tpu.memref_slice %arg11[%run_scoped3A_396, %dma_start3A_777, %dma_start3A_778] : memref<3x128x128xf32, #tpu.memory_space<vmem>> -> memref<1x128x128xf32, #tpu.memory_space<vmem>>
      %dma_start3A_780 = tpu.memref_squeeze %dma_start3A_779 : memref<1x128x128xf32, #tpu.memory_space<vmem>> -> memref<128x128xf32, #tpu.memory_space<vmem>>
      %dma_start3A_781 = arith.constant 0 : i32
      %dma_start3A_782 = tpu.memref_slice %arg12[%mul3A_10, %dma_start3A_781] : memref<5120x128xf32, #tpu.memory_space<vmem_shared>> -> memref<128x128xf32, #tpu.memory_space<vmem_shared>>
      %dma_start3A_783 = arith.constant 0 : i32
      %dma_start3A_784 = tpu.memref_slice %arg12[%mul3A_10, %dma_start3A_783] : memref<5120x128xf32, #tpu.memory_space<vmem_shared>> -> memref<128x128xf32, #tpu.memory_space<vmem_shared>>
      %dma_start3A_785 = arith.constant 0 : i32
      %dma_start3A_786 = arith.constant 0 : i32
      %dma_start3A_787 = tpu.memref_slice %arg11[%run_scoped3A_396, %dma_start3A_785, %dma_start3A_786] : memref<3x128x128xf32, #tpu.memory_space<vmem>> -> memref<1x128x128xf32, #tpu.memory_space<vmem>>
      %dma_start3A_788 = tpu.memref_squeeze %dma_start3A_787 : memref<1x128x128xf32, #tpu.memory_space<vmem>> -> memref<128x128xf32, #tpu.memory_space<vmem>>
      tpu.enqueue_dma source(%dma_start3A_788 : memref<128x128xf32, #tpu.memory_space<vmem>>) target(%dma_start3A_784 : memref<128x128xf32, #tpu.memory_space<vmem_shared>>) target_semaphore(%run_scoped3A_776 : memref<!tpu.dma_semaphore, #tpu.memory_space<semaphore_mem>>)
      %dma_wait3A_789 = arith.constant 0 : i32
      %dma_wait3A_790 = arith.constant 0 : i32
      %dma_wait3A_791 = tpu.memref_slice %arg11[%run_scoped3A_396, %dma_wait3A_789, %dma_wait3A_790] : memref<3x128x128xf32, #tpu.memory_space<vmem>> -> memref<1x128x128xf32, #tpu.memory_space<vmem>>
      %dma_wait3A_792 = tpu.memref_squeeze %dma_wait3A_791 : memref<1x128x128xf32, #tpu.memory_space<vmem>> -> memref<128x128xf32, #tpu.memory_space<vmem>>
      %dma_wait3A_793 = arith.constant 0 : i32
      %dma_wait3A_794 = tpu.memref_slice %arg12[%mul3A_10, %dma_wait3A_793] : memref<5120x128xf32, #tpu.memory_space<vmem_shared>> -> memref<128x128xf32, #tpu.memory_space<vmem_shared>>
      %dma_wait3A_795 = arith.constant 0 : i32
      %dma_wait3A_796 = tpu.memref_slice %arg12[%mul3A_10, %dma_wait3A_795] : memref<5120x128xf32, #tpu.memory_space<vmem_shared>> -> memref<128x128xf32, #tpu.memory_space<vmem_shared>>
      %dma_wait3A_797 = arith.constant 0 : i32
      %dma_wait3A_798 = arith.constant 0 : i32
      %dma_wait3A_799 = tpu.memref_slice %arg11[%run_scoped3A_396, %dma_wait3A_797, %dma_wait3A_798] : memref<3x128x128xf32, #tpu.memory_space<vmem>> -> memref<1x128x128xf32, #tpu.memory_space<vmem>>
      %dma_wait3A_800 = tpu.memref_squeeze %dma_wait3A_799 : memref<1x128x128xf32, #tpu.memory_space<vmem>> -> memref<128x128xf32, #tpu.memory_space<vmem>>
      tpu.wait_dma2 semaphore(%run_scoped3A_776 : memref<!tpu.dma_semaphore, #tpu.memory_space<semaphore_mem>>) src(%dma_wait3A_800 : memref<128x128xf32, #tpu.memory_space<vmem>>) dst(%dma_wait3A_796 : memref<128x128xf32, #tpu.memory_space<vmem_shared>>)
      tpu.yield
    }) : () -> ()
    %add3A_397 = arith.constant 128 : i32
    %add3A_398 = arith.addi %mul3A_10, %add3A_397 : i32
    %run_scoped3A_399 = arith.constant 0 : i32
    "tpu.region"() ({
      %run_scoped3A_776 = tpu.sem_alloc : memref<!tpu.dma_semaphore, #tpu.memory_space<semaphore_mem>>
      %dma_start3A_777 = arith.constant 0 : i32
      %dma_start3A_778 = arith.constant 0 : i32
      %dma_start3A_779 = tpu.memref_slice %arg11[%run_scoped3A_399, %dma_start3A_777, %dma_start3A_778] : memref<3x128x128xf32, #tpu.memory_space<vmem>> -> memref<1x128x128xf32, #tpu.memory_space<vmem>>
      %dma_start3A_780 = tpu.memref_squeeze %dma_start3A_779 : memref<1x128x128xf32, #tpu.memory_space<vmem>> -> memref<128x128xf32, #tpu.memory_space<vmem>>
      %dma_start3A_781 = arith.constant 0 : i32
      %dma_start3A_782 = tpu.memref_slice %arg12[%add3A_398, %dma_start3A_781] : memref<5120x128xf32, #tpu.memory_space<vmem_shared>> -> memref<128x128xf32, #tpu.memory_space<vmem_shared>>
      %dma_start3A_783 = arith.constant 0 : i32
      %dma_start3A_784 = tpu.memref_slice %arg12[%add3A_398, %dma_start3A_783] : memref<5120x128xf32, #tpu.memory_space<vmem_shared>> -> memref<128x128xf32, #tpu.memory_space<vmem_shared>>
      %dma_start3A_785 = arith.constant 0 : i32
      %dma_start3A_786 = arith.constant 0 : i32
      %dma_start3A_787 = tpu.memref_slice %arg11[%run_scoped3A_399, %dma_start3A_785, %dma_start3A_786] : memref<3x128x128xf32, #tpu.memory_space<vmem>> -> memref<1x128x128xf32, #tpu.memory_space<vmem>>
      %dma_start3A_788 = tpu.memref_squeeze %dma_start3A_787 : memref<1x128x128xf32, #tpu.memory_space<vmem>> -> memref<128x128xf32, #tpu.memory_space<vmem>>
      tpu.enqueue_dma source(%dma_start3A_788 : memref<128x128xf32, #tpu.memory_space<vmem>>) target(%dma_start3A_784 : memref<128x128xf32, #tpu.memory_space<vmem_shared>>) target_semaphore(%run_scoped3A_776 : memref<!tpu.dma_semaphore, #tpu.memory_space<semaphore_mem>>)
      %dma_wait3A_789 = arith.constant 0 : i32
      %dma_wait3A_790 = arith.constant 0 : i32
      %dma_wait3A_791 = tpu.memref_slice %arg11[%run_scoped3A_399, %dma_wait3A_789, %dma_wait3A_790] : memref<3x128x128xf32, #tpu.memory_space<vmem>> -> memref<1x128x128xf32, #tpu.memory_space<vmem>>
      %dma_wait3A_792 = tpu.memref_squeeze %dma_wait3A_791 : memref<1x128x128xf32, #tpu.memory_space<vmem>> -> memref<128x128xf32, #tpu.memory_space<vmem>>
      %dma_wait3A_793 = arith.constant 0 : i32
      %dma_wait3A_794 = tpu.memref_slice %arg12[%add3A_398, %dma_wait3A_793] : memref<5120x128xf32, #tpu.memory_space<vmem_shared>> -> memref<128x128xf32, #tpu.memory_space<vmem_shared>>
      %dma_wait3A_795 = arith.constant 0 : i32
      %dma_wait3A_796 = tpu.memref_slice %arg12[%add3A_398, %dma_wait3A_795] : memref<5120x128xf32, #tpu.memory_space<vmem_shared>> -> memref<128x128xf32, #tpu.memory_space<vmem_shared>>
      %dma_wait3A_797 = arith.constant 0 : i32
      %dma_wait3A_798 = arith.constant 0 : i32
      %dma_wait3A_799 = tpu.memref_slice %arg11[%run_scoped3A_399, %dma_wait3A_797, %dma_wait3A_798] : memref<3x128x128xf32, #tpu.memory_space<vmem>> -> memref<1x128x128xf32, #tpu.memory_space<vmem>>
      %dma_wait3A_800 = tpu.memref_squeeze %dma_wait3A_799 : memref<1x128x128xf32, #tpu.memory_space<vmem>> -> memref<128x128xf32, #tpu.memory_space<vmem>>
      tpu.wait_dma2 semaphore(%run_scoped3A_776 : memref<!tpu.dma_semaphore, #tpu.memory_space<semaphore_mem>>) src(%dma_wait3A_800 : memref<128x128xf32, #tpu.memory_space<vmem>>) dst(%dma_wait3A_796 : memref<128x128xf32, #tpu.memory_space<vmem_shared>>)
      tpu.yield
    }) : () -> ()
    %add3A_400 = arith.constant 256 : i32
    %add3A_401 = arith.addi %mul3A_10, %add3A_400 : i32
    %run_scoped3A_402 = arith.constant 0 : i32
    "tpu.region"() ({
      %run_scoped3A_776 = tpu.sem_alloc : memref<!tpu.dma_semaphore, #tpu.memory_space<semaphore_mem>>
      %dma_start3A_777 = arith.constant 0 : i32
      %dma_start3A_778 = arith.constant 0 : i32
      %dma_start3A_779 = tpu.memref_slice %arg11[%run_scoped3A_402, %dma_start3A_777, %dma_start3A_778] : memref<3x128x128xf32, #tpu.memory_space<vmem>> -> memref<1x128x128xf32, #tpu.memory_space<vmem>>
      %dma_start3A_780 = tpu.memref_squeeze %dma_start3A_779 : memref<1x128x128xf32, #tpu.memory_space<vmem>> -> memref<128x128xf32, #tpu.memory_space<vmem>>
      %dma_start3A_781 = arith.constant 0 : i32
      %dma_start3A_782 = arith.constant 0 : i32
      %dma_start3A_783 = tpu.memref_slice %dma_start3A_780[%dma_start3A_781, %dma_start3A_782] : memref<128x128xf32, #tpu.memory_space<vmem>> -> memref<64x128xf32, #tpu.memory_space<vmem>>
      %dma_start3A_784 = arith.constant 0 : i32
      %dma_start3A_785 = tpu.memref_slice %arg12[%add3A_401, %dma_start3A_784] : memref<5120x128xf32, #tpu.memory_space<vmem_shared>> -> memref<64x128xf32, #tpu.memory_space<vmem_shared>>
      %dma_start3A_786 = arith.constant 0 : i32
      %dma_start3A_787 = tpu.memref_slice %arg12[%add3A_401, %dma_start3A_786] : memref<5120x128xf32, #tpu.memory_space<vmem_shared>> -> memref<64x128xf32, #tpu.memory_space<vmem_shared>>
      %dma_start3A_788 = arith.constant 0 : i32
      %dma_start3A_789 = arith.constant 0 : i32
      %dma_start3A_790 = tpu.memref_slice %arg11[%run_scoped3A_402, %dma_start3A_788, %dma_start3A_789] : memref<3x128x128xf32, #tpu.memory_space<vmem>> -> memref<1x128x128xf32, #tpu.memory_space<vmem>>
      %dma_start3A_791 = tpu.memref_squeeze %dma_start3A_790 : memref<1x128x128xf32, #tpu.memory_space<vmem>> -> memref<128x128xf32, #tpu.memory_space<vmem>>
      %dma_start3A_792 = arith.constant 0 : i32
      %dma_start3A_793 = arith.constant 0 : i32
      %dma_start3A_794 = tpu.memref_slice %dma_start3A_791[%dma_start3A_792, %dma_start3A_793] : memref<128x128xf32, #tpu.memory_space<vmem>> -> memref<64x128xf32, #tpu.memory_space<vmem>>
      tpu.enqueue_dma source(%dma_start3A_794 : memref<64x128xf32, #tpu.memory_space<vmem>>) target(%dma_start3A_787 : memref<64x128xf32, #tpu.memory_space<vmem_shared>>) target_semaphore(%run_scoped3A_776 : memref<!tpu.dma_semaphore, #tpu.memory_space<semaphore_mem>>)
      %dma_wait3A_795 = arith.constant 0 : i32
      %dma_wait3A_796 = arith.constant 0 : i32
      %dma_wait3A_797 = tpu.memref_slice %arg11[%run_scoped3A_402, %dma_wait3A_795, %dma_wait3A_796] : memref<3x128x128xf32, #tpu.memory_space<vmem>> -> memref<1x128x128xf32, #tpu.memory_space<vmem>>
      %dma_wait3A_798 = tpu.memref_squeeze %dma_wait3A_797 : memref<1x128x128xf32, #tpu.memory_space<vmem>> -> memref<128x128xf32, #tpu.memory_space<vmem>>
      %dma_wait3A_799 = arith.constant 0 : i32
      %dma_wait3A_800 = arith.constant 0 : i32
      %dma_wait3A_801 = tpu.memref_slice %dma_wait3A_798[%dma_wait3A_799, %dma_wait3A_800] : memref<128x128xf32, #tpu.memory_space<vmem>> -> memref<64x128xf32, #tpu.memory_space<vmem>>
      %dma_wait3A_802 = arith.constant 0 : i32
      %dma_wait3A_803 = tpu.memref_slice %arg12[%add3A_401, %dma_wait3A_802] : memref<5120x128xf32, #tpu.memory_space<vmem_shared>> -> memref<64x128xf32, #tpu.memory_space<vmem_shared>>
      %dma_wait3A_804 = arith.constant 0 : i32
      %dma_wait3A_805 = tpu.memref_slice %arg12[%add3A_401, %dma_wait3A_804] : memref<5120x128xf32, #tpu.memory_space<vmem_shared>> -> memref<64x128xf32, #tpu.memory_space<vmem_shared>>
      %dma_wait3A_806 = arith.constant 0 : i32
      %dma_wait3A_807 = arith.constant 0 : i32
      %dma_wait3A_808 = tpu.memref_slice %arg11[%run_scoped3A_402, %dma_wait3A_806, %dma_wait3A_807] : memref<3x128x128xf32, #tpu.memory_space<vmem>> -> memref<1x128x128xf32, #tpu.memory_space<vmem>>
      %dma_wait3A_809 = tpu.memref_squeeze %dma_wait3A_808 : memref<1x128x128xf32, #tpu.memory_space<vmem>> -> memref<128x128xf32, #tpu.memory_space<vmem>>
      %dma_wait3A_810 = arith.constant 0 : i32
      %dma_wait3A_811 = arith.constant 0 : i32
      %dma_wait3A_812 = tpu.memref_slice %dma_wait3A_809[%dma_wait3A_810, %dma_wait3A_811] : memref<128x128xf32, #tpu.memory_space<vmem>> -> memref<64x128xf32, #tpu.memory_space<vmem>>
      tpu.wait_dma2 semaphore(%run_scoped3A_776 : memref<!tpu.dma_semaphore, #tpu.memory_space<semaphore_mem>>) src(%dma_wait3A_812 : memref<64x128xf32, #tpu.memory_space<vmem>>) dst(%dma_wait3A_805 : memref<64x128xf32, #tpu.memory_space<vmem_shared>>)
      tpu.yield
    }) : () -> ()
    %barrier3A_403 = arith.constant 0 : index
    tpu.barrier barrier_id(%barrier3A_403)
    %get3A_404 = arith.constant 0 : index
    %get3A_405 = tpu.vector_load %arg8[%get3A_404] {strides = array<i32>} : memref<10240xi32, #tpu.memory_space<vmem>>, vector<16xi32>,
    %get3A_406 = vector.shape_cast %get3A_405 : vector<16xi32> to vector<16xi32>
    %and3A_407 = arith.constant 65535 : i32
    %and3A_408 = vector.broadcast %and3A_407 : i32 to vector<16xi32>
    %and3A_409 = arith.andi %get3A_406, %and3A_408 : vector<16xi32>
    %swap3A_410 = arith.constant 0 : index
    %swap3A_411 = tpu.vector_load %arg10[%swap3A_410] {strides = array<i32>} : memref<512xi32, #tpu.memory_space<vmem>>, vector<16xi32>,
    %swap3A_412 = vector.shape_cast %swap3A_411 : vector<16xi32> to vector<16xi32>
    %swap3A_413 = vector.shape_cast %and3A_409 : vector<16xi32> to vector<16xi32>
    tpu.vector_store %arg10[%swap3A_410], %swap3A_413 {strides = array<i32>} : memref<512xi32, #tpu.memory_space<vmem>>, vector<16xi32>,
    %shift_right_logical3A_414 = arith.constant 16 : i32
    %shift_right_logical3A_415 = vector.broadcast %shift_right_logical3A_414 : i32 to vector<16xi32>
    %shift_right_logical3A_416 = arith.shrui %get3A_406, %shift_right_logical3A_415 : vector<16xi32>
    %swap3A_417 = arith.constant 16 : index
    %swap3A_418 = tpu.vector_load %arg10[%swap3A_417] {strides = array<i32>} : memref<512xi32, #tpu.memory_space<vmem>>, vector<16xi32>,
    %swap3A_419 = vector.shape_cast %swap3A_418 : vector<16xi32> to vector<16xi32>
    %swap3A_420 = vector.shape_cast %shift_right_logical3A_416 : vector<16xi32> to vector<16xi32>
    tpu.vector_store %arg10[%swap3A_417], %swap3A_420 {strides = array<i32>} : memref<512xi32, #tpu.memory_space<vmem>>, vector<16xi32>,
    %get3A_421 = arith.constant 16 : index
    %get3A_422 = tpu.vector_load %arg8[%get3A_421] {strides = array<i32>} : memref<10240xi32, #tpu.memory_space<vmem>>, vector<16xi32>,
    %get3A_423 = vector.shape_cast %get3A_422 : vector<16xi32> to vector<16xi32>
    %and3A_424 = arith.constant 65535 : i32
    %and3A_425 = vector.broadcast %and3A_424 : i32 to vector<16xi32>
    %and3A_426 = arith.andi %get3A_423, %and3A_425 : vector<16xi32>
    %swap3A_427 = arith.constant 32 : index
    %swap3A_428 = tpu.vector_load %arg10[%swap3A_427] {strides = array<i32>} : memref<512xi32, #tpu.memory_space<vmem>>, vector<16xi32>,
    %swap3A_429 = vector.shape_cast %swap3A_428 : vector<16xi32> to vector<16xi32>
    %swap3A_430 = vector.shape_cast %and3A_426 : vector<16xi32> to vector<16xi32>
    tpu.vector_store %arg10[%swap3A_427], %swap3A_430 {strides = array<i32>} : memref<512xi32, #tpu.memory_space<vmem>>, vector<16xi32>,
    %shift_right_logical3A_431 = arith.constant 16 : i32
    %shift_right_logical3A_432 = vector.broadcast %shift_right_logical3A_431 : i32 to vector<16xi32>
    %shift_right_logical3A_433 = arith.shrui %get3A_423, %shift_right_logical3A_432 : vector<16xi32>
    %swap3A_434 = arith.constant 48 : index
    %swap3A_435 = tpu.vector_load %arg10[%swap3A_434] {strides = array<i32>} : memref<512xi32, #tpu.memory_space<vmem>>, vector<16xi32>,
    %swap3A_436 = vector.shape_cast %swap3A_435 : vector<16xi32> to vector<16xi32>
    %swap3A_437 = vector.shape_cast %shift_right_logical3A_433 : vector<16xi32> to vector<16xi32>
    tpu.vector_store %arg10[%swap3A_434], %swap3A_437 {strides = array<i32>} : memref<512xi32, #tpu.memory_space<vmem>>, vector<16xi32>,
    %get3A_438 = arith.constant 32 : index
    %get3A_439 = tpu.vector_load %arg8[%get3A_438] {strides = array<i32>} : memref<10240xi32, #tpu.memory_space<vmem>>, vector<16xi32>,
    %get3A_440 = vector.shape_cast %get3A_439 : vector<16xi32> to vector<16xi32>
    %and3A_441 = arith.constant 65535 : i32
    %and3A_442 = vector.broadcast %and3A_441 : i32 to vector<16xi32>
    %and3A_443 = arith.andi %get3A_440, %and3A_442 : vector<16xi32>
    %swap3A_444 = arith.constant 64 : index
    %swap3A_445 = tpu.vector_load %arg10[%swap3A_444] {strides = array<i32>} : memref<512xi32, #tpu.memory_space<vmem>>, vector<16xi32>,
    %swap3A_446 = vector.shape_cast %swap3A_445 : vector<16xi32> to vector<16xi32>
    %swap3A_447 = vector.shape_cast %and3A_443 : vector<16xi32> to vector<16xi32>
    tpu.vector_store %arg10[%swap3A_444], %swap3A_447 {strides = array<i32>} : memref<512xi32, #tpu.memory_space<vmem>>, vector<16xi32>,
    %shift_right_logical3A_448 = arith.constant 16 : i32
    %shift_right_logical3A_449 = vector.broadcast %shift_right_logical3A_448 : i32 to vector<16xi32>
    %shift_right_logical3A_450 = arith.shrui %get3A_440, %shift_right_logical3A_449 : vector<16xi32>
    %swap3A_451 = arith.constant 80 : index
    %swap3A_452 = tpu.vector_load %arg10[%swap3A_451] {strides = array<i32>} : memref<512xi32, #tpu.memory_space<vmem>>, vector<16xi32>,
    %swap3A_453 = vector.shape_cast %swap3A_452 : vector<16xi32> to vector<16xi32>
    %swap3A_454 = vector.shape_cast %shift_right_logical3A_450 : vector<16xi32> to vector<16xi32>
    tpu.vector_store %arg10[%swap3A_451], %swap3A_454 {strides = array<i32>} : memref<512xi32, #tpu.memory_space<vmem>>, vector<16xi32>,
    %get3A_455 = arith.constant 48 : index
    %get3A_456 = tpu.vector_load %arg8[%get3A_455] {strides = array<i32>} : memref<10240xi32, #tpu.memory_space<vmem>>, vector<16xi32>,
    %get3A_457 = vector.shape_cast %get3A_456 : vector<16xi32> to vector<16xi32>
    %and3A_458 = arith.constant 65535 : i32
    %and3A_459 = vector.broadcast %and3A_458 : i32 to vector<16xi32>
    %and3A_460 = arith.andi %get3A_457, %and3A_459 : vector<16xi32>
    %swap3A_461 = arith.constant 96 : index
    %swap3A_462 = tpu.vector_load %arg10[%swap3A_461] {strides = array<i32>} : memref<512xi32, #tpu.memory_space<vmem>>, vector<16xi32>,
    %swap3A_463 = vector.shape_cast %swap3A_462 : vector<16xi32> to vector<16xi32>
    %swap3A_464 = vector.shape_cast %and3A_460 : vector<16xi32> to vector<16xi32>
    tpu.vector_store %arg10[%swap3A_461], %swap3A_464 {strides = array<i32>} : memref<512xi32, #tpu.memory_space<vmem>>, vector<16xi32>,
    %shift_right_logical3A_465 = arith.constant 16 : i32
    %shift_right_logical3A_466 = vector.broadcast %shift_right_logical3A_465 : i32 to vector<16xi32>
    %shift_right_logical3A_467 = arith.shrui %get3A_457, %shift_right_logical3A_466 : vector<16xi32>
    %swap3A_468 = arith.constant 112 : index
    %swap3A_469 = tpu.vector_load %arg10[%swap3A_468] {strides = array<i32>} : memref<512xi32, #tpu.memory_space<vmem>>, vector<16xi32>,
    %swap3A_470 = vector.shape_cast %swap3A_469 : vector<16xi32> to vector<16xi32>
    %swap3A_471 = vector.shape_cast %shift_right_logical3A_467 : vector<16xi32> to vector<16xi32>
    tpu.vector_store %arg10[%swap3A_468], %swap3A_471 {strides = array<i32>} : memref<512xi32, #tpu.memory_space<vmem>>, vector<16xi32>,
    %dma_start3A_472 = arith.constant 0 : i32
    %dma_start3A_473 = arith.constant 0 : i32
    %dma_start3A_474 = arith.constant 0 : i32
    %dma_start3A_475 = tpu.memref_slice %arg11[%dma_start3A_472, %dma_start3A_473, %dma_start3A_474] : memref<3x128x128xf32, #tpu.memory_space<vmem>> -> memref<1x128x128xf32, #tpu.memory_space<vmem>>
    %dma_start3A_476 = tpu.memref_squeeze %dma_start3A_475 : memref<1x128x128xf32, #tpu.memory_space<vmem>> -> memref<128x128xf32, #tpu.memory_space<vmem>>
    %dma_start3A_477 = arith.constant 0 : i32
    %dma_start3A_478 = tpu.memref_slice %arg10[%dma_start3A_477] : memref<512xi32, #tpu.memory_space<vmem>> -> memref<128xi32, #tpu.memory_space<vmem>>
    %dma_start3A_479 = arith.constant 0 : i32
    %dma_start3A_480 = arith.constant 0 : i32
    %dma_start3A_481 = tpu.memref_slice %arg3[%dma_start3A_479, %dma_start3A_480] : memref<10000x128xf32, #tpu.memory_space<hbm>> -> memref<10000x128xf32, #tpu.memory_space<hbm>>
    %dma_start3A_482 = arith.constant 65535 : i32
    tpu.enqueue_indirect_dma source(%dma_start3A_481 : memref<10000x128xf32, #tpu.memory_space<hbm>>) target(%dma_start3A_476 : memref<128x128xf32, #tpu.memory_space<vmem>>) offsets(%dma_start3A_478 : memref<128xi32, #tpu.memory_space<vmem>>) offset_filter(%dma_start3A_482) semaphore(%arg13 : memref<!tpu.dma_semaphore, #tpu.memory_space<semaphore_mem>>)
    %get3A_483 = arith.constant 64 : index
    %get3A_484 = tpu.vector_load %arg8[%get3A_483] {strides = array<i32>} : memref<10240xi32, #tpu.memory_space<vmem>>, vector<16xi32>,
    %get3A_485 = vector.shape_cast %get3A_484 : vector<16xi32> to vector<16xi32>
    %and3A_486 = arith.constant 65535 : i32
    %and3A_487 = vector.broadcast %and3A_486 : i32 to vector<16xi32>
    %and3A_488 = arith.andi %get3A_485, %and3A_487 : vector<16xi32>
    %swap3A_489 = arith.constant 128 : index
    %swap3A_490 = tpu.vector_load %arg10[%swap3A_489] {strides = array<i32>} : memref<512xi32, #tpu.memory_space<vmem>>, vector<16xi32>,
    %swap3A_491 = vector.shape_cast %swap3A_490 : vector<16xi32> to vector<16xi32>
    %swap3A_492 = vector.shape_cast %and3A_488 : vector<16xi32> to vector<16xi32>
    tpu.vector_store %arg10[%swap3A_489], %swap3A_492 {strides = array<i32>} : memref<512xi32, #tpu.memory_space<vmem>>, vector<16xi32>,
    %shift_right_logical3A_493 = arith.constant 16 : i32
    %shift_right_logical3A_494 = vector.broadcast %shift_right_logical3A_493 : i32 to vector<16xi32>
    %shift_right_logical3A_495 = arith.shrui %get3A_485, %shift_right_logical3A_494 : vector<16xi32>
    %swap3A_496 = arith.constant 144 : index
    %swap3A_497 = tpu.vector_load %arg10[%swap3A_496] {strides = array<i32>} : memref<512xi32, #tpu.memory_space<vmem>>, vector<16xi32>,
    %swap3A_498 = vector.shape_cast %swap3A_497 : vector<16xi32> to vector<16xi32>
    %swap3A_499 = vector.shape_cast %shift_right_logical3A_495 : vector<16xi32> to vector<16xi32>
    tpu.vector_store %arg10[%swap3A_496], %swap3A_499 {strides = array<i32>} : memref<512xi32, #tpu.memory_space<vmem>>, vector<16xi32>,
    %get3A_500 = arith.constant 80 : index
    %get3A_501 = tpu.vector_load %arg8[%get3A_500] {strides = array<i32>} : memref<10240xi32, #tpu.memory_space<vmem>>, vector<16xi32>,
    %get3A_502 = vector.shape_cast %get3A_501 : vector<16xi32> to vector<16xi32>
    %and3A_503 = arith.constant 65535 : i32
    %and3A_504 = vector.broadcast %and3A_503 : i32 to vector<16xi32>
    %and3A_505 = arith.andi %get3A_502, %and3A_504 : vector<16xi32>
    %swap3A_506 = arith.constant 160 : index
    %swap3A_507 = tpu.vector_load %arg10[%swap3A_506] {strides = array<i32>} : memref<512xi32, #tpu.memory_space<vmem>>, vector<16xi32>,
    %swap3A_508 = vector.shape_cast %swap3A_507 : vector<16xi32> to vector<16xi32>
    %swap3A_509 = vector.shape_cast %and3A_505 : vector<16xi32> to vector<16xi32>
    tpu.vector_store %arg10[%swap3A_506], %swap3A_509 {strides = array<i32>} : memref<512xi32, #tpu.memory_space<vmem>>, vector<16xi32>,
    %shift_right_logical3A_510 = arith.constant 16 : i32
    %shift_right_logical3A_511 = vector.broadcast %shift_right_logical3A_510 : i32 to vector<16xi32>
    %shift_right_logical3A_512 = arith.shrui %get3A_502, %shift_right_logical3A_511 : vector<16xi32>
    %swap3A_513 = arith.constant 176 : index
    %swap3A_514 = tpu.vector_load %arg10[%swap3A_513] {strides = array<i32>} : memref<512xi32, #tpu.memory_space<vmem>>, vector<16xi32>,
    %swap3A_515 = vector.shape_cast %swap3A_514 : vector<16xi32> to vector<16xi32>
    %swap3A_516 = vector.shape_cast %shift_right_logical3A_512 : vector<16xi32> to vector<16xi32>
    tpu.vector_store %arg10[%swap3A_513], %swap3A_516 {strides = array<i32>} : memref<512xi32, #tpu.memory_space<vmem>>, vector<16xi32>,
    %get3A_517 = arith.constant 96 : index
    %get3A_518 = tpu.vector_load %arg8[%get3A_517] {strides = array<i32>} : memref<10240xi32, #tpu.memory_space<vmem>>, vector<16xi32>,
    %get3A_519 = vector.shape_cast %get3A_518 : vector<16xi32> to vector<16xi32>
    %and3A_520 = arith.constant 65535 : i32
    %and3A_521 = vector.broadcast %and3A_520 : i32 to vector<16xi32>
    %and3A_522 = arith.andi %get3A_519, %and3A_521 : vector<16xi32>
    %swap3A_523 = arith.constant 192 : index
    %swap3A_524 = tpu.vector_load %arg10[%swap3A_523] {strides = array<i32>} : memref<512xi32, #tpu.memory_space<vmem>>, vector<16xi32>,
    %swap3A_525 = vector.shape_cast %swap3A_524 : vector<16xi32> to vector<16xi32>
    %swap3A_526 = vector.shape_cast %and3A_522 : vector<16xi32> to vector<16xi32>
    tpu.vector_store %arg10[%swap3A_523], %swap3A_526 {strides = array<i32>} : memref<512xi32, #tpu.memory_space<vmem>>, vector<16xi32>,
    %shift_right_logical3A_527 = arith.constant 16 : i32
    %shift_right_logical3A_528 = vector.broadcast %shift_right_logical3A_527 : i32 to vector<16xi32>
    %shift_right_logical3A_529 = arith.shrui %get3A_519, %shift_right_logical3A_528 : vector<16xi32>
    %swap3A_530 = arith.constant 208 : index
    %swap3A_531 = tpu.vector_load %arg10[%swap3A_530] {strides = array<i32>} : memref<512xi32, #tpu.memory_space<vmem>>, vector<16xi32>,
    %swap3A_532 = vector.shape_cast %swap3A_531 : vector<16xi32> to vector<16xi32>
    %swap3A_533 = vector.shape_cast %shift_right_logical3A_529 : vector<16xi32> to vector<16xi32>
    tpu.vector_store %arg10[%swap3A_530], %swap3A_533 {strides = array<i32>} : memref<512xi32, #tpu.memory_space<vmem>>, vector<16xi32>,
    %get3A_534 = arith.constant 112 : index
    %get3A_535 = tpu.vector_load %arg8[%get3A_534] {strides = array<i32>} : memref<10240xi32, #tpu.memory_space<vmem>>, vector<16xi32>,
    %get3A_536 = vector.shape_cast %get3A_535 : vector<16xi32> to vector<16xi32>
    %and3A_537 = arith.constant 65535 : i32
    %and3A_538 = vector.broadcast %and3A_537 : i32 to vector<16xi32>
    %and3A_539 = arith.andi %get3A_536, %and3A_538 : vector<16xi32>
    %swap3A_540 = arith.constant 224 : index
    %swap3A_541 = tpu.vector_load %arg10[%swap3A_540] {strides = array<i32>} : memref<512xi32, #tpu.memory_space<vmem>>, vector<16xi32>,
    %swap3A_542 = vector.shape_cast %swap3A_541 : vector<16xi32> to vector<16xi32>
    %swap3A_543 = vector.shape_cast %and3A_539 : vector<16xi32> to vector<16xi32>
    tpu.vector_store %arg10[%swap3A_540], %swap3A_543 {strides = array<i32>} : memref<512xi32, #tpu.memory_space<vmem>>, vector<16xi32>,
    %shift_right_logical3A_544 = arith.constant 16 : i32
    %shift_right_logical3A_545 = vector.broadcast %shift_right_logical3A_544 : i32 to vector<16xi32>
    %shift_right_logical3A_546 = arith.shrui %get3A_536, %shift_right_logical3A_545 : vector<16xi32>
    %swap3A_547 = arith.constant 240 : index
    %swap3A_548 = tpu.vector_load %arg10[%swap3A_547] {strides = array<i32>} : memref<512xi32, #tpu.memory_space<vmem>>, vector<16xi32>,
    %swap3A_549 = vector.shape_cast %swap3A_548 : vector<16xi32> to vector<16xi32>
    %swap3A_550 = vector.shape_cast %shift_right_logical3A_546 : vector<16xi32> to vector<16xi32>
    tpu.vector_store %arg10[%swap3A_547], %swap3A_550 {strides = array<i32>} : memref<512xi32, #tpu.memory_space<vmem>>, vector<16xi32>,
    %dma_start3A_551 = arith.constant 1 : i32
    %dma_start3A_552 = arith.constant 0 : i32
    %dma_start3A_553 = arith.constant 0 : i32
    %dma_start3A_554 = tpu.memref_slice %arg11[%dma_start3A_551, %dma_start3A_552, %dma_start3A_553] : memref<3x128x128xf32, #tpu.memory_space<vmem>> -> memref<1x128x128xf32, #tpu.memory_space<vmem>>
    %dma_start3A_555 = tpu.memref_squeeze %dma_start3A_554 : memref<1x128x128xf32, #tpu.memory_space<vmem>> -> memref<128x128xf32, #tpu.memory_space<vmem>>
    %dma_start3A_556 = arith.constant 128 : i32
    %dma_start3A_557 = tpu.memref_slice %arg10[%dma_start3A_556] : memref<512xi32, #tpu.memory_space<vmem>> -> memref<128xi32, #tpu.memory_space<vmem>>
    %dma_start3A_558 = arith.constant 0 : i32
    %dma_start3A_559 = arith.constant 0 : i32
    %dma_start3A_560 = tpu.memref_slice %arg3[%dma_start3A_558, %dma_start3A_559] : memref<10000x128xf32, #tpu.memory_space<hbm>> -> memref<10000x128xf32, #tpu.memory_space<hbm>>
    %dma_start3A_561 = arith.constant 65535 : i32
    tpu.enqueue_indirect_dma source(%dma_start3A_560 : memref<10000x128xf32, #tpu.memory_space<hbm>>) target(%dma_start3A_555 : memref<128x128xf32, #tpu.memory_space<vmem>>) offsets(%dma_start3A_557 : memref<128xi32, #tpu.memory_space<vmem>>) offset_filter(%dma_start3A_561) semaphore(%arg14 : memref<!tpu.dma_semaphore, #tpu.memory_space<semaphore_mem>>)
    %get3A_562 = arith.constant 128 : index
    %get3A_563 = tpu.vector_load %arg8[%get3A_562] {strides = array<i32>} : memref<10240xi32, #tpu.memory_space<vmem>>, vector<16xi32>,
    %get3A_564 = vector.shape_cast %get3A_563 : vector<16xi32> to vector<16xi32>
    %and3A_565 = arith.constant 65535 : i32
    %and3A_566 = vector.broadcast %and3A_565 : i32 to vector<16xi32>
    %and3A_567 = arith.andi %get3A_564, %and3A_566 : vector<16xi32>
    %swap3A_568 = arith.constant 256 : index
    %swap3A_569 = tpu.vector_load %arg10[%swap3A_568] {strides = array<i32>} : memref<512xi32, #tpu.memory_space<vmem>>, vector<16xi32>,
    %swap3A_570 = vector.shape_cast %swap3A_569 : vector<16xi32> to vector<16xi32>
    %swap3A_571 = vector.shape_cast %and3A_567 : vector<16xi32> to vector<16xi32>
    tpu.vector_store %arg10[%swap3A_568], %swap3A_571 {strides = array<i32>} : memref<512xi32, #tpu.memory_space<vmem>>, vector<16xi32>,
    %shift_right_logical3A_572 = arith.constant 16 : i32
    %shift_right_logical3A_573 = vector.broadcast %shift_right_logical3A_572 : i32 to vector<16xi32>
    %shift_right_logical3A_574 = arith.shrui %get3A_564, %shift_right_logical3A_573 : vector<16xi32>
    %swap3A_575 = arith.constant 272 : index
    %swap3A_576 = tpu.vector_load %arg10[%swap3A_575] {strides = array<i32>} : memref<512xi32, #tpu.memory_space<vmem>>, vector<16xi32>,
    %swap3A_577 = vector.shape_cast %swap3A_576 : vector<16xi32> to vector<16xi32>
    %swap3A_578 = vector.shape_cast %shift_right_logical3A_574 : vector<16xi32> to vector<16xi32>
    tpu.vector_store %arg10[%swap3A_575], %swap3A_578 {strides = array<i32>} : memref<512xi32, #tpu.memory_space<vmem>>, vector<16xi32>,
    %get3A_579 = arith.constant 144 : index
    %get3A_580 = tpu.vector_load %arg8[%get3A_579] {strides = array<i32>} : memref<10240xi32, #tpu.memory_space<vmem>>, vector<16xi32>,
    %get3A_581 = vector.shape_cast %get3A_580 : vector<16xi32> to vector<16xi32>
    %and3A_582 = arith.constant 65535 : i32
    %and3A_583 = vector.broadcast %and3A_582 : i32 to vector<16xi32>
    %and3A_584 = arith.andi %get3A_581, %and3A_583 : vector<16xi32>
    %swap3A_585 = arith.constant 288 : index
    %swap3A_586 = tpu.vector_load %arg10[%swap3A_585] {strides = array<i32>} : memref<512xi32, #tpu.memory_space<vmem>>, vector<16xi32>,
    %swap3A_587 = vector.shape_cast %swap3A_586 : vector<16xi32> to vector<16xi32>
    %swap3A_588 = vector.shape_cast %and3A_584 : vector<16xi32> to vector<16xi32>
    tpu.vector_store %arg10[%swap3A_585], %swap3A_588 {strides = array<i32>} : memref<512xi32, #tpu.memory_space<vmem>>, vector<16xi32>,
    %shift_right_logical3A_589 = arith.constant 16 : i32
    %shift_right_logical3A_590 = vector.broadcast %shift_right_logical3A_589 : i32 to vector<16xi32>
    %shift_right_logical3A_591 = arith.shrui %get3A_581, %shift_right_logical3A_590 : vector<16xi32>
    %swap3A_592 = arith.constant 304 : index
    %swap3A_593 = tpu.vector_load %arg10[%swap3A_592] {strides = array<i32>} : memref<512xi32, #tpu.memory_space<vmem>>, vector<16xi32>,
    %swap3A_594 = vector.shape_cast %swap3A_593 : vector<16xi32> to vector<16xi32>
    %swap3A_595 = vector.shape_cast %shift_right_logical3A_591 : vector<16xi32> to vector<16xi32>
    tpu.vector_store %arg10[%swap3A_592], %swap3A_595 {strides = array<i32>} : memref<512xi32, #tpu.memory_space<vmem>>, vector<16xi32>,
    %get3A_596 = arith.constant 160 : index
    %get3A_597 = tpu.vector_load %arg8[%get3A_596] {strides = array<i32>} : memref<10240xi32, #tpu.memory_space<vmem>>, vector<16xi32>,
    %get3A_598 = vector.shape_cast %get3A_597 : vector<16xi32> to vector<16xi32>
    %and3A_599 = arith.constant 65535 : i32
    %and3A_600 = vector.broadcast %and3A_599 : i32 to vector<16xi32>
    %and3A_601 = arith.andi %get3A_598, %and3A_600 : vector<16xi32>
    %swap3A_602 = arith.constant 320 : index
    %swap3A_603 = tpu.vector_load %arg10[%swap3A_602] {strides = array<i32>} : memref<512xi32, #tpu.memory_space<vmem>>, vector<16xi32>,
    %swap3A_604 = vector.shape_cast %swap3A_603 : vector<16xi32> to vector<16xi32>
    %swap3A_605 = vector.shape_cast %and3A_601 : vector<16xi32> to vector<16xi32>
    tpu.vector_store %arg10[%swap3A_602], %swap3A_605 {strides = array<i32>} : memref<512xi32, #tpu.memory_space<vmem>>, vector<16xi32>,
    %shift_right_logical3A_606 = arith.constant 16 : i32
    %shift_right_logical3A_607 = vector.broadcast %shift_right_logical3A_606 : i32 to vector<16xi32>
    %shift_right_logical3A_608 = arith.shrui %get3A_598, %shift_right_logical3A_607 : vector<16xi32>
    %swap3A_609 = arith.constant 336 : index
    %swap3A_610 = tpu.vector_load %arg10[%swap3A_609] {strides = array<i32>} : memref<512xi32, #tpu.memory_space<vmem>>, vector<16xi32>,
    %swap3A_611 = vector.shape_cast %swap3A_610 : vector<16xi32> to vector<16xi32>
    %swap3A_612 = vector.shape_cast %shift_right_logical3A_608 : vector<16xi32> to vector<16xi32>
    tpu.vector_store %arg10[%swap3A_609], %swap3A_612 {strides = array<i32>} : memref<512xi32, #tpu.memory_space<vmem>>, vector<16xi32>,
    %get3A_613 = arith.constant 176 : index
    %get3A_614 = tpu.vector_load %arg8[%get3A_613] {strides = array<i32>} : memref<10240xi32, #tpu.memory_space<vmem>>, vector<16xi32>,
    %get3A_615 = vector.shape_cast %get3A_614 : vector<16xi32> to vector<16xi32>
    %and3A_616 = arith.constant 65535 : i32
    %and3A_617 = vector.broadcast %and3A_616 : i32 to vector<16xi32>
    %and3A_618 = arith.andi %get3A_615, %and3A_617 : vector<16xi32>
    %swap3A_619 = arith.constant 352 : index
    %swap3A_620 = tpu.vector_load %arg10[%swap3A_619] {strides = array<i32>} : memref<512xi32, #tpu.memory_space<vmem>>, vector<16xi32>,
    %swap3A_621 = vector.shape_cast %swap3A_620 : vector<16xi32> to vector<16xi32>
    %swap3A_622 = vector.shape_cast %and3A_618 : vector<16xi32> to vector<16xi32>
    tpu.vector_store %arg10[%swap3A_619], %swap3A_622 {strides = array<i32>} : memref<512xi32, #tpu.memory_space<vmem>>, vector<16xi32>,
    %shift_right_logical3A_623 = arith.constant 16 : i32
    %shift_right_logical3A_624 = vector.broadcast %shift_right_logical3A_623 : i32 to vector<16xi32>
    %shift_right_logical3A_625 = arith.shrui %get3A_615, %shift_right_logical3A_624 : vector<16xi32>
    %swap3A_626 = arith.constant 368 : index
    %swap3A_627 = tpu.vector_load %arg10[%swap3A_626] {strides = array<i32>} : memref<512xi32, #tpu.memory_space<vmem>>, vector<16xi32>,
    %swap3A_628 = vector.shape_cast %swap3A_627 : vector<16xi32> to vector<16xi32>
    %swap3A_629 = vector.shape_cast %shift_right_logical3A_625 : vector<16xi32> to vector<16xi32>
    tpu.vector_store %arg10[%swap3A_626], %swap3A_629 {strides = array<i32>} : memref<512xi32, #tpu.memory_space<vmem>>, vector<16xi32>,
    %dma_start3A_630 = arith.constant 2 : i32
    %dma_start3A_631 = arith.constant 0 : i32
    %dma_start3A_632 = arith.constant 0 : i32
    %dma_start3A_633 = tpu.memref_slice %arg11[%dma_start3A_630, %dma_start3A_631, %dma_start3A_632] : memref<3x128x128xf32, #tpu.memory_space<vmem>> -> memref<1x128x128xf32, #tpu.memory_space<vmem>>
    %dma_start3A_634 = tpu.memref_squeeze %dma_start3A_633 : memref<1x128x128xf32, #tpu.memory_space<vmem>> -> memref<128x128xf32, #tpu.memory_space<vmem>>
    %dma_start3A_635 = arith.constant 256 : i32
    %dma_start3A_636 = tpu.memref_slice %arg10[%dma_start3A_635] : memref<512xi32, #tpu.memory_space<vmem>> -> memref<128xi32, #tpu.memory_space<vmem>>
    %dma_start3A_637 = arith.constant 0 : i32
    %dma_start3A_638 = arith.constant 0 : i32
    %dma_start3A_639 = tpu.memref_slice %arg3[%dma_start3A_637, %dma_start3A_638] : memref<10000x128xf32, #tpu.memory_space<hbm>> -> memref<10000x128xf32, #tpu.memory_space<hbm>>
    %dma_start3A_640 = arith.constant 65535 : i32
    tpu.enqueue_indirect_dma source(%dma_start3A_639 : memref<10000x128xf32, #tpu.memory_space<hbm>>) target(%dma_start3A_634 : memref<128x128xf32, #tpu.memory_space<vmem>>) offsets(%dma_start3A_636 : memref<128xi32, #tpu.memory_space<vmem>>) offset_filter(%dma_start3A_640) semaphore(%arg15 : memref<!tpu.dma_semaphore, #tpu.memory_space<semaphore_mem>>)
    %scan3A_641 = arith.constant 0 : i32
    %scan3A_642 = arith.constant 52 : i32
    %scan3A_643 = arith.addi %scan3A_641, %scan3A_642 : i32
    %scan3A_644 = arith.constant 1 : i32
    scf.for %scan3A_776 = %scan3A_641 to %scan3A_643 step %scan3A_644  : i32 {
      %mul3A_777 = arith.constant 3 : i32
      %mul3A_778 = arith.muli %scan3A_776, %mul3A_777 : i32
      %add3A_779 = arith.constant 0 : i32
      %add3A_780 = arith.addi %mul3A_778, %add3A_779 : i32
      %and3A_781 = arith.constant 3 : i32
      %and3A_782 = arith.andi %add3A_780, %and3A_781 : i32
      %mul3A_783 = arith.constant 128 : i32
      %mul3A_784 = arith.muli %and3A_782, %mul3A_783 : i32
      %dma_wait3A_785 = arith.constant 0 : i32
      %dma_wait3A_786 = arith.constant 0 : i32
      %dma_wait3A_787 = arith.constant 0 : i32
      %dma_wait3A_788 = tpu.memref_slice %arg11[%dma_wait3A_785, %dma_wait3A_786, %dma_wait3A_787] : memref<3x128x128xf32, #tpu.memory_space<vmem>> -> memref<1x128x128xf32, #tpu.memory_space<vmem>>
      %dma_wait3A_789 = tpu.memref_squeeze %dma_wait3A_788 : memref<1x128x128xf32, #tpu.memory_space<vmem>> -> memref<128x128xf32, #tpu.memory_space<vmem>>
      %dma_wait3A_790 = tpu.memref_slice %arg10[%mul3A_784] : memref<512xi32, #tpu.memory_space<vmem>> -> memref<128xi32, #tpu.memory_space<vmem>>
      %dma_wait3A_791 = arith.constant 0 : i32
      %dma_wait3A_792 = arith.constant 0 : i32
      %dma_wait3A_793 = tpu.memref_slice %arg3[%dma_wait3A_791, %dma_wait3A_792] : memref<10000x128xf32, #tpu.memory_space<hbm>> -> memref<10000x128xf32, #tpu.memory_space<hbm>>
      tpu.wait_indirect_dma semaphore(%arg13 : memref<!tpu.dma_semaphore, #tpu.memory_space<semaphore_mem>>) src(%dma_wait3A_793 : memref<10000x128xf32, #tpu.memory_space<hbm>>) dst(%dma_wait3A_789 : memref<128x128xf32, #tpu.memory_space<vmem>>)
      %run_scoped3A_794 = arith.constant 0 : i32
      "tpu.region"() ({
        %run_scoped3A_1217 = tpu.sem_alloc : memref<!tpu.dma_semaphore, #tpu.memory_space<semaphore_mem>>
        %dma_start3A_1218 = arith.constant 0 : i32
        %dma_start3A_1219 = arith.constant 0 : i32
        %dma_start3A_1220 = tpu.memref_slice %arg11[%run_scoped3A_794, %dma_start3A_1218, %dma_start3A_1219] : memref<3x128x128xf32, #tpu.memory_space<vmem>> -> memref<1x128x128xf32, #tpu.memory_space<vmem>>
        %dma_start3A_1221 = tpu.memref_squeeze %dma_start3A_1220 : memref<1x128x128xf32, #tpu.memory_space<vmem>> -> memref<128x128xf32, #tpu.memory_space<vmem>>
        %dma_start3A_1222 = arith.constant 0 : i32
        %dma_start3A_1223 = tpu.memref_slice %arg9[%add3A_780, %dma_start3A_1222] : memref<160x128xi32, #tpu.memory_space<vmem>> -> memref<1x128xi32, #tpu.memory_space<vmem>>
        %dma_start3A_1224 = tpu.memref_squeeze %dma_start3A_1223 : memref<1x128xi32, #tpu.memory_space<vmem>> -> memref<128xi32, #tpu.memory_space<vmem>>
        %dma_start3A_1225 = arith.constant 0 : i32
        %dma_start3A_1226 = arith.constant 0 : i32
        %dma_start3A_1227 = tpu.memref_slice %arg12[%dma_start3A_1225, %dma_start3A_1226] : memref<5120x128xf32, #tpu.memory_space<vmem_shared>> -> memref<5120x128xf32, #tpu.memory_space<vmem_shared>>
        %dma_start3A_1228 = arith.constant -1 : i32
        tpu.enqueue_indirect_dma source(%dma_start3A_1221 : memref<128x128xf32, #tpu.memory_space<vmem>>) target(%dma_start3A_1227 : memref<5120x128xf32, #tpu.memory_space<vmem_shared>>) offsets(%dma_start3A_1224 : memref<128xi32, #tpu.memory_space<vmem>>) offset_filter(%dma_start3A_1228) semaphore(%run_scoped3A_1217 : memref<!tpu.dma_semaphore, #tpu.memory_space<semaphore_mem>>) {add = true}
        %dma_wait3A_1229 = arith.constant 0 : i32
        %dma_wait3A_1230 = arith.constant 0 : i32
        %dma_wait3A_1231 = tpu.memref_slice %arg11[%run_scoped3A_794, %dma_wait3A_1229, %dma_wait3A_1230] : memref<3x128x128xf32, #tpu.memory_space<vmem>> -> memref<1x128x128xf32, #tpu.memory_space<vmem>>
        %dma_wait3A_1232 = tpu.memref_squeeze %dma_wait3A_1231 : memref<1x128x128xf32, #tpu.memory_space<vmem>> -> memref<128x128xf32, #tpu.memory_space<vmem>>
        %dma_wait3A_1233 = arith.constant 0 : i32
        %dma_wait3A_1234 = tpu.memref_slice %arg9[%add3A_780, %dma_wait3A_1233] : memref<160x128xi32, #tpu.memory_space<vmem>> -> memref<1x128xi32, #tpu.memory_space<vmem>>
        %dma_wait3A_1235 = tpu.memref_squeeze %dma_wait3A_1234 : memref<1x128xi32, #tpu.memory_space<vmem>> -> memref<128xi32, #tpu.memory_space<vmem>>
        %dma_wait3A_1236 = arith.constant 0 : i32
        %dma_wait3A_1237 = arith.constant 0 : i32
        %dma_wait3A_1238 = tpu.memref_slice %arg12[%dma_wait3A_1236, %dma_wait3A_1237] : memref<5120x128xf32, #tpu.memory_space<vmem_shared>> -> memref<5120x128xf32, #tpu.memory_space<vmem_shared>>
        tpu.wait_indirect_dma semaphore(%run_scoped3A_1217 : memref<!tpu.dma_semaphore, #tpu.memory_space<semaphore_mem>>) src(%dma_wait3A_1232 : memref<128x128xf32, #tpu.memory_space<vmem>>) dst(%dma_wait3A_1238 : memref<5120x128xf32, #tpu.memory_space<vmem_shared>>)
        tpu.yield
      }) : () -> ()
      %add3A_795 = arith.constant 3 : i32
      %add3A_796 = arith.addi %add3A_780, %add3A_795 : i32
      %and3A_797 = arith.constant 3 : i32
      %and3A_798 = arith.andi %add3A_796, %and3A_797 : i32
      %mul3A_799 = arith.constant 128 : i32
      %mul3A_800 = arith.muli %and3A_798, %mul3A_799 : i32
      %mul3A_801 = arith.constant 64 : i32
      %mul3A_802 = arith.muli %add3A_796, %mul3A_801 : i32
      %add3A_803 = arith.constant 0 : i32
      %add3A_804 = arith.addi %mul3A_802, %add3A_803 : i32
      %get3A_805 = arith.index_cast %add3A_804 : i32 to index
      %get3A_806 = tpu.vector_load %arg8[%get3A_805] {strides = array<i32>} : memref<10240xi32, #tpu.memory_space<vmem>>, vector<16xi32>,
      %get3A_807 = vector.shape_cast %get3A_806 : vector<16xi32> to vector<16xi32>
      %and3A_808 = arith.constant 65535 : i32
      %and3A_809 = vector.broadcast %and3A_808 : i32 to vector<16xi32>
      %and3A_810 = arith.andi %get3A_807, %and3A_809 : vector<16xi32>
      %add3A_811 = arith.constant 0 : i32
      %add3A_812 = arith.addi %mul3A_800, %add3A_811 : i32
      %swap3A_813 = arith.index_cast %add3A_812 : i32 to index
      %swap3A_814 = tpu.vector_load %arg10[%swap3A_813] {strides = array<i32>} : memref<512xi32, #tpu.memory_space<vmem>>, vector<16xi32>,
      %swap3A_815 = vector.shape_cast %swap3A_814 : vector<16xi32> to vector<16xi32>
      %swap3A_816 = vector.shape_cast %and3A_810 : vector<16xi32> to vector<16xi32>
      tpu.vector_store %arg10[%swap3A_813], %swap3A_816 {strides = array<i32>} : memref<512xi32, #tpu.memory_space<vmem>>, vector<16xi32>,
      %shift_right_logical3A_817 = arith.constant 16 : i32
      %shift_right_logical3A_818 = vector.broadcast %shift_right_logical3A_817 : i32 to vector<16xi32>
      %shift_right_logical3A_819 = arith.shrui %get3A_807, %shift_right_logical3A_818 : vector<16xi32>
      %add3A_820 = arith.constant 0 : i32
      %add3A_821 = arith.addi %mul3A_800, %add3A_820 : i32
      %add3A_822 = arith.constant 16 : i32
      %add3A_823 = arith.addi %add3A_821, %add3A_822 : i32
      %swap3A_824 = arith.index_cast %add3A_823 : i32 to index
      %swap3A_825 = tpu.vector_load %arg10[%swap3A_824] {strides = array<i32>} : memref<512xi32, #tpu.memory_space<vmem>>, vector<16xi32>,
      %swap3A_826 = vector.shape_cast %swap3A_825 : vector<16xi32> to vector<16xi32>
      %swap3A_827 = vector.shape_cast %shift_right_logical3A_819 : vector<16xi32> to vector<16xi32>
      tpu.vector_store %arg10[%swap3A_824], %swap3A_827 {strides = array<i32>} : memref<512xi32, #tpu.memory_space<vmem>>, vector<16xi32>,
      %mul3A_828 = arith.constant 64 : i32
      %mul3A_829 = arith.muli %add3A_796, %mul3A_828 : i32
      %add3A_830 = arith.constant 16 : i32
      %add3A_831 = arith.addi %mul3A_829, %add3A_830 : i32
      %get3A_832 = arith.index_cast %add3A_831 : i32 to index
      %get3A_833 = tpu.vector_load %arg8[%get3A_832] {strides = array<i32>} : memref<10240xi32, #tpu.memory_space<vmem>>, vector<16xi32>,
      %get3A_834 = vector.shape_cast %get3A_833 : vector<16xi32> to vector<16xi32>
      %and3A_835 = arith.constant 65535 : i32
      %and3A_836 = vector.broadcast %and3A_835 : i32 to vector<16xi32>
      %and3A_837 = arith.andi %get3A_834, %and3A_836 : vector<16xi32>
      %add3A_838 = arith.constant 32 : i32
      %add3A_839 = arith.addi %mul3A_800, %add3A_838 : i32
      %swap3A_840 = arith.index_cast %add3A_839 : i32 to index
      %swap3A_841 = tpu.vector_load %arg10[%swap3A_840] {strides = array<i32>} : memref<512xi32, #tpu.memory_space<vmem>>, vector<16xi32>,
      %swap3A_842 = vector.shape_cast %swap3A_841 : vector<16xi32> to vector<16xi32>
      %swap3A_843 = vector.shape_cast %and3A_837 : vector<16xi32> to vector<16xi32>
      tpu.vector_store %arg10[%swap3A_840], %swap3A_843 {strides = array<i32>} : memref<512xi32, #tpu.memory_space<vmem>>, vector<16xi32>,
      %shift_right_logical3A_844 = arith.constant 16 : i32
      %shift_right_logical3A_845 = vector.broadcast %shift_right_logical3A_844 : i32 to vector<16xi32>
      %shift_right_logical3A_846 = arith.shrui %get3A_834, %shift_right_logical3A_845 : vector<16xi32>
      %add3A_847 = arith.constant 32 : i32
      %add3A_848 = arith.addi %mul3A_800, %add3A_847 : i32
      %add3A_849 = arith.constant 16 : i32
      %add3A_850 = arith.addi %add3A_848, %add3A_849 : i32
      %swap3A_851 = arith.index_cast %add3A_850 : i32 to index
      %swap3A_852 = tpu.vector_load %arg10[%swap3A_851] {strides = array<i32>} : memref<512xi32, #tpu.memory_space<vmem>>, vector<16xi32>,
      %swap3A_853 = vector.shape_cast %swap3A_852 : vector<16xi32> to vector<16xi32>
      %swap3A_854 = vector.shape_cast %shift_right_logical3A_846 : vector<16xi32> to vector<16xi32>
      tpu.vector_store %arg10[%swap3A_851], %swap3A_854 {strides = array<i32>} : memref<512xi32, #tpu.memory_space<vmem>>, vector<16xi32>,
      %mul3A_855 = arith.constant 64 : i32
      %mul3A_856 = arith.muli %add3A_796, %mul3A_855 : i32
      %add3A_857 = arith.constant 32 : i32
      %add3A_858 = arith.addi %mul3A_856, %add3A_857 : i32
      %get3A_859 = arith.index_cast %add3A_858 : i32 to index
      %get3A_860 = tpu.vector_load %arg8[%get3A_859] {strides = array<i32>} : memref<10240xi32, #tpu.memory_space<vmem>>, vector<16xi32>,
      %get3A_861 = vector.shape_cast %get3A_860 : vector<16xi32> to vector<16xi32>
      %and3A_862 = arith.constant 65535 : i32
      %and3A_863 = vector.broadcast %and3A_862 : i32 to vector<16xi32>
      %and3A_864 = arith.andi %get3A_861, %and3A_863 : vector<16xi32>
      %add3A_865 = arith.constant 64 : i32
      %add3A_866 = arith.addi %mul3A_800, %add3A_865 : i32
      %swap3A_867 = arith.index_cast %add3A_866 : i32 to index
      %swap3A_868 = tpu.vector_load %arg10[%swap3A_867] {strides = array<i32>} : memref<512xi32, #tpu.memory_space<vmem>>, vector<16xi32>,
      %swap3A_869 = vector.shape_cast %swap3A_868 : vector<16xi32> to vector<16xi32>
      %swap3A_870 = vector.shape_cast %and3A_864 : vector<16xi32> to vector<16xi32>
      tpu.vector_store %arg10[%swap3A_867], %swap3A_870 {strides = array<i32>} : memref<512xi32, #tpu.memory_space<vmem>>, vector<16xi32>,
      %shift_right_logical3A_871 = arith.constant 16 : i32
      %shift_right_logical3A_872 = vector.broadcast %shift_right_logical3A_871 : i32 to vector<16xi32>
      %shift_right_logical3A_873 = arith.shrui %get3A_861, %shift_right_logical3A_872 : vector<16xi32>
      %add3A_874 = arith.constant 64 : i32
      %add3A_875 = arith.addi %mul3A_800, %add3A_874 : i32
      %add3A_876 = arith.constant 16 : i32
      %add3A_877 = arith.addi %add3A_875, %add3A_876 : i32
      %swap3A_878 = arith.index_cast %add3A_877 : i32 to index
      %swap3A_879 = tpu.vector_load %arg10[%swap3A_878] {strides = array<i32>} : memref<512xi32, #tpu.memory_space<vmem>>, vector<16xi32>,
      %swap3A_880 = vector.shape_cast %swap3A_879 : vector<16xi32> to vector<16xi32>
      %swap3A_881 = vector.shape_cast %shift_right_logical3A_873 : vector<16xi32> to vector<16xi32>
      tpu.vector_store %arg10[%swap3A_878], %swap3A_881 {strides = array<i32>} : memref<512xi32, #tpu.memory_space<vmem>>, vector<16xi32>,
      %mul3A_882 = arith.constant 64 : i32
      %mul3A_883 = arith.muli %add3A_796, %mul3A_882 : i32
      %add3A_884 = arith.constant 48 : i32
      %add3A_885 = arith.addi %mul3A_883, %add3A_884 : i32
      %get3A_886 = arith.index_cast %add3A_885 : i32 to index
      %get3A_887 = tpu.vector_load %arg8[%get3A_886] {strides = array<i32>} : memref<10240xi32, #tpu.memory_space<vmem>>, vector<16xi32>,
      %get3A_888 = vector.shape_cast %get3A_887 : vector<16xi32> to vector<16xi32>
      %and3A_889 = arith.constant 65535 : i32
      %and3A_890 = vector.broadcast %and3A_889 : i32 to vector<16xi32>
      %and3A_891 = arith.andi %get3A_888, %and3A_890 : vector<16xi32>
      %add3A_892 = arith.constant 96 : i32
      %add3A_893 = arith.addi %mul3A_800, %add3A_892 : i32
      %swap3A_894 = arith.index_cast %add3A_893 : i32 to index
      %swap3A_895 = tpu.vector_load %arg10[%swap3A_894] {strides = array<i32>} : memref<512xi32, #tpu.memory_space<vmem>>, vector<16xi32>,
      %swap3A_896 = vector.shape_cast %swap3A_895 : vector<16xi32> to vector<16xi32>
      %swap3A_897 = vector.shape_cast %and3A_891 : vector<16xi32> to vector<16xi32>
      tpu.vector_store %arg10[%swap3A_894], %swap3A_897 {strides = array<i32>} : memref<512xi32, #tpu.memory_space<vmem>>, vector<16xi32>,
      %shift_right_logical3A_898 = arith.constant 16 : i32
      %shift_right_logical3A_899 = vector.broadcast %shift_right_logical3A_898 : i32 to vector<16xi32>
      %shift_right_logical3A_900 = arith.shrui %get3A_888, %shift_right_logical3A_899 : vector<16xi32>
      %add3A_901 = arith.constant 96 : i32
      %add3A_902 = arith.addi %mul3A_800, %add3A_901 : i32
      %add3A_903 = arith.constant 16 : i32
      %add3A_904 = arith.addi %add3A_902, %add3A_903 : i32
      %swap3A_905 = arith.index_cast %add3A_904 : i32 to index
      %swap3A_906 = tpu.vector_load %arg10[%swap3A_905] {strides = array<i32>} : memref<512xi32, #tpu.memory_space<vmem>>, vector<16xi32>,
      %swap3A_907 = vector.shape_cast %swap3A_906 : vector<16xi32> to vector<16xi32>
      %swap3A_908 = vector.shape_cast %shift_right_logical3A_900 : vector<16xi32> to vector<16xi32>
      tpu.vector_store %arg10[%swap3A_905], %swap3A_908 {strides = array<i32>} : memref<512xi32, #tpu.memory_space<vmem>>, vector<16xi32>,
      %add3A_909 = arith.constant 3 : i32
      %add3A_910 = arith.addi %add3A_780, %add3A_909 : i32
      %and3A_911 = arith.constant 3 : i32
      %and3A_912 = arith.andi %add3A_910, %and3A_911 : i32
      %mul3A_913 = arith.constant 128 : i32
      %mul3A_914 = arith.muli %and3A_912, %mul3A_913 : i32
      %dma_start3A_915 = arith.constant 0 : i32
      %dma_start3A_916 = arith.constant 0 : i32
      %dma_start3A_917 = arith.constant 0 : i32
      %dma_start3A_918 = tpu.memref_slice %arg11[%dma_start3A_915, %dma_start3A_916, %dma_start3A_917] : memref<3x128x128xf32, #tpu.memory_space<vmem>> -> memref<1x128x128xf32, #tpu.memory_space<vmem>>
      %dma_start3A_919 = tpu.memref_squeeze %dma_start3A_918 : memref<1x128x128xf32, #tpu.memory_space<vmem>> -> memref<128x128xf32, #tpu.memory_space<vmem>>
      %dma_start3A_920 = tpu.memref_slice %arg10[%mul3A_914] : memref<512xi32, #tpu.memory_space<vmem>> -> memref<128xi32, #tpu.memory_space<vmem>>
      %dma_start3A_921 = arith.constant 0 : i32
      %dma_start3A_922 = arith.constant 0 : i32
      %dma_start3A_923 = tpu.memref_slice %arg3[%dma_start3A_921, %dma_start3A_922] : memref<10000x128xf32, #tpu.memory_space<hbm>> -> memref<10000x128xf32, #tpu.memory_space<hbm>>
      %dma_start3A_924 = arith.constant 65535 : i32
      tpu.enqueue_indirect_dma source(%dma_start3A_923 : memref<10000x128xf32, #tpu.memory_space<hbm>>) target(%dma_start3A_919 : memref<128x128xf32, #tpu.memory_space<vmem>>) offsets(%dma_start3A_920 : memref<128xi32, #tpu.memory_space<vmem>>) offset_filter(%dma_start3A_924) semaphore(%arg13 : memref<!tpu.dma_semaphore, #tpu.memory_space<semaphore_mem>>)
      %add3A_925 = arith.constant 1 : i32
      %add3A_926 = arith.addi %mul3A_778, %add3A_925 : i32
      %and3A_927 = arith.constant 3 : i32
      %and3A_928 = arith.andi %add3A_926, %and3A_927 : i32
      %mul3A_929 = arith.constant 128 : i32
      %mul3A_930 = arith.muli %and3A_928, %mul3A_929 : i32
      %dma_wait3A_931 = arith.constant 1 : i32
      %dma_wait3A_932 = arith.constant 0 : i32
      %dma_wait3A_933 = arith.constant 0 : i32
      %dma_wait3A_934 = tpu.memref_slice %arg11[%dma_wait3A_931, %dma_wait3A_932, %dma_wait3A_933] : memref<3x128x128xf32, #tpu.memory_space<vmem>> -> memref<1x128x128xf32, #tpu.memory_space<vmem>>
      %dma_wait3A_935 = tpu.memref_squeeze %dma_wait3A_934 : memref<1x128x128xf32, #tpu.memory_space<vmem>> -> memref<128x128xf32, #tpu.memory_space<vmem>>
      %dma_wait3A_936 = tpu.memref_slice %arg10[%mul3A_930] : memref<512xi32, #tpu.memory_space<vmem>> -> memref<128xi32, #tpu.memory_space<vmem>>
      %dma_wait3A_937 = arith.constant 0 : i32
      %dma_wait3A_938 = arith.constant 0 : i32
      %dma_wait3A_939 = tpu.memref_slice %arg3[%dma_wait3A_937, %dma_wait3A_938] : memref<10000x128xf32, #tpu.memory_space<hbm>> -> memref<10000x128xf32, #tpu.memory_space<hbm>>
      tpu.wait_indirect_dma semaphore(%arg14 : memref<!tpu.dma_semaphore, #tpu.memory_space<semaphore_mem>>) src(%dma_wait3A_939 : memref<10000x128xf32, #tpu.memory_space<hbm>>) dst(%dma_wait3A_935 : memref<128x128xf32, #tpu.memory_space<vmem>>)
      %run_scoped3A_940 = arith.constant 1 : i32
      "tpu.region"() ({
        %run_scoped3A_1217 = tpu.sem_alloc : memref<!tpu.dma_semaphore, #tpu.memory_space<semaphore_mem>>
        %dma_start3A_1218 = arith.constant 0 : i32
        %dma_start3A_1219 = arith.constant 0 : i32
        %dma_start3A_1220 = tpu.memref_slice %arg11[%run_scoped3A_940, %dma_start3A_1218, %dma_start3A_1219] : memref<3x128x128xf32, #tpu.memory_space<vmem>> -> memref<1x128x128xf32, #tpu.memory_space<vmem>>
        %dma_start3A_1221 = tpu.memref_squeeze %dma_start3A_1220 : memref<1x128x128xf32, #tpu.memory_space<vmem>> -> memref<128x128xf32, #tpu.memory_space<vmem>>
        %dma_start3A_1222 = arith.constant 0 : i32
        %dma_start3A_1223 = tpu.memref_slice %arg9[%add3A_926, %dma_start3A_1222] : memref<160x128xi32, #tpu.memory_space<vmem>> -> memref<1x128xi32, #tpu.memory_space<vmem>>
        %dma_start3A_1224 = tpu.memref_squeeze %dma_start3A_1223 : memref<1x128xi32, #tpu.memory_space<vmem>> -> memref<128xi32, #tpu.memory_space<vmem>>
        %dma_start3A_1225 = arith.constant 0 : i32
        %dma_start3A_1226 = arith.constant 0 : i32
        %dma_start3A_1227 = tpu.memref_slice %arg12[%dma_start3A_1225, %dma_start3A_1226] : memref<5120x128xf32, #tpu.memory_space<vmem_shared>> -> memref<5120x128xf32, #tpu.memory_space<vmem_shared>>
        %dma_start3A_1228 = arith.constant -1 : i32
        tpu.enqueue_indirect_dma source(%dma_start3A_1221 : memref<128x128xf32, #tpu.memory_space<vmem>>) target(%dma_start3A_1227 : memref<5120x128xf32, #tpu.memory_space<vmem_shared>>) offsets(%dma_start3A_1224 : memref<128xi32, #tpu.memory_space<vmem>>) offset_filter(%dma_start3A_1228) semaphore(%run_scoped3A_1217 : memref<!tpu.dma_semaphore, #tpu.memory_space<semaphore_mem>>) {add = true}
        %dma_wait3A_1229 = arith.constant 0 : i32
        %dma_wait3A_1230 = arith.constant 0 : i32
        %dma_wait3A_1231 = tpu.memref_slice %arg11[%run_scoped3A_940, %dma_wait3A_1229, %dma_wait3A_1230] : memref<3x128x128xf32, #tpu.memory_space<vmem>> -> memref<1x128x128xf32, #tpu.memory_space<vmem>>
        %dma_wait3A_1232 = tpu.memref_squeeze %dma_wait3A_1231 : memref<1x128x128xf32, #tpu.memory_space<vmem>> -> memref<128x128xf32, #tpu.memory_space<vmem>>
        %dma_wait3A_1233 = arith.constant 0 : i32
        %dma_wait3A_1234 = tpu.memref_slice %arg9[%add3A_926, %dma_wait3A_1233] : memref<160x128xi32, #tpu.memory_space<vmem>> -> memref<1x128xi32, #tpu.memory_space<vmem>>
        %dma_wait3A_1235 = tpu.memref_squeeze %dma_wait3A_1234 : memref<1x128xi32, #tpu.memory_space<vmem>> -> memref<128xi32, #tpu.memory_space<vmem>>
        %dma_wait3A_1236 = arith.constant 0 : i32
        %dma_wait3A_1237 = arith.constant 0 : i32
        %dma_wait3A_1238 = tpu.memref_slice %arg12[%dma_wait3A_1236, %dma_wait3A_1237] : memref<5120x128xf32, #tpu.memory_space<vmem_shared>> -> memref<5120x128xf32, #tpu.memory_space<vmem_shared>>
        tpu.wait_indirect_dma semaphore(%run_scoped3A_1217 : memref<!tpu.dma_semaphore, #tpu.memory_space<semaphore_mem>>) src(%dma_wait3A_1232 : memref<128x128xf32, #tpu.memory_space<vmem>>) dst(%dma_wait3A_1238 : memref<5120x128xf32, #tpu.memory_space<vmem_shared>>)
        tpu.yield
      }) : () -> ()
      %add3A_941 = arith.constant 3 : i32
      %add3A_942 = arith.addi %add3A_926, %add3A_941 : i32
      %and3A_943 = arith.constant 3 : i32
      %and3A_944 = arith.andi %add3A_942, %and3A_943 : i32
      %mul3A_945 = arith.constant 128 : i32
      %mul3A_946 = arith.muli %and3A_944, %mul3A_945 : i32
      %mul3A_947 = arith.constant 64 : i32
      %mul3A_948 = arith.muli %add3A_942, %mul3A_947 : i32
      %add3A_949 = arith.constant 0 : i32
      %add3A_950 = arith.addi %mul3A_948, %add3A_949 : i32
      %get3A_951 = arith.index_cast %add3A_950 : i32 to index
      %get3A_952 = tpu.vector_load %arg8[%get3A_951] {strides = array<i32>} : memref<10240xi32, #tpu.memory_space<vmem>>, vector<16xi32>,
      %get3A_953 = vector.shape_cast %get3A_952 : vector<16xi32> to vector<16xi32>
      %and3A_954 = arith.constant 65535 : i32
      %and3A_955 = vector.broadcast %and3A_954 : i32 to vector<16xi32>
      %and3A_956 = arith.andi %get3A_953, %and3A_955 : vector<16xi32>
      %add3A_957 = arith.constant 0 : i32
      %add3A_958 = arith.addi %mul3A_946, %add3A_957 : i32
      %swap3A_959 = arith.index_cast %add3A_958 : i32 to index
      %swap3A_960 = tpu.vector_load %arg10[%swap3A_959] {strides = array<i32>} : memref<512xi32, #tpu.memory_space<vmem>>, vector<16xi32>,
      %swap3A_961 = vector.shape_cast %swap3A_960 : vector<16xi32> to vector<16xi32>
      %swap3A_962 = vector.shape_cast %and3A_956 : vector<16xi32> to vector<16xi32>
      tpu.vector_store %arg10[%swap3A_959], %swap3A_962 {strides = array<i32>} : memref<512xi32, #tpu.memory_space<vmem>>, vector<16xi32>,
      %shift_right_logical3A_963 = arith.constant 16 : i32
      %shift_right_logical3A_964 = vector.broadcast %shift_right_logical3A_963 : i32 to vector<16xi32>
      %shift_right_logical3A_965 = arith.shrui %get3A_953, %shift_right_logical3A_964 : vector<16xi32>
      %add3A_966 = arith.constant 0 : i32
      %add3A_967 = arith.addi %mul3A_946, %add3A_966 : i32
      %add3A_968 = arith.constant 16 : i32
      %add3A_969 = arith.addi %add3A_967, %add3A_968 : i32
      %swap3A_970 = arith.index_cast %add3A_969 : i32 to index
      %swap3A_971 = tpu.vector_load %arg10[%swap3A_970] {strides = array<i32>} : memref<512xi32, #tpu.memory_space<vmem>>, vector<16xi32>,
      %swap3A_972 = vector.shape_cast %swap3A_971 : vector<16xi32> to vector<16xi32>
      %swap3A_973 = vector.shape_cast %shift_right_logical3A_965 : vector<16xi32> to vector<16xi32>
      tpu.vector_store %arg10[%swap3A_970], %swap3A_973 {strides = array<i32>} : memref<512xi32, #tpu.memory_space<vmem>>, vector<16xi32>,
      %mul3A_974 = arith.constant 64 : i32
      %mul3A_975 = arith.muli %add3A_942, %mul3A_974 : i32
      %add3A_976 = arith.constant 16 : i32
      %add3A_977 = arith.addi %mul3A_975, %add3A_976 : i32
      %get3A_978 = arith.index_cast %add3A_977 : i32 to index
      %get3A_979 = tpu.vector_load %arg8[%get3A_978] {strides = array<i32>} : memref<10240xi32, #tpu.memory_space<vmem>>, vector<16xi32>,
      %get3A_980 = vector.shape_cast %get3A_979 : vector<16xi32> to vector<16xi32>
      %and3A_981 = arith.constant 65535 : i32
      %and3A_982 = vector.broadcast %and3A_981 : i32 to vector<16xi32>
      %and3A_983 = arith.andi %get3A_980, %and3A_982 : vector<16xi32>
      %add3A_984 = arith.constant 32 : i32
      %add3A_985 = arith.addi %mul3A_946, %add3A_984 : i32
      %swap3A_986 = arith.index_cast %add3A_985 : i32 to index
      %swap3A_987 = tpu.vector_load %arg10[%swap3A_986] {strides = array<i32>} : memref<512xi32, #tpu.memory_space<vmem>>, vector<16xi32>,
      %swap3A_988 = vector.shape_cast %swap3A_987 : vector<16xi32> to vector<16xi32>
      %swap3A_989 = vector.shape_cast %and3A_983 : vector<16xi32> to vector<16xi32>
      tpu.vector_store %arg10[%swap3A_986], %swap3A_989 {strides = array<i32>} : memref<512xi32, #tpu.memory_space<vmem>>, vector<16xi32>,
      %shift_right_logical3A_990 = arith.constant 16 : i32
      %shift_right_logical3A_991 = vector.broadcast %shift_right_logical3A_990 : i32 to vector<16xi32>
      %shift_right_logical3A_992 = arith.shrui %get3A_980, %shift_right_logical3A_991 : vector<16xi32>
      %add3A_993 = arith.constant 32 : i32
      %add3A_994 = arith.addi %mul3A_946, %add3A_993 : i32
      %add3A_995 = arith.constant 16 : i32
      %add3A_996 = arith.addi %add3A_994, %add3A_995 : i32
      %swap3A_997 = arith.index_cast %add3A_996 : i32 to index
      %swap3A_998 = tpu.vector_load %arg10[%swap3A_997] {strides = array<i32>} : memref<512xi32, #tpu.memory_space<vmem>>, vector<16xi32>,
      %swap3A_999 = vector.shape_cast %swap3A_998 : vector<16xi32> to vector<16xi32>
      %swap3A_1000 = vector.shape_cast %shift_right_logical3A_992 : vector<16xi32> to vector<16xi32>
      tpu.vector_store %arg10[%swap3A_997], %swap3A_1000 {strides = array<i32>} : memref<512xi32, #tpu.memory_space<vmem>>, vector<16xi32>,
      %mul3A_1001 = arith.constant 64 : i32
      %mul3A_1002 = arith.muli %add3A_942, %mul3A_1001 : i32
      %add3A_1003 = arith.constant 32 : i32
      %add3A_1004 = arith.addi %mul3A_1002, %add3A_1003 : i32
      %get3A_1005 = arith.index_cast %add3A_1004 : i32 to index
      %get3A_1006 = tpu.vector_load %arg8[%get3A_1005] {strides = array<i32>} : memref<10240xi32, #tpu.memory_space<vmem>>, vector<16xi32>,
      %get3A_1007 = vector.shape_cast %get3A_1006 : vector<16xi32> to vector<16xi32>
      %and3A_1008 = arith.constant 65535 : i32
      %and3A_1009 = vector.broadcast %and3A_1008 : i32 to vector<16xi32>
      %and3A_1010 = arith.andi %get3A_1007, %and3A_1009 : vector<16xi32>
      %add3A_1011 = arith.constant 64 : i32
      %add3A_1012 = arith.addi %mul3A_946, %add3A_1011 : i32
      %swap3A_1013 = arith.index_cast %add3A_1012 : i32 to index
      %swap3A_1014 = tpu.vector_load %arg10[%swap3A_1013] {strides = array<i32>} : memref<512xi32, #tpu.memory_space<vmem>>, vector<16xi32>,
      %swap3A_1015 = vector.shape_cast %swap3A_1014 : vector<16xi32> to vector<16xi32>
      %swap3A_1016 = vector.shape_cast %and3A_1010 : vector<16xi32> to vector<16xi32>
      tpu.vector_store %arg10[%swap3A_1013], %swap3A_1016 {strides = array<i32>} : memref<512xi32, #tpu.memory_space<vmem>>, vector<16xi32>,
      %shift_right_logical3A_1017 = arith.constant 16 : i32
      %shift_right_logical3A_1018 = vector.broadcast %shift_right_logical3A_1017 : i32 to vector<16xi32>
      %shift_right_logical3A_1019 = arith.shrui %get3A_1007, %shift_right_logical3A_1018 : vector<16xi32>
      %add3A_1020 = arith.constant 64 : i32
      %add3A_1021 = arith.addi %mul3A_946, %add3A_1020 : i32
      %add3A_1022 = arith.constant 16 : i32
      %add3A_1023 = arith.addi %add3A_1021, %add3A_1022 : i32
      %swap3A_1024 = arith.index_cast %add3A_1023 : i32 to index
      %swap3A_1025 = tpu.vector_load %arg10[%swap3A_1024] {strides = array<i32>} : memref<512xi32, #tpu.memory_space<vmem>>, vector<16xi32>,
      %swap3A_1026 = vector.shape_cast %swap3A_1025 : vector<16xi32> to vector<16xi32>
      %swap3A_1027 = vector.shape_cast %shift_right_logical3A_1019 : vector<16xi32> to vector<16xi32>
      tpu.vector_store %arg10[%swap3A_1024], %swap3A_1027 {strides = array<i32>} : memref<512xi32, #tpu.memory_space<vmem>>, vector<16xi32>,
      %mul3A_1028 = arith.constant 64 : i32
      %mul3A_1029 = arith.muli %add3A_942, %mul3A_1028 : i32
      %add3A_1030 = arith.constant 48 : i32
      %add3A_1031 = arith.addi %mul3A_1029, %add3A_1030 : i32
      %get3A_1032 = arith.index_cast %add3A_1031 : i32 to index
      %get3A_1033 = tpu.vector_load %arg8[%get3A_1032] {strides = array<i32>} : memref<10240xi32, #tpu.memory_space<vmem>>, vector<16xi32>,
      %get3A_1034 = vector.shape_cast %get3A_1033 : vector<16xi32> to vector<16xi32>
      %and3A_1035 = arith.constant 65535 : i32
      %and3A_1036 = vector.broadcast %and3A_1035 : i32 to vector<16xi32>
      %and3A_1037 = arith.andi %get3A_1034, %and3A_1036 : vector<16xi32>
      %add3A_1038 = arith.constant 96 : i32
      %add3A_1039 = arith.addi %mul3A_946, %add3A_1038 : i32
      %swap3A_1040 = arith.index_cast %add3A_1039 : i32 to index
      %swap3A_1041 = tpu.vector_load %arg10[%swap3A_1040] {strides = array<i32>} : memref<512xi32, #tpu.memory_space<vmem>>, vector<16xi32>,
      %swap3A_1042 = vector.shape_cast %swap3A_1041 : vector<16xi32> to vector<16xi32>
      %swap3A_1043 = vector.shape_cast %and3A_1037 : vector<16xi32> to vector<16xi32>
      tpu.vector_store %arg10[%swap3A_1040], %swap3A_1043 {strides = array<i32>} : memref<512xi32, #tpu.memory_space<vmem>>, vector<16xi32>,
      %shift_right_logical3A_1044 = arith.constant 16 : i32
      %shift_right_logical3A_1045 = vector.broadcast %shift_right_logical3A_1044 : i32 to vector<16xi32>
      %shift_right_logical3A_1046 = arith.shrui %get3A_1034, %shift_right_logical3A_1045 : vector<16xi32>
      %add3A_1047 = arith.constant 96 : i32
      %add3A_1048 = arith.addi %mul3A_946, %add3A_1047 : i32
      %add3A_1049 = arith.constant 16 : i32
      %add3A_1050 = arith.addi %add3A_1048, %add3A_1049 : i32
      %swap3A_1051 = arith.index_cast %add3A_1050 : i32 to index
      %swap3A_1052 = tpu.vector_load %arg10[%swap3A_1051] {strides = array<i32>} : memref<512xi32, #tpu.memory_space<vmem>>, vector<16xi32>,
      %swap3A_1053 = vector.shape_cast %swap3A_1052 : vector<16xi32> to vector<16xi32>
      %swap3A_1054 = vector.shape_cast %shift_right_logical3A_1046 : vector<16xi32> to vector<16xi32>
      tpu.vector_store %arg10[%swap3A_1051], %swap3A_1054 {strides = array<i32>} : memref<512xi32, #tpu.memory_space<vmem>>, vector<16xi32>,
      %add3A_1055 = arith.constant 3 : i32
      %add3A_1056 = arith.addi %add3A_926, %add3A_1055 : i32
      %and3A_1057 = arith.constant 3 : i32
      %and3A_1058 = arith.andi %add3A_1056, %and3A_1057 : i32
      %mul3A_1059 = arith.constant 128 : i32
      %mul3A_1060 = arith.muli %and3A_1058, %mul3A_1059 : i32
      %dma_start3A_1061 = arith.constant 1 : i32
      %dma_start3A_1062 = arith.constant 0 : i32
      %dma_start3A_1063 = arith.constant 0 : i32
      %dma_start3A_1064 = tpu.memref_slice %arg11[%dma_start3A_1061, %dma_start3A_1062, %dma_start3A_1063] : memref<3x128x128xf32, #tpu.memory_space<vmem>> -> memref<1x128x128xf32, #tpu.memory_space<vmem>>
      %dma_start3A_1065 = tpu.memref_squeeze %dma_start3A_1064 : memref<1x128x128xf32, #tpu.memory_space<vmem>> -> memref<128x128xf32, #tpu.memory_space<vmem>>
      %dma_start3A_1066 = tpu.memref_slice %arg10[%mul3A_1060] : memref<512xi32, #tpu.memory_space<vmem>> -> memref<128xi32, #tpu.memory_space<vmem>>
      %dma_start3A_1067 = arith.constant 0 : i32
      %dma_start3A_1068 = arith.constant 0 : i32
      %dma_start3A_1069 = tpu.memref_slice %arg3[%dma_start3A_1067, %dma_start3A_1068] : memref<10000x128xf32, #tpu.memory_space<hbm>> -> memref<10000x128xf32, #tpu.memory_space<hbm>>
      %dma_start3A_1070 = arith.constant 65535 : i32
      tpu.enqueue_indirect_dma source(%dma_start3A_1069 : memref<10000x128xf32, #tpu.memory_space<hbm>>) target(%dma_start3A_1065 : memref<128x128xf32, #tpu.memory_space<vmem>>) offsets(%dma_start3A_1066 : memref<128xi32, #tpu.memory_space<vmem>>) offset_filter(%dma_start3A_1070) semaphore(%arg14 : memref<!tpu.dma_semaphore, #tpu.memory_space<semaphore_mem>>)
      %add3A_1071 = arith.constant 2 : i32
      %add3A_1072 = arith.addi %mul3A_778, %add3A_1071 : i32
      %and3A_1073 = arith.constant 3 : i32
      %and3A_1074 = arith.andi %add3A_1072, %and3A_1073 : i32
      %mul3A_1075 = arith.constant 128 : i32
      %mul3A_1076 = arith.muli %and3A_1074, %mul3A_1075 : i32
      %dma_wait3A_1077 = arith.constant 2 : i32
      %dma_wait3A_1078 = arith.constant 0 : i32
      %dma_wait3A_1079 = arith.constant 0 : i32
      %dma_wait3A_1080 = tpu.memref_slice %arg11[%dma_wait3A_1077, %dma_wait3A_1078, %dma_wait3A_1079] : memref<3x128x128xf32, #tpu.memory_space<vmem>> -> memref<1x128x128xf32, #tpu.memory_space<vmem>>
      %dma_wait3A_1081 = tpu.memref_squeeze %dma_wait3A_1080 : memref<1x128x128xf32, #tpu.memory_space<vmem>> -> memref<128x128xf32, #tpu.memory_space<vmem>>
      %dma_wait3A_1082 = tpu.memref_slice %arg10[%mul3A_1076] : memref<512xi32, #tpu.memory_space<vmem>> -> memref<128xi32, #tpu.memory_space<vmem>>
      %dma_wait3A_1083 = arith.constant 0 : i32
      %dma_wait3A_1084 = arith.constant 0 : i32
      %dma_wait3A_1085 = tpu.memref_slice %arg3[%dma_wait3A_1083, %dma_wait3A_1084] : memref<10000x128xf32, #tpu.memory_space<hbm>> -> memref<10000x128xf32, #tpu.memory_space<hbm>>
      tpu.wait_indirect_dma semaphore(%arg15 : memref<!tpu.dma_semaphore, #tpu.memory_space<semaphore_mem>>) src(%dma_wait3A_1085 : memref<10000x128xf32, #tpu.memory_space<hbm>>) dst(%dma_wait3A_1081 : memref<128x128xf32, #tpu.memory_space<vmem>>)
      %run_scoped3A_1086 = arith.constant 2 : i32
      "tpu.region"() ({
        %run_scoped3A_1217 = tpu.sem_alloc : memref<!tpu.dma_semaphore, #tpu.memory_space<semaphore_mem>>
        %dma_start3A_1218 = arith.constant 0 : i32
        %dma_start3A_1219 = arith.constant 0 : i32
        %dma_start3A_1220 = tpu.memref_slice %arg11[%run_scoped3A_1086, %dma_start3A_1218, %dma_start3A_1219] : memref<3x128x128xf32, #tpu.memory_space<vmem>> -> memref<1x128x128xf32, #tpu.memory_space<vmem>>
        %dma_start3A_1221 = tpu.memref_squeeze %dma_start3A_1220 : memref<1x128x128xf32, #tpu.memory_space<vmem>> -> memref<128x128xf32, #tpu.memory_space<vmem>>
        %dma_start3A_1222 = arith.constant 0 : i32
        %dma_start3A_1223 = tpu.memref_slice %arg9[%add3A_1072, %dma_start3A_1222] : memref<160x128xi32, #tpu.memory_space<vmem>> -> memref<1x128xi32, #tpu.memory_space<vmem>>
        %dma_start3A_1224 = tpu.memref_squeeze %dma_start3A_1223 : memref<1x128xi32, #tpu.memory_space<vmem>> -> memref<128xi32, #tpu.memory_space<vmem>>
        %dma_start3A_1225 = arith.constant 0 : i32
        %dma_start3A_1226 = arith.constant 0 : i32
        %dma_start3A_1227 = tpu.memref_slice %arg12[%dma_start3A_1225, %dma_start3A_1226] : memref<5120x128xf32, #tpu.memory_space<vmem_shared>> -> memref<5120x128xf32, #tpu.memory_space<vmem_shared>>
        %dma_start3A_1228 = arith.constant -1 : i32
        tpu.enqueue_indirect_dma source(%dma_start3A_1221 : memref<128x128xf32, #tpu.memory_space<vmem>>) target(%dma_start3A_1227 : memref<5120x128xf32, #tpu.memory_space<vmem_shared>>) offsets(%dma_start3A_1224 : memref<128xi32, #tpu.memory_space<vmem>>) offset_filter(%dma_start3A_1228) semaphore(%run_scoped3A_1217 : memref<!tpu.dma_semaphore, #tpu.memory_space<semaphore_mem>>) {add = true}
        %dma_wait3A_1229 = arith.constant 0 : i32
        %dma_wait3A_1230 = arith.constant 0 : i32
        %dma_wait3A_1231 = tpu.memref_slice %arg11[%run_scoped3A_1086, %dma_wait3A_1229, %dma_wait3A_1230] : memref<3x128x128xf32, #tpu.memory_space<vmem>> -> memref<1x128x128xf32, #tpu.memory_space<vmem>>
        %dma_wait3A_1232 = tpu.memref_squeeze %dma_wait3A_1231 : memref<1x128x128xf32, #tpu.memory_space<vmem>> -> memref<128x128xf32, #tpu.memory_space<vmem>>
        %dma_wait3A_1233 = arith.constant 0 : i32
        %dma_wait3A_1234 = tpu.memref_slice %arg9[%add3A_1072, %dma_wait3A_1233] : memref<160x128xi32, #tpu.memory_space<vmem>> -> memref<1x128xi32, #tpu.memory_space<vmem>>
        %dma_wait3A_1235 = tpu.memref_squeeze %dma_wait3A_1234 : memref<1x128xi32, #tpu.memory_space<vmem>> -> memref<128xi32, #tpu.memory_space<vmem>>
        %dma_wait3A_1236 = arith.constant 0 : i32
        %dma_wait3A_1237 = arith.constant 0 : i32
        %dma_wait3A_1238 = tpu.memref_slice %arg12[%dma_wait3A_1236, %dma_wait3A_1237] : memref<5120x128xf32, #tpu.memory_space<vmem_shared>> -> memref<5120x128xf32, #tpu.memory_space<vmem_shared>>
        tpu.wait_indirect_dma semaphore(%run_scoped3A_1217 : memref<!tpu.dma_semaphore, #tpu.memory_space<semaphore_mem>>) src(%dma_wait3A_1232 : memref<128x128xf32, #tpu.memory_space<vmem>>) dst(%dma_wait3A_1238 : memref<5120x128xf32, #tpu.memory_space<vmem_shared>>)
        tpu.yield
      }) : () -> ()
      %add3A_1087 = arith.constant 3 : i32
      %add3A_1088 = arith.addi %add3A_1072, %add3A_1087 : i32
      %and3A_1089 = arith.constant 3 : i32
      %and3A_1090 = arith.andi %add3A_1088, %and3A_1089 : i32
      %mul3A_1091 = arith.constant 128 : i32
      %mul3A_1092 = arith.muli %and3A_1090, %mul3A_1091 : i32
      %mul3A_1093 = arith.constant 64 : i32
      %mul3A_1094 = arith.muli %add3A_1088, %mul3A_1093 : i32
      %add3A_1095 = arith.constant 0 : i32
      %add3A_1096 = arith.addi %mul3A_1094, %add3A_1095 : i32
      %get3A_1097 = arith.index_cast %add3A_1096 : i32 to index
      %get3A_1098 = tpu.vector_load %arg8[%get3A_1097] {strides = array<i32>} : memref<10240xi32, #tpu.memory_space<vmem>>, vector<16xi32>,
      %get3A_1099 = vector.shape_cast %get3A_1098 : vector<16xi32> to vector<16xi32>
      %and3A_1100 = arith.constant 65535 : i32
      %and3A_1101 = vector.broadcast %and3A_1100 : i32 to vector<16xi32>
      %and3A_1102 = arith.andi %get3A_1099, %and3A_1101 : vector<16xi32>
      %add3A_1103 = arith.constant 0 : i32
      %add3A_1104 = arith.addi %mul3A_1092, %add3A_1103 : i32
      %swap3A_1105 = arith.index_cast %add3A_1104 : i32 to index
      %swap3A_1106 = tpu.vector_load %arg10[%swap3A_1105] {strides = array<i32>} : memref<512xi32, #tpu.memory_space<vmem>>, vector<16xi32>,
      %swap3A_1107 = vector.shape_cast %swap3A_1106 : vector<16xi32> to vector<16xi32>
      %swap3A_1108 = vector.shape_cast %and3A_1102 : vector<16xi32> to vector<16xi32>
      tpu.vector_store %arg10[%swap3A_1105], %swap3A_1108 {strides = array<i32>} : memref<512xi32, #tpu.memory_space<vmem>>, vector<16xi32>,
      %shift_right_logical3A_1109 = arith.constant 16 : i32
      %shift_right_logical3A_1110 = vector.broadcast %shift_right_logical3A_1109 : i32 to vector<16xi32>
      %shift_right_logical3A_1111 = arith.shrui %get3A_1099, %shift_right_logical3A_1110 : vector<16xi32>
      %add3A_1112 = arith.constant 0 : i32
      %add3A_1113 = arith.addi %mul3A_1092, %add3A_1112 : i32
      %add3A_1114 = arith.constant 16 : i32
      %add3A_1115 = arith.addi %add3A_1113, %add3A_1114 : i32
      %swap3A_1116 = arith.index_cast %add3A_1115 : i32 to index
      %swap3A_1117 = tpu.vector_load %arg10[%swap3A_1116] {strides = array<i32>} : memref<512xi32, #tpu.memory_space<vmem>>, vector<16xi32>,
      %swap3A_1118 = vector.shape_cast %swap3A_1117 : vector<16xi32> to vector<16xi32>
      %swap3A_1119 = vector.shape_cast %shift_right_logical3A_1111 : vector<16xi32> to vector<16xi32>
      tpu.vector_store %arg10[%swap3A_1116], %swap3A_1119 {strides = array<i32>} : memref<512xi32, #tpu.memory_space<vmem>>, vector<16xi32>,
      %mul3A_1120 = arith.constant 64 : i32
      %mul3A_1121 = arith.muli %add3A_1088, %mul3A_1120 : i32
      %add3A_1122 = arith.constant 16 : i32
      %add3A_1123 = arith.addi %mul3A_1121, %add3A_1122 : i32
      %get3A_1124 = arith.index_cast %add3A_1123 : i32 to index
      %get3A_1125 = tpu.vector_load %arg8[%get3A_1124] {strides = array<i32>} : memref<10240xi32, #tpu.memory_space<vmem>>, vector<16xi32>,
      %get3A_1126 = vector.shape_cast %get3A_1125 : vector<16xi32> to vector<16xi32>
      %and3A_1127 = arith.constant 65535 : i32
      %and3A_1128 = vector.broadcast %and3A_1127 : i32 to vector<16xi32>
      %and3A_1129 = arith.andi %get3A_1126, %and3A_1128 : vector<16xi32>
      %add3A_1130 = arith.constant 32 : i32
      %add3A_1131 = arith.addi %mul3A_1092, %add3A_1130 : i32
      %swap3A_1132 = arith.index_cast %add3A_1131 : i32 to index
      %swap3A_1133 = tpu.vector_load %arg10[%swap3A_1132] {strides = array<i32>} : memref<512xi32, #tpu.memory_space<vmem>>, vector<16xi32>,
      %swap3A_1134 = vector.shape_cast %swap3A_1133 : vector<16xi32> to vector<16xi32>
      %swap3A_1135 = vector.shape_cast %and3A_1129 : vector<16xi32> to vector<16xi32>
      tpu.vector_store %arg10[%swap3A_1132], %swap3A_1135 {strides = array<i32>} : memref<512xi32, #tpu.memory_space<vmem>>, vector<16xi32>,
      %shift_right_logical3A_1136 = arith.constant 16 : i32
      %shift_right_logical3A_1137 = vector.broadcast %shift_right_logical3A_1136 : i32 to vector<16xi32>
      %shift_right_logical3A_1138 = arith.shrui %get3A_1126, %shift_right_logical3A_1137 : vector<16xi32>
      %add3A_1139 = arith.constant 32 : i32
      %add3A_1140 = arith.addi %mul3A_1092, %add3A_1139 : i32
      %add3A_1141 = arith.constant 16 : i32
      %add3A_1142 = arith.addi %add3A_1140, %add3A_1141 : i32
      %swap3A_1143 = arith.index_cast %add3A_1142 : i32 to index
      %swap3A_1144 = tpu.vector_load %arg10[%swap3A_1143] {strides = array<i32>} : memref<512xi32, #tpu.memory_space<vmem>>, vector<16xi32>,
      %swap3A_1145 = vector.shape_cast %swap3A_1144 : vector<16xi32> to vector<16xi32>
      %swap3A_1146 = vector.shape_cast %shift_right_logical3A_1138 : vector<16xi32> to vector<16xi32>
      tpu.vector_store %arg10[%swap3A_1143], %swap3A_1146 {strides = array<i32>} : memref<512xi32, #tpu.memory_space<vmem>>, vector<16xi32>,
      %mul3A_1147 = arith.constant 64 : i32
      %mul3A_1148 = arith.muli %add3A_1088, %mul3A_1147 : i32
      %add3A_1149 = arith.constant 32 : i32
      %add3A_1150 = arith.addi %mul3A_1148, %add3A_1149 : i32
      %get3A_1151 = arith.index_cast %add3A_1150 : i32 to index
      %get3A_1152 = tpu.vector_load %arg8[%get3A_1151] {strides = array<i32>} : memref<10240xi32, #tpu.memory_space<vmem>>, vector<16xi32>,
      %get3A_1153 = vector.shape_cast %get3A_1152 : vector<16xi32> to vector<16xi32>
      %and3A_1154 = arith.constant 65535 : i32
      %and3A_1155 = vector.broadcast %and3A_1154 : i32 to vector<16xi32>
      %and3A_1156 = arith.andi %get3A_1153, %and3A_1155 : vector<16xi32>
      %add3A_1157 = arith.constant 64 : i32
      %add3A_1158 = arith.addi %mul3A_1092, %add3A_1157 : i32
      %swap3A_1159 = arith.index_cast %add3A_1158 : i32 to index
      %swap3A_1160 = tpu.vector_load %arg10[%swap3A_1159] {strides = array<i32>} : memref<512xi32, #tpu.memory_space<vmem>>, vector<16xi32>,
      %swap3A_1161 = vector.shape_cast %swap3A_1160 : vector<16xi32> to vector<16xi32>
      %swap3A_1162 = vector.shape_cast %and3A_1156 : vector<16xi32> to vector<16xi32>
      tpu.vector_store %arg10[%swap3A_1159], %swap3A_1162 {strides = array<i32>} : memref<512xi32, #tpu.memory_space<vmem>>, vector<16xi32>,
      %shift_right_logical3A_1163 = arith.constant 16 : i32
      %shift_right_logical3A_1164 = vector.broadcast %shift_right_logical3A_1163 : i32 to vector<16xi32>
      %shift_right_logical3A_1165 = arith.shrui %get3A_1153, %shift_right_logical3A_1164 : vector<16xi32>
      %add3A_1166 = arith.constant 64 : i32
      %add3A_1167 = arith.addi %mul3A_1092, %add3A_1166 : i32
      %add3A_1168 = arith.constant 16 : i32
      %add3A_1169 = arith.addi %add3A_1167, %add3A_1168 : i32
      %swap3A_1170 = arith.index_cast %add3A_1169 : i32 to index
      %swap3A_1171 = tpu.vector_load %arg10[%swap3A_1170] {strides = array<i32>} : memref<512xi32, #tpu.memory_space<vmem>>, vector<16xi32>,
      %swap3A_1172 = vector.shape_cast %swap3A_1171 : vector<16xi32> to vector<16xi32>
      %swap3A_1173 = vector.shape_cast %shift_right_logical3A_1165 : vector<16xi32> to vector<16xi32>
      tpu.vector_store %arg10[%swap3A_1170], %swap3A_1173 {strides = array<i32>} : memref<512xi32, #tpu.memory_space<vmem>>, vector<16xi32>,
      %mul3A_1174 = arith.constant 64 : i32
      %mul3A_1175 = arith.muli %add3A_1088, %mul3A_1174 : i32
      %add3A_1176 = arith.constant 48 : i32
      %add3A_1177 = arith.addi %mul3A_1175, %add3A_1176 : i32
      %get3A_1178 = arith.index_cast %add3A_1177 : i32 to index
      %get3A_1179 = tpu.vector_load %arg8[%get3A_1178] {strides = array<i32>} : memref<10240xi32, #tpu.memory_space<vmem>>, vector<16xi32>,
      %get3A_1180 = vector.shape_cast %get3A_1179 : vector<16xi32> to vector<16xi32>
      %and3A_1181 = arith.constant 65535 : i32
      %and3A_1182 = vector.broadcast %and3A_1181 : i32 to vector<16xi32>
      %and3A_1183 = arith.andi %get3A_1180, %and3A_1182 : vector<16xi32>
      %add3A_1184 = arith.constant 96 : i32
      %add3A_1185 = arith.addi %mul3A_1092, %add3A_1184 : i32
      %swap3A_1186 = arith.index_cast %add3A_1185 : i32 to index
      %swap3A_1187 = tpu.vector_load %arg10[%swap3A_1186] {strides = array<i32>} : memref<512xi32, #tpu.memory_space<vmem>>, vector<16xi32>,
      %swap3A_1188 = vector.shape_cast %swap3A_1187 : vector<16xi32> to vector<16xi32>
      %swap3A_1189 = vector.shape_cast %and3A_1183 : vector<16xi32> to vector<16xi32>
      tpu.vector_store %arg10[%swap3A_1186], %swap3A_1189 {strides = array<i32>} : memref<512xi32, #tpu.memory_space<vmem>>, vector<16xi32>,
      %shift_right_logical3A_1190 = arith.constant 16 : i32
      %shift_right_logical3A_1191 = vector.broadcast %shift_right_logical3A_1190 : i32 to vector<16xi32>
      %shift_right_logical3A_1192 = arith.shrui %get3A_1180, %shift_right_logical3A_1191 : vector<16xi32>
      %add3A_1193 = arith.constant 96 : i32
      %add3A_1194 = arith.addi %mul3A_1092, %add3A_1193 : i32
      %add3A_1195 = arith.constant 16 : i32
      %add3A_1196 = arith.addi %add3A_1194, %add3A_1195 : i32
      %swap3A_1197 = arith.index_cast %add3A_1196 : i32 to index
      %swap3A_1198 = tpu.vector_load %arg10[%swap3A_1197] {strides = array<i32>} : memref<512xi32, #tpu.memory_space<vmem>>, vector<16xi32>,
      %swap3A_1199 = vector.shape_cast %swap3A_1198 : vector<16xi32> to vector<16xi32>
      %swap3A_1200 = vector.shape_cast %shift_right_logical3A_1192 : vector<16xi32> to vector<16xi32>
      tpu.vector_store %arg10[%swap3A_1197], %swap3A_1200 {strides = array<i32>} : memref<512xi32, #tpu.memory_space<vmem>>, vector<16xi32>,
      %add3A_1201 = arith.constant 3 : i32
      %add3A_1202 = arith.addi %add3A_1072, %add3A_1201 : i32
      %and3A_1203 = arith.constant 3 : i32
      %and3A_1204 = arith.andi %add3A_1202, %and3A_1203 : i32
      %mul3A_1205 = arith.constant 128 : i32
      %mul3A_1206 = arith.muli %and3A_1204, %mul3A_1205 : i32
      %dma_start3A_1207 = arith.constant 2 : i32
      %dma_start3A_1208 = arith.constant 0 : i32
      %dma_start3A_1209 = arith.constant 0 : i32
      %dma_start3A_1210 = tpu.memref_slice %arg11[%dma_start3A_1207, %dma_start3A_1208, %dma_start3A_1209] : memref<3x128x128xf32, #tpu.memory_space<vmem>> -> memref<1x128x128xf32, #tpu.memory_space<vmem>>
      %dma_start3A_1211 = tpu.memref_squeeze %dma_start3A_1210 : memref<1x128x128xf32, #tpu.memory_space<vmem>> -> memref<128x128xf32, #tpu.memory_space<vmem>>
      %dma_start3A_1212 = tpu.memref_slice %arg10[%mul3A_1206] : memref<512xi32, #tpu.memory_space<vmem>> -> memref<128xi32, #tpu.memory_space<vmem>>
      %dma_start3A_1213 = arith.constant 0 : i32
      %dma_start3A_1214 = arith.constant 0 : i32
      %dma_start3A_1215 = tpu.memref_slice %arg3[%dma_start3A_1213, %dma_start3A_1214] : memref<10000x128xf32, #tpu.memory_space<hbm>> -> memref<10000x128xf32, #tpu.memory_space<hbm>>
      %dma_start3A_1216 = arith.constant 65535 : i32
      tpu.enqueue_indirect_dma source(%dma_start3A_1215 : memref<10000x128xf32, #tpu.memory_space<hbm>>) target(%dma_start3A_1211 : memref<128x128xf32, #tpu.memory_space<vmem>>) offsets(%dma_start3A_1212 : memref<128xi32, #tpu.memory_space<vmem>>) offset_filter(%dma_start3A_1216) semaphore(%arg15 : memref<!tpu.dma_semaphore, #tpu.memory_space<semaphore_mem>>)
    }
    %scan3A_645 = arith.constant 52 : i32
    %dma_wait3A_646 = arith.constant 0 : i32
    %dma_wait3A_647 = arith.constant 0 : i32
    %dma_wait3A_648 = arith.constant 0 : i32
    %dma_wait3A_649 = tpu.memref_slice %arg11[%dma_wait3A_646, %dma_wait3A_647, %dma_wait3A_648] : memref<3x128x128xf32, #tpu.memory_space<vmem>> -> memref<1x128x128xf32, #tpu.memory_space<vmem>>
    %dma_wait3A_650 = tpu.memref_squeeze %dma_wait3A_649 : memref<1x128x128xf32, #tpu.memory_space<vmem>> -> memref<128x128xf32, #tpu.memory_space<vmem>>
    %dma_wait3A_651 = arith.constant 0 : i32
    %dma_wait3A_652 = tpu.memref_slice %arg10[%dma_wait3A_651] : memref<512xi32, #tpu.memory_space<vmem>> -> memref<128xi32, #tpu.memory_space<vmem>>
    %dma_wait3A_653 = arith.constant 0 : i32
    %dma_wait3A_654 = arith.constant 0 : i32
    %dma_wait3A_655 = tpu.memref_slice %arg3[%dma_wait3A_653, %dma_wait3A_654] : memref<10000x128xf32, #tpu.memory_space<hbm>> -> memref<10000x128xf32, #tpu.memory_space<hbm>>
    tpu.wait_indirect_dma semaphore(%arg13 : memref<!tpu.dma_semaphore, #tpu.memory_space<semaphore_mem>>) src(%dma_wait3A_655 : memref<10000x128xf32, #tpu.memory_space<hbm>>) dst(%dma_wait3A_650 : memref<128x128xf32, #tpu.memory_space<vmem>>)
    %run_scoped3A_656 = arith.constant 0 : i32
    %run_scoped3A_657 = arith.constant 156 : i32
    "tpu.region"() ({
      %run_scoped3A_776 = tpu.sem_alloc : memref<!tpu.dma_semaphore, #tpu.memory_space<semaphore_mem>>
      %dma_start3A_777 = arith.constant 0 : i32
      %dma_start3A_778 = arith.constant 0 : i32
      %dma_start3A_779 = tpu.memref_slice %arg11[%run_scoped3A_656, %dma_start3A_777, %dma_start3A_778] : memref<3x128x128xf32, #tpu.memory_space<vmem>> -> memref<1x128x128xf32, #tpu.memory_space<vmem>>
      %dma_start3A_780 = tpu.memref_squeeze %dma_start3A_779 : memref<1x128x128xf32, #tpu.memory_space<vmem>> -> memref<128x128xf32, #tpu.memory_space<vmem>>
      %dma_start3A_781 = arith.constant 0 : i32
      %dma_start3A_782 = tpu.memref_slice %arg9[%run_scoped3A_657, %dma_start3A_781] : memref<160x128xi32, #tpu.memory_space<vmem>> -> memref<1x128xi32, #tpu.memory_space<vmem>>
      %dma_start3A_783 = tpu.memref_squeeze %dma_start3A_782 : memref<1x128xi32, #tpu.memory_space<vmem>> -> memref<128xi32, #tpu.memory_space<vmem>>
      %dma_start3A_784 = arith.constant 0 : i32
      %dma_start3A_785 = arith.constant 0 : i32
      %dma_start3A_786 = tpu.memref_slice %arg12[%dma_start3A_784, %dma_start3A_785] : memref<5120x128xf32, #tpu.memory_space<vmem_shared>> -> memref<5120x128xf32, #tpu.memory_space<vmem_shared>>
      %dma_start3A_787 = arith.constant -1 : i32
      tpu.enqueue_indirect_dma source(%dma_start3A_780 : memref<128x128xf32, #tpu.memory_space<vmem>>) target(%dma_start3A_786 : memref<5120x128xf32, #tpu.memory_space<vmem_shared>>) offsets(%dma_start3A_783 : memref<128xi32, #tpu.memory_space<vmem>>) offset_filter(%dma_start3A_787) semaphore(%run_scoped3A_776 : memref<!tpu.dma_semaphore, #tpu.memory_space<semaphore_mem>>) {add = true}
      %dma_wait3A_788 = arith.constant 0 : i32
      %dma_wait3A_789 = arith.constant 0 : i32
      %dma_wait3A_790 = tpu.memref_slice %arg11[%run_scoped3A_656, %dma_wait3A_788, %dma_wait3A_789] : memref<3x128x128xf32, #tpu.memory_space<vmem>> -> memref<1x128x128xf32, #tpu.memory_space<vmem>>
      %dma_wait3A_791 = tpu.memref_squeeze %dma_wait3A_790 : memref<1x128x128xf32, #tpu.memory_space<vmem>> -> memref<128x128xf32, #tpu.memory_space<vmem>>
      %dma_wait3A_792 = arith.constant 0 : i32
      %dma_wait3A_793 = tpu.memref_slice %arg9[%run_scoped3A_657, %dma_wait3A_792] : memref<160x128xi32, #tpu.memory_space<vmem>> -> memref<1x128xi32, #tpu.memory_space<vmem>>
      %dma_wait3A_794 = tpu.memref_squeeze %dma_wait3A_793 : memref<1x128xi32, #tpu.memory_space<vmem>> -> memref<128xi32, #tpu.memory_space<vmem>>
      %dma_wait3A_795 = arith.constant 0 : i32
      %dma_wait3A_796 = arith.constant 0 : i32
      %dma_wait3A_797 = tpu.memref_slice %arg12[%dma_wait3A_795, %dma_wait3A_796] : memref<5120x128xf32, #tpu.memory_space<vmem_shared>> -> memref<5120x128xf32, #tpu.memory_space<vmem_shared>>
      tpu.wait_indirect_dma semaphore(%run_scoped3A_776 : memref<!tpu.dma_semaphore, #tpu.memory_space<semaphore_mem>>) src(%dma_wait3A_791 : memref<128x128xf32, #tpu.memory_space<vmem>>) dst(%dma_wait3A_797 : memref<5120x128xf32, #tpu.memory_space<vmem_shared>>)
      tpu.yield
    }) : () -> ()
    %get3A_658 = arith.constant 10176 : index
    %get3A_659 = tpu.vector_load %arg8[%get3A_658] {strides = array<i32>} : memref<10240xi32, #tpu.memory_space<vmem>>, vector<16xi32>,
    %get3A_660 = vector.shape_cast %get3A_659 : vector<16xi32> to vector<16xi32>
    %and3A_661 = arith.constant 65535 : i32
    %and3A_662 = vector.broadcast %and3A_661 : i32 to vector<16xi32>
    %and3A_663 = arith.andi %get3A_660, %and3A_662 : vector<16xi32>
    %swap3A_664 = arith.constant 384 : index
    %swap3A_665 = tpu.vector_load %arg10[%swap3A_664] {strides = array<i32>} : memref<512xi32, #tpu.memory_space<vmem>>, vector<16xi32>,
    %swap3A_666 = vector.shape_cast %swap3A_665 : vector<16xi32> to vector<16xi32>
    %swap3A_667 = vector.shape_cast %and3A_663 : vector<16xi32> to vector<16xi32>
    tpu.vector_store %arg10[%swap3A_664], %swap3A_667 {strides = array<i32>} : memref<512xi32, #tpu.memory_space<vmem>>, vector<16xi32>,
    %shift_right_logical3A_668 = arith.constant 16 : i32
    %shift_right_logical3A_669 = vector.broadcast %shift_right_logical3A_668 : i32 to vector<16xi32>
    %shift_right_logical3A_670 = arith.shrui %get3A_660, %shift_right_logical3A_669 : vector<16xi32>
    %swap3A_671 = arith.constant 400 : index
    %swap3A_672 = tpu.vector_load %arg10[%swap3A_671] {strides = array<i32>} : memref<512xi32, #tpu.memory_space<vmem>>, vector<16xi32>,
    %swap3A_673 = vector.shape_cast %swap3A_672 : vector<16xi32> to vector<16xi32>
    %swap3A_674 = vector.shape_cast %shift_right_logical3A_670 : vector<16xi32> to vector<16xi32>
    tpu.vector_store %arg10[%swap3A_671], %swap3A_674 {strides = array<i32>} : memref<512xi32, #tpu.memory_space<vmem>>, vector<16xi32>,
    %get3A_675 = arith.constant 10192 : index
    %get3A_676 = tpu.vector_load %arg8[%get3A_675] {strides = array<i32>} : memref<10240xi32, #tpu.memory_space<vmem>>, vector<16xi32>,
    %get3A_677 = vector.shape_cast %get3A_676 : vector<16xi32> to vector<16xi32>
    %and3A_678 = arith.constant 65535 : i32
    %and3A_679 = vector.broadcast %and3A_678 : i32 to vector<16xi32>
    %and3A_680 = arith.andi %get3A_677, %and3A_679 : vector<16xi32>
    %swap3A_681 = arith.constant 416 : index
    %swap3A_682 = tpu.vector_load %arg10[%swap3A_681] {strides = array<i32>} : memref<512xi32, #tpu.memory_space<vmem>>, vector<16xi32>,
    %swap3A_683 = vector.shape_cast %swap3A_682 : vector<16xi32> to vector<16xi32>
    %swap3A_684 = vector.shape_cast %and3A_680 : vector<16xi32> to vector<16xi32>
    tpu.vector_store %arg10[%swap3A_681], %swap3A_684 {strides = array<i32>} : memref<512xi32, #tpu.memory_space<vmem>>, vector<16xi32>,
    %shift_right_logical3A_685 = arith.constant 16 : i32
    %shift_right_logical3A_686 = vector.broadcast %shift_right_logical3A_685 : i32 to vector<16xi32>
    %shift_right_logical3A_687 = arith.shrui %get3A_677, %shift_right_logical3A_686 : vector<16xi32>
    %swap3A_688 = arith.constant 432 : index
    %swap3A_689 = tpu.vector_load %arg10[%swap3A_688] {strides = array<i32>} : memref<512xi32, #tpu.memory_space<vmem>>, vector<16xi32>,
    %swap3A_690 = vector.shape_cast %swap3A_689 : vector<16xi32> to vector<16xi32>
    %swap3A_691 = vector.shape_cast %shift_right_logical3A_687 : vector<16xi32> to vector<16xi32>
    tpu.vector_store %arg10[%swap3A_688], %swap3A_691 {strides = array<i32>} : memref<512xi32, #tpu.memory_space<vmem>>, vector<16xi32>,
    %get3A_692 = arith.constant 10208 : index
    %get3A_693 = tpu.vector_load %arg8[%get3A_692] {strides = array<i32>} : memref<10240xi32, #tpu.memory_space<vmem>>, vector<16xi32>,
    %get3A_694 = vector.shape_cast %get3A_693 : vector<16xi32> to vector<16xi32>
    %and3A_695 = arith.constant 65535 : i32
    %and3A_696 = vector.broadcast %and3A_695 : i32 to vector<16xi32>
    %and3A_697 = arith.andi %get3A_694, %and3A_696 : vector<16xi32>
    %swap3A_698 = arith.constant 448 : index
    %swap3A_699 = tpu.vector_load %arg10[%swap3A_698] {strides = array<i32>} : memref<512xi32, #tpu.memory_space<vmem>>, vector<16xi32>,
    %swap3A_700 = vector.shape_cast %swap3A_699 : vector<16xi32> to vector<16xi32>
    %swap3A_701 = vector.shape_cast %and3A_697 : vector<16xi32> to vector<16xi32>
    tpu.vector_store %arg10[%swap3A_698], %swap3A_701 {strides = array<i32>} : memref<512xi32, #tpu.memory_space<vmem>>, vector<16xi32>,
    %shift_right_logical3A_702 = arith.constant 16 : i32
    %shift_right_logical3A_703 = vector.broadcast %shift_right_logical3A_702 : i32 to vector<16xi32>
    %shift_right_logical3A_704 = arith.shrui %get3A_694, %shift_right_logical3A_703 : vector<16xi32>
    %swap3A_705 = arith.constant 464 : index
    %swap3A_706 = tpu.vector_load %arg10[%swap3A_705] {strides = array<i32>} : memref<512xi32, #tpu.memory_space<vmem>>, vector<16xi32>,
    %swap3A_707 = vector.shape_cast %swap3A_706 : vector<16xi32> to vector<16xi32>
    %swap3A_708 = vector.shape_cast %shift_right_logical3A_704 : vector<16xi32> to vector<16xi32>
    tpu.vector_store %arg10[%swap3A_705], %swap3A_708 {strides = array<i32>} : memref<512xi32, #tpu.memory_space<vmem>>, vector<16xi32>,
    %get3A_709 = arith.constant 10224 : index
    %get3A_710 = tpu.vector_load %arg8[%get3A_709] {strides = array<i32>} : memref<10240xi32, #tpu.memory_space<vmem>>, vector<16xi32>,
    %get3A_711 = vector.shape_cast %get3A_710 : vector<16xi32> to vector<16xi32>
    %and3A_712 = arith.constant 65535 : i32
    %and3A_713 = vector.broadcast %and3A_712 : i32 to vector<16xi32>
    %and3A_714 = arith.andi %get3A_711, %and3A_713 : vector<16xi32>
    %swap3A_715 = arith.constant 480 : index
    %swap3A_716 = tpu.vector_load %arg10[%swap3A_715] {strides = array<i32>} : memref<512xi32, #tpu.memory_space<vmem>>, vector<16xi32>,
    %swap3A_717 = vector.shape_cast %swap3A_716 : vector<16xi32> to vector<16xi32>
    %swap3A_718 = vector.shape_cast %and3A_714 : vector<16xi32> to vector<16xi32>
    tpu.vector_store %arg10[%swap3A_715], %swap3A_718 {strides = array<i32>} : memref<512xi32, #tpu.memory_space<vmem>>, vector<16xi32>,
    %shift_right_logical3A_719 = arith.constant 16 : i32
    %shift_right_logical3A_720 = vector.broadcast %shift_right_logical3A_719 : i32 to vector<16xi32>
    %shift_right_logical3A_721 = arith.shrui %get3A_711, %shift_right_logical3A_720 : vector<16xi32>
    %swap3A_722 = arith.constant 496 : index
    %swap3A_723 = tpu.vector_load %arg10[%swap3A_722] {strides = array<i32>} : memref<512xi32, #tpu.memory_space<vmem>>, vector<16xi32>,
    %swap3A_724 = vector.shape_cast %swap3A_723 : vector<16xi32> to vector<16xi32>
    %swap3A_725 = vector.shape_cast %shift_right_logical3A_721 : vector<16xi32> to vector<16xi32>
    tpu.vector_store %arg10[%swap3A_722], %swap3A_725 {strides = array<i32>} : memref<512xi32, #tpu.memory_space<vmem>>, vector<16xi32>,
    %dma_start3A_726 = arith.constant 0 : i32
    %dma_start3A_727 = arith.constant 0 : i32
    %dma_start3A_728 = arith.constant 0 : i32
    %dma_start3A_729 = tpu.memref_slice %arg11[%dma_start3A_726, %dma_start3A_727, %dma_start3A_728] : memref<3x128x128xf32, #tpu.memory_space<vmem>> -> memref<1x128x128xf32, #tpu.memory_space<vmem>>
    %dma_start3A_730 = tpu.memref_squeeze %dma_start3A_729 : memref<1x128x128xf32, #tpu.memory_space<vmem>> -> memref<128x128xf32, #tpu.memory_space<vmem>>
    %dma_start3A_731 = arith.constant 384 : i32
    %dma_start3A_732 = tpu.memref_slice %arg10[%dma_start3A_731] : memref<512xi32, #tpu.memory_space<vmem>> -> memref<128xi32, #tpu.memory_space<vmem>>
    %dma_start3A_733 = arith.constant 0 : i32
    %dma_start3A_734 = arith.constant 0 : i32
    %dma_start3A_735 = tpu.memref_slice %arg3[%dma_start3A_733, %dma_start3A_734] : memref<10000x128xf32, #tpu.memory_space<hbm>> -> memref<10000x128xf32, #tpu.memory_space<hbm>>
    %dma_start3A_736 = arith.constant 65535 : i32
    tpu.enqueue_indirect_dma source(%dma_start3A_735 : memref<10000x128xf32, #tpu.memory_space<hbm>>) target(%dma_start3A_730 : memref<128x128xf32, #tpu.memory_space<vmem>>) offsets(%dma_start3A_732 : memref<128xi32, #tpu.memory_space<vmem>>) offset_filter(%dma_start3A_736) semaphore(%arg13 : memref<!tpu.dma_semaphore, #tpu.memory_space<semaphore_mem>>)
    %dma_wait3A_737 = arith.constant 1 : i32
    %dma_wait3A_738 = arith.constant 0 : i32
    %dma_wait3A_739 = arith.constant 0 : i32
    %dma_wait3A_740 = tpu.memref_slice %arg11[%dma_wait3A_737, %dma_wait3A_738, %dma_wait3A_739] : memref<3x128x128xf32, #tpu.memory_space<vmem>> -> memref<1x128x128xf32, #tpu.memory_space<vmem>>
    %dma_wait3A_741 = tpu.memref_squeeze %dma_wait3A_740 : memref<1x128x128xf32, #tpu.memory_space<vmem>> -> memref<128x128xf32, #tpu.memory_space<vmem>>
    %dma_wait3A_742 = arith.constant 128 : i32
    %dma_wait3A_743 = tpu.memref_slice %arg10[%dma_wait3A_742] : memref<512xi32, #tpu.memory_space<vmem>> -> memref<128xi32, #tpu.memory_space<vmem>>
    %dma_wait3A_744 = arith.constant 0 : i32
    %dma_wait3A_745 = arith.constant 0 : i32
    %dma_wait3A_746 = tpu.memref_slice %arg3[%dma_wait3A_744, %dma_wait3A_745] : memref<10000x128xf32, #tpu.memory_space<hbm>> -> memref<10000x128xf32, #tpu.memory_space<hbm>>
    tpu.wait_indirect_dma semaphore(%arg14 : memref<!tpu.dma_semaphore, #tpu.memory_space<semaphore_mem>>) src(%dma_wait3A_746 : memref<10000x128xf32, #tpu.memory_space<hbm>>) dst(%dma_wait3A_741 : memref<128x128xf32, #tpu.memory_space<vmem>>)
    %run_scoped3A_747 = arith.constant 1 : i32
    %run_scoped3A_748 = arith.constant 157 : i32
    "tpu.region"() ({
      %run_scoped3A_776 = tpu.sem_alloc : memref<!tpu.dma_semaphore, #tpu.memory_space<semaphore_mem>>
      %dma_start3A_777 = arith.constant 0 : i32
      %dma_start3A_778 = arith.constant 0 : i32
      %dma_start3A_779 = tpu.memref_slice %arg11[%run_scoped3A_747, %dma_start3A_777, %dma_start3A_778] : memref<3x128x128xf32, #tpu.memory_space<vmem>> -> memref<1x128x128xf32, #tpu.memory_space<vmem>>
      %dma_start3A_780 = tpu.memref_squeeze %dma_start3A_779 : memref<1x128x128xf32, #tpu.memory_space<vmem>> -> memref<128x128xf32, #tpu.memory_space<vmem>>
      %dma_start3A_781 = arith.constant 0 : i32
      %dma_start3A_782 = tpu.memref_slice %arg9[%run_scoped3A_748, %dma_start3A_781] : memref<160x128xi32, #tpu.memory_space<vmem>> -> memref<1x128xi32, #tpu.memory_space<vmem>>
      %dma_start3A_783 = tpu.memref_squeeze %dma_start3A_782 : memref<1x128xi32, #tpu.memory_space<vmem>> -> memref<128xi32, #tpu.memory_space<vmem>>
      %dma_start3A_784 = arith.constant 0 : i32
      %dma_start3A_785 = arith.constant 0 : i32
      %dma_start3A_786 = tpu.memref_slice %arg12[%dma_start3A_784, %dma_start3A_785] : memref<5120x128xf32, #tpu.memory_space<vmem_shared>> -> memref<5120x128xf32, #tpu.memory_space<vmem_shared>>
      %dma_start3A_787 = arith.constant -1 : i32
      tpu.enqueue_indirect_dma source(%dma_start3A_780 : memref<128x128xf32, #tpu.memory_space<vmem>>) target(%dma_start3A_786 : memref<5120x128xf32, #tpu.memory_space<vmem_shared>>) offsets(%dma_start3A_783 : memref<128xi32, #tpu.memory_space<vmem>>) offset_filter(%dma_start3A_787) semaphore(%run_scoped3A_776 : memref<!tpu.dma_semaphore, #tpu.memory_space<semaphore_mem>>) {add = true}
      %dma_wait3A_788 = arith.constant 0 : i32
      %dma_wait3A_789 = arith.constant 0 : i32
      %dma_wait3A_790 = tpu.memref_slice %arg11[%run_scoped3A_747, %dma_wait3A_788, %dma_wait3A_789] : memref<3x128x128xf32, #tpu.memory_space<vmem>> -> memref<1x128x128xf32, #tpu.memory_space<vmem>>
      %dma_wait3A_791 = tpu.memref_squeeze %dma_wait3A_790 : memref<1x128x128xf32, #tpu.memory_space<vmem>> -> memref<128x128xf32, #tpu.memory_space<vmem>>
      %dma_wait3A_792 = arith.constant 0 : i32
      %dma_wait3A_793 = tpu.memref_slice %arg9[%run_scoped3A_748, %dma_wait3A_792] : memref<160x128xi32, #tpu.memory_space<vmem>> -> memref<1x128xi32, #tpu.memory_space<vmem>>
      %dma_wait3A_794 = tpu.memref_squeeze %dma_wait3A_793 : memref<1x128xi32, #tpu.memory_space<vmem>> -> memref<128xi32, #tpu.memory_space<vmem>>
      %dma_wait3A_795 = arith.constant 0 : i32
      %dma_wait3A_796 = arith.constant 0 : i32
      %dma_wait3A_797 = tpu.memref_slice %arg12[%dma_wait3A_795, %dma_wait3A_796] : memref<5120x128xf32, #tpu.memory_space<vmem_shared>> -> memref<5120x128xf32, #tpu.memory_space<vmem_shared>>
      tpu.wait_indirect_dma semaphore(%run_scoped3A_776 : memref<!tpu.dma_semaphore, #tpu.memory_space<semaphore_mem>>) src(%dma_wait3A_791 : memref<128x128xf32, #tpu.memory_space<vmem>>) dst(%dma_wait3A_797 : memref<5120x128xf32, #tpu.memory_space<vmem_shared>>)
      tpu.yield
    }) : () -> ()
    %dma_wait3A_749 = arith.constant 2 : i32
    %dma_wait3A_750 = arith.constant 0 : i32
    %dma_wait3A_751 = arith.constant 0 : i32
    %dma_wait3A_752 = tpu.memref_slice %arg11[%dma_wait3A_749, %dma_wait3A_750, %dma_wait3A_751] : memref<3x128x128xf32, #tpu.memory_space<vmem>> -> memref<1x128x128xf32, #tpu.memory_space<vmem>>
    %dma_wait3A_753 = tpu.memref_squeeze %dma_wait3A_752 : memref<1x128x128xf32, #tpu.memory_space<vmem>> -> memref<128x128xf32, #tpu.memory_space<vmem>>
    %dma_wait3A_754 = arith.constant 256 : i32
    %dma_wait3A_755 = tpu.memref_slice %arg10[%dma_wait3A_754] : memref<512xi32, #tpu.memory_space<vmem>> -> memref<128xi32, #tpu.memory_space<vmem>>
    %dma_wait3A_756 = arith.constant 0 : i32
    %dma_wait3A_757 = arith.constant 0 : i32
    %dma_wait3A_758 = tpu.memref_slice %arg3[%dma_wait3A_756, %dma_wait3A_757] : memref<10000x128xf32, #tpu.memory_space<hbm>> -> memref<10000x128xf32, #tpu.memory_space<hbm>>
    tpu.wait_indirect_dma semaphore(%arg15 : memref<!tpu.dma_semaphore, #tpu.memory_space<semaphore_mem>>) src(%dma_wait3A_758 : memref<10000x128xf32, #tpu.memory_space<hbm>>) dst(%dma_wait3A_753 : memref<128x128xf32, #tpu.memory_space<vmem>>)
    %run_scoped3A_759 = arith.constant 2 : i32
    %run_scoped3A_760 = arith.constant 158 : i32
    "tpu.region"() ({
      %run_scoped3A_776 = tpu.sem_alloc : memref<!tpu.dma_semaphore, #tpu.memory_space<semaphore_mem>>
      %dma_start3A_777 = arith.constant 0 : i32
      %dma_start3A_778 = arith.constant 0 : i32
      %dma_start3A_779 = tpu.memref_slice %arg11[%run_scoped3A_759, %dma_start3A_777, %dma_start3A_778] : memref<3x128x128xf32, #tpu.memory_space<vmem>> -> memref<1x128x128xf32, #tpu.memory_space<vmem>>
      %dma_start3A_780 = tpu.memref_squeeze %dma_start3A_779 : memref<1x128x128xf32, #tpu.memory_space<vmem>> -> memref<128x128xf32, #tpu.memory_space<vmem>>
      %dma_start3A_781 = arith.constant 0 : i32
      %dma_start3A_782 = tpu.memref_slice %arg9[%run_scoped3A_760, %dma_start3A_781] : memref<160x128xi32, #tpu.memory_space<vmem>> -> memref<1x128xi32, #tpu.memory_space<vmem>>
      %dma_start3A_783 = tpu.memref_squeeze %dma_start3A_782 : memref<1x128xi32, #tpu.memory_space<vmem>> -> memref<128xi32, #tpu.memory_space<vmem>>
      %dma_start3A_784 = arith.constant 0 : i32
      %dma_start3A_785 = arith.constant 0 : i32
      %dma_start3A_786 = tpu.memref_slice %arg12[%dma_start3A_784, %dma_start3A_785] : memref<5120x128xf32, #tpu.memory_space<vmem_shared>> -> memref<5120x128xf32, #tpu.memory_space<vmem_shared>>
      %dma_start3A_787 = arith.constant -1 : i32
      tpu.enqueue_indirect_dma source(%dma_start3A_780 : memref<128x128xf32, #tpu.memory_space<vmem>>) target(%dma_start3A_786 : memref<5120x128xf32, #tpu.memory_space<vmem_shared>>) offsets(%dma_start3A_783 : memref<128xi32, #tpu.memory_space<vmem>>) offset_filter(%dma_start3A_787) semaphore(%run_scoped3A_776 : memref<!tpu.dma_semaphore, #tpu.memory_space<semaphore_mem>>) {add = true}
      %dma_wait3A_788 = arith.constant 0 : i32
      %dma_wait3A_789 = arith.constant 0 : i32
      %dma_wait3A_790 = tpu.memref_slice %arg11[%run_scoped3A_759, %dma_wait3A_788, %dma_wait3A_789] : memref<3x128x128xf32, #tpu.memory_space<vmem>> -> memref<1x128x128xf32, #tpu.memory_space<vmem>>
      %dma_wait3A_791 = tpu.memref_squeeze %dma_wait3A_790 : memref<1x128x128xf32, #tpu.memory_space<vmem>> -> memref<128x128xf32, #tpu.memory_space<vmem>>
      %dma_wait3A_792 = arith.constant 0 : i32
      %dma_wait3A_793 = tpu.memref_slice %arg9[%run_scoped3A_760, %dma_wait3A_792] : memref<160x128xi32, #tpu.memory_space<vmem>> -> memref<1x128xi32, #tpu.memory_space<vmem>>
      %dma_wait3A_794 = tpu.memref_squeeze %dma_wait3A_793 : memref<1x128xi32, #tpu.memory_space<vmem>> -> memref<128xi32, #tpu.memory_space<vmem>>
      %dma_wait3A_795 = arith.constant 0 : i32
      %dma_wait3A_796 = arith.constant 0 : i32
      %dma_wait3A_797 = tpu.memref_slice %arg12[%dma_wait3A_795, %dma_wait3A_796] : memref<5120x128xf32, #tpu.memory_space<vmem_shared>> -> memref<5120x128xf32, #tpu.memory_space<vmem_shared>>
      tpu.wait_indirect_dma semaphore(%run_scoped3A_776 : memref<!tpu.dma_semaphore, #tpu.memory_space<semaphore_mem>>) src(%dma_wait3A_791 : memref<128x128xf32, #tpu.memory_space<vmem>>) dst(%dma_wait3A_797 : memref<5120x128xf32, #tpu.memory_space<vmem_shared>>)
      tpu.yield
    }) : () -> ()
    %dma_wait3A_761 = arith.constant 0 : i32
    %dma_wait3A_762 = arith.constant 0 : i32
    %dma_wait3A_763 = arith.constant 0 : i32
    %dma_wait3A_764 = tpu.memref_slice %arg11[%dma_wait3A_761, %dma_wait3A_762, %dma_wait3A_763] : memref<3x128x128xf32, #tpu.memory_space<vmem>> -> memref<1x128x128xf32, #tpu.memory_space<vmem>>
    %dma_wait3A_765 = tpu.memref_squeeze %dma_wait3A_764 : memref<1x128x128xf32, #tpu.memory_space<vmem>> -> memref<128x128xf32, #tpu.memory_space<vmem>>
    %dma_wait3A_766 = arith.constant 384 : i32
    %dma_wait3A_767 = tpu.memref_slice %arg10[%dma_wait3A_766] : memref<512xi32, #tpu.memory_space<vmem>> -> memref<128xi32, #tpu.memory_space<vmem>>
    %dma_wait3A_768 = arith.constant 0 : i32
    %dma_wait3A_769 = arith.constant 0 : i32
    %dma_wait3A_770 = tpu.memref_slice %arg3[%dma_wait3A_768, %dma_wait3A_769] : memref<10000x128xf32, #tpu.memory_space<hbm>> -> memref<10000x128xf32, #tpu.memory_space<hbm>>
    tpu.wait_indirect_dma semaphore(%arg13 : memref<!tpu.dma_semaphore, #tpu.memory_space<semaphore_mem>>) src(%dma_wait3A_770 : memref<10000x128xf32, #tpu.memory_space<hbm>>) dst(%dma_wait3A_765 : memref<128x128xf32, #tpu.memory_space<vmem>>)
    %run_scoped3A_771 = arith.constant 0 : i32
    %run_scoped3A_772 = arith.constant 159 : i32
    "tpu.region"() ({
      %run_scoped3A_776 = tpu.sem_alloc : memref<!tpu.dma_semaphore, #tpu.memory_space<semaphore_mem>>
      %dma_start3A_777 = arith.constant 0 : i32
      %dma_start3A_778 = arith.constant 0 : i32
      %dma_start3A_779 = tpu.memref_slice %arg11[%run_scoped3A_771, %dma_start3A_777, %dma_start3A_778] : memref<3x128x128xf32, #tpu.memory_space<vmem>> -> memref<1x128x128xf32, #tpu.memory_space<vmem>>
      %dma_start3A_780 = tpu.memref_squeeze %dma_start3A_779 : memref<1x128x128xf32, #tpu.memory_space<vmem>> -> memref<128x128xf32, #tpu.memory_space<vmem>>
      %dma_start3A_781 = arith.constant 0 : i32
      %dma_start3A_782 = tpu.memref_slice %arg9[%run_scoped3A_772, %dma_start3A_781] : memref<160x128xi32, #tpu.memory_space<vmem>> -> memref<1x128xi32, #tpu.memory_space<vmem>>
      %dma_start3A_783 = tpu.memref_squeeze %dma_start3A_782 : memref<1x128xi32, #tpu.memory_space<vmem>> -> memref<128xi32, #tpu.memory_space<vmem>>
      %dma_start3A_784 = arith.constant 0 : i32
      %dma_start3A_785 = arith.constant 0 : i32
      %dma_start3A_786 = tpu.memref_slice %arg12[%dma_start3A_784, %dma_start3A_785] : memref<5120x128xf32, #tpu.memory_space<vmem_shared>> -> memref<5120x128xf32, #tpu.memory_space<vmem_shared>>
      %dma_start3A_787 = arith.constant -1 : i32
      tpu.enqueue_indirect_dma source(%dma_start3A_780 : memref<128x128xf32, #tpu.memory_space<vmem>>) target(%dma_start3A_786 : memref<5120x128xf32, #tpu.memory_space<vmem_shared>>) offsets(%dma_start3A_783 : memref<128xi32, #tpu.memory_space<vmem>>) offset_filter(%dma_start3A_787) semaphore(%run_scoped3A_776 : memref<!tpu.dma_semaphore, #tpu.memory_space<semaphore_mem>>) {add = true}
      %dma_wait3A_788 = arith.constant 0 : i32
      %dma_wait3A_789 = arith.constant 0 : i32
      %dma_wait3A_790 = tpu.memref_slice %arg11[%run_scoped3A_771, %dma_wait3A_788, %dma_wait3A_789] : memref<3x128x128xf32, #tpu.memory_space<vmem>> -> memref<1x128x128xf32, #tpu.memory_space<vmem>>
      %dma_wait3A_791 = tpu.memref_squeeze %dma_wait3A_790 : memref<1x128x128xf32, #tpu.memory_space<vmem>> -> memref<128x128xf32, #tpu.memory_space<vmem>>
      %dma_wait3A_792 = arith.constant 0 : i32
      %dma_wait3A_793 = tpu.memref_slice %arg9[%run_scoped3A_772, %dma_wait3A_792] : memref<160x128xi32, #tpu.memory_space<vmem>> -> memref<1x128xi32, #tpu.memory_space<vmem>>
      %dma_wait3A_794 = tpu.memref_squeeze %dma_wait3A_793 : memref<1x128xi32, #tpu.memory_space<vmem>> -> memref<128xi32, #tpu.memory_space<vmem>>
      %dma_wait3A_795 = arith.constant 0 : i32
      %dma_wait3A_796 = arith.constant 0 : i32
      %dma_wait3A_797 = tpu.memref_slice %arg12[%dma_wait3A_795, %dma_wait3A_796] : memref<5120x128xf32, #tpu.memory_space<vmem_shared>> -> memref<5120x128xf32, #tpu.memory_space<vmem_shared>>
      tpu.wait_indirect_dma semaphore(%run_scoped3A_776 : memref<!tpu.dma_semaphore, #tpu.memory_space<semaphore_mem>>) src(%dma_wait3A_791 : memref<128x128xf32, #tpu.memory_space<vmem>>) dst(%dma_wait3A_797 : memref<5120x128xf32, #tpu.memory_space<vmem_shared>>)
      tpu.yield
    }) : () -> ()
    %barrier3A_773 = arith.constant 0 : index
    tpu.barrier barrier_id(%barrier3A_773)
    %add3A_774 = arith.addi %mul3A_0, %mul3A_12 : i32
    "tpu.region"() ({
      %run_scoped3A_776 = tpu.sem_alloc : memref<!tpu.dma_semaphore, #tpu.memory_space<semaphore_mem>>
      %dma_start3A_777 = arith.constant 0 : i32
      %dma_start3A_778 = tpu.memref_slice %arg7[%add3A_774, %dma_start3A_777] : memref<10240x128xf32, #tpu.memory_space<hbm>> -> memref<320x128xf32, #tpu.memory_space<hbm>>
      %dma_start3A_779 = arith.constant 0 : i32
      %dma_start3A_780 = tpu.memref_slice %arg12[%mul3A_12, %dma_start3A_779] : memref<5120x128xf32, #tpu.memory_space<vmem_shared>> -> memref<320x128xf32, #tpu.memory_space<vmem_shared>>
      tpu.enqueue_dma source(%dma_start3A_780 : memref<320x128xf32, #tpu.memory_space<vmem_shared>>) target(%dma_start3A_778 : memref<320x128xf32, #tpu.memory_space<hbm>>) target_semaphore(%run_scoped3A_776 : memref<!tpu.dma_semaphore, #tpu.memory_space<semaphore_mem>>)
      %dma_wait3A_781 = arith.constant 0 : i32
      %dma_wait3A_782 = tpu.memref_slice %arg7[%add3A_774, %dma_wait3A_781] : memref<10240x128xf32, #tpu.memory_space<hbm>> -> memref<320x128xf32, #tpu.memory_space<hbm>>
      %dma_wait3A_783 = arith.constant 0 : i32
      %dma_wait3A_784 = tpu.memref_slice %arg12[%mul3A_12, %dma_wait3A_783] : memref<5120x128xf32, #tpu.memory_space<vmem_shared>> -> memref<320x128xf32, #tpu.memory_space<vmem_shared>>
      tpu.wait_dma2 semaphore(%run_scoped3A_776 : memref<!tpu.dma_semaphore, #tpu.memory_space<semaphore_mem>>) src(%dma_wait3A_784 : memref<320x128xf32, #tpu.memory_space<vmem_shared>>) dst(%dma_wait3A_782 : memref<320x128xf32, #tpu.memory_space<hbm>>)
      tpu.yield
    }) : () -> ()
    %barrier3A_775 = arith.constant 0 : index
    tpu.barrier barrier_id(%barrier3A_775)
    return
  }
}

module attributes {stable_mosaic.version = 14 : i64} {
  func.func @_pre_body(%arg0: i32, %arg1: memref<1000x128xf32, #tpu.memory_space<vmem>>, %arg2: memref<1000x128xf32, #tpu.memory_space<vmem>>, %arg3: memref<128x128xf32, #tpu.memory_space<vmem>>, %arg4: memref<1x128xf32, #tpu.memory_space<vmem>>, %arg5: memref<1000x128xf32, #tpu.memory_space<vmem>>, %arg6: memref<1000x128xf32, #tpu.memory_space<vmem>>) attributes {dimension_semantics = [#tpu.dimension_semantics<arbitrary>], iteration_bounds = array<i64: 10>, scalar_prefetch = 0 : i64, scratch_operands = 0 : i64, tpu.core_type = #tpu.core_type<tc>, window_params = [{transform_indices = @transform_0, window_bounds = array<i64: 1000, 128>}, {transform_indices = @transform_1, window_bounds = array<i64: 1000, 128>}, {pipeline_mode = #tpu.pipeline_mode<synchronous>, transform_indices = @transform_2, window_bounds = array<i64: 128, 128>}, {pipeline_mode = #tpu.pipeline_mode<synchronous>, transform_indices = @transform_3, window_bounds = array<i64: 1, 128>}, {transform_indices = @transform_4, window_bounds = array<i64: 1000, 128>}, {transform_indices = @transform_5, window_bounds = array<i64: 1000, 128>}]} {
    %get3A = arith.constant 0 : index
    %get3A_0 = arith.constant 0 : index
    %get3A_1 = vector.load %arg3[%get3A, %get3A_0] : memref<128x128xf32, #tpu.memory_space<vmem>>, vector<128x128xf32>
    %get3A_2 = arith.constant 0 : index
    %get3A_3 = arith.constant 0 : index
    %get3A_4 = vector.load %arg4[%get3A_2, %get3A_3] : memref<1x128xf32, #tpu.memory_space<vmem>>, vector<1x128xf32>
    %get3A_5 = arith.constant 0 : index
    %get3A_6 = arith.constant 0 : index
    %get3A_7 = vector.load %arg1[%get3A_5, %get3A_6] : memref<1000x128xf32, #tpu.memory_space<vmem>>, vector<1000x128xf32>
    %dot_general3A = arith.constant dense<0.000000e+00> : vector<1000x128xf32>
    %dot_general3A_8 = tpu.matmul %get3A_7, %get3A_1, %dot_general3A {dimension_numbers = #tpu.dot_dimension_numbers<[1], [0], [0], [1], [0, 0, 1, 1], [], []>, transpose_lhs_hint = false} : vector<1000x128xf32>, vector<128x128xf32>, vector<1000x128xf32> -> vector<1000x128xf32>
    %add3A = vector.broadcast %get3A_4 : vector<1x128xf32> to vector<1000x128xf32>
    %add3A_9 = arith.addf %dot_general3A_8, %add3A : vector<1000x128xf32>
    %swap3A = arith.constant 0 : index
    %swap3A_10 = arith.constant 0 : index
    %swap3A_11 = vector.load %arg5[%swap3A, %swap3A_10] : memref<1000x128xf32, #tpu.memory_space<vmem>>, vector<1000x128xf32>
    tpu.vector_store %arg5[%swap3A, %swap3A_10], %add3A_9 {strides = array<i32>} : memref<1000x128xf32, #tpu.memory_space<vmem>>, vector<1000x128xf32>,
    %get3A_12 = arith.constant 0 : index
    %get3A_13 = arith.constant 0 : index
    %get3A_14 = vector.load %arg2[%get3A_12, %get3A_13] : memref<1000x128xf32, #tpu.memory_space<vmem>>, vector<1000x128xf32>
    %dot_general3A_15 = arith.constant dense<0.000000e+00> : vector<1000x128xf32>
    %dot_general3A_16 = tpu.matmul %get3A_14, %get3A_1, %dot_general3A_15 {dimension_numbers = #tpu.dot_dimension_numbers<[1], [0], [0], [1], [0, 0, 1, 1], [], []>, transpose_lhs_hint = false} : vector<1000x128xf32>, vector<128x128xf32>, vector<1000x128xf32> -> vector<1000x128xf32>
    %add3A_17 = vector.broadcast %get3A_4 : vector<1x128xf32> to vector<1000x128xf32>
    %add3A_18 = arith.addf %dot_general3A_16, %add3A_17 : vector<1000x128xf32>
    %swap3A_19 = arith.constant 0 : index
    %swap3A_20 = arith.constant 0 : index
    %swap3A_21 = vector.load %arg6[%swap3A_19, %swap3A_20] : memref<1000x128xf32, #tpu.memory_space<vmem>>, vector<1000x128xf32>
    tpu.vector_store %arg6[%swap3A_19, %swap3A_20], %add3A_18 {strides = array<i32>} : memref<1000x128xf32, #tpu.memory_space<vmem>>, vector<1000x128xf32>,
    return
  }
  func.func @transform_0(%arg0: i32) -> (i32, i32) {
    %c0_i32 = arith.constant 0 : i32
    %c0_i32_0 = arith.constant 0 : i32
    return %arg0, %c0_i32 : i32, i32
  }
  func.func @transform_1(%arg0: i32) -> (i32, i32) {
    %c0_i32 = arith.constant 0 : i32
    %c0_i32_0 = arith.constant 0 : i32
    return %arg0, %c0_i32 : i32, i32
  }
  func.func @transform_2(%arg0: i32) -> (i32, i32) {
    %c0_i32 = arith.constant 0 : i32
    %c0_i32_0 = arith.constant 0 : i32
    %c0_i32_1 = arith.constant 0 : i32
    return %c0_i32, %c0_i32_0 : i32, i32
  }
  func.func @transform_3(%arg0: i32) -> (i32, i32) {
    %c0_i32 = arith.constant 0 : i32
    %c0_i32_0 = arith.constant 0 : i32
    %c0_i32_1 = arith.constant 0 : i32
    return %c0_i32, %c0_i32_0 : i32, i32
  }
  func.func @transform_4(%arg0: i32) -> (i32, i32) {
    %c0_i32 = arith.constant 0 : i32
    %c0_i32_0 = arith.constant 0 : i32
    return %arg0, %c0_i32 : i32, i32
  }
  func.func @transform_5(%arg0: i32) -> (i32, i32) {
    %c0_i32 = arith.constant 0 : i32
    %c0_i32_0 = arith.constant 0 : i32
    return %arg0, %c0_i32 : i32, i32
  }
}

module attributes {stable_mosaic.version = 14 : i64} {
  func.func @_disc_body(%arg0: memref<10240x128xf32, #tpu.memory_space<vmem>>, %arg1: memref<10240x128xf32, #tpu.memory_space<vmem>>, %arg2: memref<128x128xf32, #tpu.memory_space<vmem>>, %arg3: memref<1x1xf32, #tpu.memory_space<vmem>>, %arg4: memref<10240x1xf32, #tpu.memory_space<vmem>>, %arg5: memref<10240x1xf32, #tpu.memory_space<vmem>>) attributes {dimension_semantics = [], scalar_prefetch = 0 : i64, scratch_operands = 0 : i64, tpu.core_type = #tpu.core_type<tc>} {
    %iota3A = tpu.iota {dimensions = array<i32: 0>} : vector<10240x1xi32>
    %lt3A = arith.constant 10000 : i32
    %lt3A_0 = vector.broadcast %lt3A : i32 to vector<10240x1xi32>
    %lt3A_1 = arith.cmpi slt, %iota3A, %lt3A_0 : vector<10240x1xi32>
    %get3A = arith.constant 0 : index
    %get3A_2 = arith.constant 0 : index
    %get3A_3 = vector.load %arg0[%get3A, %get3A_2] : memref<10240x128xf32, #tpu.memory_space<vmem>>, vector<10240x128xf32>
    %gt3A = arith.constant 0.000000e+00 : f32
    %gt3A_4 = vector.broadcast %gt3A : f32 to vector<10240x128xf32>
    %gt3A_5 = arith.cmpf ogt, %get3A_3, %gt3A_4 : vector<10240x128xf32>
    %mul3A = arith.constant 2.500000e-01 : f32
    %mul3A_6 = vector.broadcast %mul3A : f32 to vector<10240x128xf32>
    %mul3A_7 = arith.mulf %mul3A_6, %get3A_3 : vector<10240x128xf32>
    %select_n3A = arith.select %gt3A_5, %get3A_3, %mul3A_7 : vector<10240x128xi1>, vector<10240x128xf32>
    %jit3A = arith.constant 0.000000e+00 : f32
    %broadcast_in_dim3A = vector.shape_cast %lt3A_1 : vector<10240x1xi1> to vector<10240x1xi1>
    %broadcast_in_dim3A_8 = vector.broadcast %broadcast_in_dim3A : vector<10240x1xi1> to vector<10240x128xi1>
    %broadcast_in_dim3A_9 = vector.broadcast %jit3A : f32 to vector<10240x128xf32>
    %select_n3A_10 = arith.select %broadcast_in_dim3A_8, %select_n3A, %broadcast_in_dim3A_9 : vector<10240x128xi1>, vector<10240x128xf32>
    %get3A_11 = arith.constant 0 : index
    %get3A_12 = arith.constant 0 : index
    %get3A_13 = vector.load %arg1[%get3A_11, %get3A_12] : memref<10240x128xf32, #tpu.memory_space<vmem>>, vector<10240x128xf32>
    %gt3A_14 = arith.constant 0.000000e+00 : f32
    %gt3A_15 = vector.broadcast %gt3A_14 : f32 to vector<10240x128xf32>
    %gt3A_16 = arith.cmpf ogt, %get3A_13, %gt3A_15 : vector<10240x128xf32>
    %mul3A_17 = arith.constant 2.500000e-01 : f32
    %mul3A_18 = vector.broadcast %mul3A_17 : f32 to vector<10240x128xf32>
    %mul3A_19 = arith.mulf %mul3A_18, %get3A_13 : vector<10240x128xf32>
    %select_n3A_20 = arith.select %gt3A_16, %get3A_13, %mul3A_19 : vector<10240x128xi1>, vector<10240x128xf32>
    %reduce_sum3A = arith.constant dense<0.000000e+00> : vector<128xf32>
    %reduce_sum3A_21 = vector.multi_reduction <add>, %select_n3A_10, %reduce_sum3A [0] : vector<10240x128xf32> to vector<128xf32>
    %broadcast_in_dim3A_22 = vector.shape_cast %reduce_sum3A_21 : vector<128xf32> to vector<1x128xf32>
    %div3A = arith.constant 1.000000e+04 : f32
    %div3A_23 = vector.broadcast %div3A : f32 to vector<1x128xf32>
    %div3A_24 = arith.divf %broadcast_in_dim3A_22, %div3A_23 : vector<1x128xf32>
    %logistic3A = arith.negf %div3A_24 : vector<1x128xf32>
    %logistic3A_25 = math.exp %logistic3A : vector<1x128xf32>
    %logistic3A_26 = arith.constant 1.000000e+00 : f32
    %logistic3A_27 = vector.broadcast %logistic3A_26 : f32 to vector<1x128xf32>
    %logistic3A_28 = arith.addf %logistic3A_27, %logistic3A_25 : vector<1x128xf32>
    %logistic3A_29 = arith.divf %logistic3A_27, %logistic3A_28 : vector<1x128xf32>
    %get3A_30 = arith.constant 0 : index
    %get3A_31 = arith.constant 0 : index
    %get3A_32 = vector.load %arg2[%get3A_30, %get3A_31] : memref<128x128xf32, #tpu.memory_space<vmem>>, vector<128x128xf32>
    %dot_general3A = arith.constant dense<0.000000e+00> : vector<1x128xf32>
    %dot_general3A_33 = tpu.matmul %logistic3A_29, %get3A_32, %dot_general3A {dimension_numbers = #tpu.dot_dimension_numbers<[1], [1], [0], [0], [0, 0, 1, 0], [], []>, transpose_lhs_hint = false} : vector<1x128xf32>, vector<128x128xf32>, vector<1x128xf32> -> vector<1x128xf32>
    %get3A_34 = arith.constant 0 : index
    %get3A_35 = arith.constant 0 : index
    %get3A_36 = vector.load %arg3[%get3A_34, %get3A_35] : memref<1x1xf32, #tpu.memory_space<vmem>>, vector<1x1xf32>
    %get3A_37 = vector.extract %get3A_36[0, 0] : f32 from vector<1x1xf32>
    %mul3A_38 = vector.broadcast %dot_general3A_33 : vector<1x128xf32> to vector<10240x128xf32>
    %mul3A_39 = arith.mulf %select_n3A_10, %mul3A_38 : vector<10240x128xf32>
    %reduce_sum3A_40 = arith.constant dense<0.000000e+00> : vector<10240xf32>
    %reduce_sum3A_41 = vector.multi_reduction <add>, %mul3A_39, %reduce_sum3A_40 [1] : vector<10240x128xf32> to vector<10240xf32>
    %broadcast_in_dim3A_42 = vector.shape_cast %reduce_sum3A_41 : vector<10240xf32> to vector<10240x1xf32>
    %add3A = vector.broadcast %get3A_37 : f32 to vector<10240x1xf32>
    %add3A_43 = arith.addf %broadcast_in_dim3A_42, %add3A : vector<10240x1xf32>
    %swap3A = arith.constant 0 : index
    %swap3A_44 = arith.constant 0 : index
    %swap3A_45 = vector.load %arg4[%swap3A, %swap3A_44] : memref<10240x1xf32, #tpu.memory_space<vmem>>, vector<10240x1xf32>
    tpu.vector_store %arg4[%swap3A, %swap3A_44], %add3A_43 {strides = array<i32>} : memref<10240x1xf32, #tpu.memory_space<vmem>>, vector<10240x1xf32>,
    %mul3A_46 = vector.broadcast %dot_general3A_33 : vector<1x128xf32> to vector<10240x128xf32>
    %mul3A_47 = arith.mulf %select_n3A_20, %mul3A_46 : vector<10240x128xf32>
    %reduce_sum3A_48 = arith.constant dense<0.000000e+00> : vector<10240xf32>
    %reduce_sum3A_49 = vector.multi_reduction <add>, %mul3A_47, %reduce_sum3A_48 [1] : vector<10240x128xf32> to vector<10240xf32>
    %broadcast_in_dim3A_50 = vector.shape_cast %reduce_sum3A_49 : vector<10240xf32> to vector<10240x1xf32>
    %add3A_51 = vector.broadcast %get3A_37 : f32 to vector<10240x1xf32>
    %add3A_52 = arith.addf %broadcast_in_dim3A_50, %add3A_51 : vector<10240x1xf32>
    %swap3A_53 = arith.constant 0 : index
    %swap3A_54 = arith.constant 0 : index
    %swap3A_55 = vector.load %arg5[%swap3A_53, %swap3A_54] : memref<10240x1xf32, #tpu.memory_space<vmem>>, vector<10240x1xf32>
    tpu.vector_store %arg5[%swap3A_53, %swap3A_54], %add3A_52 {strides = array<i32>} : memref<10240x1xf32, #tpu.memory_space<vmem>>, vector<10240x1xf32>,
    return
  }
}

</mosaic_0001>

<sc_bundles>
// kernel: kernel.5.cloned.1.call-start
scs
__scs_entry_jumppad:
0x0: {  	(pc) =	sbr.rel $0x88, $3  }
0x1: {  	(tag) =	ssettag $0x0;
	lr =	simm.s32 $0x1  }
0x2: {  	[smem:$0x3F9A] =	sst lr;
	_ =	strace $0xD0000000  }
0x3: {  	_ = 	snop  }
0x4: {  	_ = 	snop  }
0x5: {  	_ = 	snop  }
0x6: {  	_ = 	snop  }
0x7: {  	_ = 	snop  }
__scs_overlays_trampoline_lowered:
0x8: {  	[smem:$0x3FA9] =	sst s0  }
0x9: {  	[smem:$0x3FAA] =	sst s1  }
0xa: {  	[smem:$0x3FAB] =	sst s2  }
0xb: {  	[smem:$0x3FAC] =	sst s3  }
0xc: {  	[smem:$0x3FAD] =	sst s4  }
0xd: {  	[smem:$0x3FAE] =	sst s5  }
0xe: {  	[smem:$0x3FAF] =	sst s6  }
0xf: {  	[smem:$0x3FB0] =	sst s7  }
0x10: {  	[smem:$0x3FB1] =	sst s8  }
0x11: {  	[smem:$0x3FB2] =	sst s9;
	s0 =	simm.s32 @!p0 $0x0  }
0x12: {  	s1 =	sld [smem:$0x3F98];
	s0 =	simm.s32 @p0 $0x1  }
0x13: {  	[smem:$0x3FB3] =	sst s0;
	s0 =	simm.s32 @!p1 $0x0  }
0x14: {  	s2 =	sld [smem:$0x3F97];
	s0 =	simm.s32 @p1 $0x1  }
0x15: {  	[smem:$0x3FB4] =	sst s0;
	s0 =	simm.s32 @!p2 $0x0  }
0x16: {  	s3 =	sld [smem:$0x3FDB];
	s0 =	simm.s32 @p2 $0x1  }
0x17: {  	s4 =	simm.s32 $0x1BF5;
	[smem:$0x3FB6] =	sst s0  }
0x18: {  	s0 =	sld [smem:$0x3F99];
	_ =	swait.ge [sflag:s4], $0x0  }
0x19: {  	s7 =	sld [smem:$0x3F9A]  }
0x1a: {  	s8 =	sadd.s32 $0xFFFFE003, lr  }
0x1b: {  	s9 =	sadd.s32 $0xFFFFFEF7, lr;
	s5 =	simm.s32 $0xFFFFFFFF;
	p2 =	slt.u32 s8, $0xFFFFF086  }
0x1c: {  	p1 =	slt.u32 s9, $0xF7A;
	s5 =	simm.s32 @!p2 $0x0  }
0x1d: {  	s5 =	simm.s32 @p1 $0x1;
	p0 =	seq.s32 s7, s2  }
0x1e: {  	s7 =	smul.u32 @!p0 $0xF7A, s2;
	p2 =	seq.s32 @!p0 s5, $0x0  }
0x1f: {  	s9 =	smul.u32 $0xF7A, s1;
	s8 =	simm.s32 @!p0 $0x1BF5;
	p2 =	por !p2, p0  }
0x20: {  	[sflag:s8] =	ssyncset.s32 @!p0 $0xFFFFF086;
	s6 =	sadd.s32 @!p0 s3, s7;
	s7 =	simm.s32 @!p0 $0x108  }
0x21: {  	s3 =	sadd.s32 s3, s9;
	s6 =	sadd.s32 @!p0 $0x88, s6;
	s7 =	simm.s32 @p2 $0x1082  }
0x22: {  	[simem:s7], [sflag:s8] =	dma.local @!p0 [hbm:s6], $0xF7A  }
0x23: {  	s9 =	sor.u32 $0xD0000000, s2;
	s6 =	simm.s32 $0x108;
	_ =	swait.ge @!p0 [sflag:s8], $0x0  }
0x24: {  	s3 =	sadd.s32 $0x88, s3;
	s6 =	simm.s32 @!p1 $0x1082;
	[sflag:s4] =	ssyncset.s32 $0xFFFFF086  }
0x25: {  	[simem:s6], [sflag:s4] =	dma.local [hbm:s3], $0xF7A  }
0x26: {  	[smem:$0x3F9A] =	sst s1;
	(tag) =	ssettag s2;
	_ =	strace s9  }
0x27: {  	s1 =	sld [smem:$0x3FAA]  }
0x28: {  	s2 =	sld [smem:$0x3FAB]  }
0x29: {  	s4 =	sld [smem:$0x3FAD]  }
0x2a: {  	p0 =	seq.s32 s5, $0x0;
	s5 =	sld [smem:$0x3FAE]  }
0x2b: {  	s6 =	sld [smem:$0x3FAF]  }
0x2c: {  	s7 =	sld [smem:$0x3FB0]  }
0x2d: {  	s3 =	simm.s32 $0x108;
	s8 =	sld [smem:$0x3FB1]  }
0x2e: {  	s3 =	simm.s32 @!p0 $0x1082;
	s9 =	sld [smem:$0x3FB2]  }
0x2f: {  	lr =	sadd.s32 s0, s3;
	s0 =	sld [smem:$0x3FA9]  }
0x30: {  	s3 =	sld [smem:$0x3FAC]  }
0x31: {  	[smem:$0x3FB5] =	sst s10  }
0x32: {  	s10 =	sld [smem:$0x3FB3];
	_ =	sdelay $0x3  }
0x33: {  	p0 =	seq.s32 s10, $0x1;
	s10 =	sld [smem:$0x3FB5];
	_ =	sdelay $0x3  }
0x34: {  	[smem:$0x3FB5] =	sst s10  }
0x35: {  	s10 =	sld [smem:$0x3FB4];
	_ =	sdelay $0x3  }
0x36: {  	p1 =	seq.s32 s10, $0x1;
	s10 =	sld [smem:$0x3FB5];
	_ =	sdelay $0x3  }
0x37: {  	[smem:$0x3FB5] =	sst s10  }
0x38: {  	s10 =	sld [smem:$0x3FB6]  }
0x39: {  	_ = 	snop;
	(pc) =	sbr.ind lr, $3  }
0x3a: {  	_ = 	snop  }
0x3b: {  	_ = 	snop  }
0x3c: {  	p2 =	seq.s32 s10, $0x1;
	s10 =	sld [smem:$0x3FB5]  }
0x3d: {  	_ =	shalt  }
0x3e: {  	_ =	shalt  }
0x3f: {  	_ =	shalt  }
0x40: {  	_ =	shalt  }
0x41: {  	_ =	shalt  }
0x42: {  	_ =	shalt  }
0x43: {  	_ =	shalt  }
0x44: {  	_ =	shalt  }
0x45: {  	_ =	shalt  }
0x46: {  	_ =	shalt  }
0x47: {  	_ =	shalt  }
0x48: {  	_ =	shalt  }
0x49: {  	_ =	shalt  }
0x4a: {  	_ =	shalt  }
0x4b: {  	_ =	shalt  }
0x4c: {  	_ =	shalt  }
0x4d: {  	_ =	shalt  }
0x4e: {  	_ =	shalt  }
0x4f: {  	_ =	shalt  }
0x50: {  	_ =	shalt  }
0x51: {  	_ =	shalt  }
0x52: {  	_ =	shalt  }
0x53: {  	_ =	shalt  }
0x54: {  	_ =	shalt  }
0x55: {  	_ =	shalt  }
0x56: {  	_ =	shalt  }
0x57: {  	_ =	shalt  }
0x58: {  	_ =	shalt  }
0x59: {  	_ =	shalt  }
0x5a: {  	_ =	shalt  }
0x5b: {  	_ =	shalt  }
0x5c: {  	_ =	shalt  }
0x5d: {  	_ =	shalt  }
0x5e: {  	_ =	shalt  }
0x5f: {  	_ =	shalt  }
0x60: {  	_ =	shalt  }
0x61: {  	_ =	shalt  }
0x62: {  	_ =	shalt  }
0x63: {  	_ =	shalt  }
0x64: {  	_ =	shalt  }
0x65: {  	_ =	shalt  }
0x66: {  	_ =	shalt  }
0x67: {  	_ =	shalt  }
0x68: {  	_ =	shalt  }
0x69: {  	_ =	shalt  }
0x6a: {  	_ =	shalt  }
0x6b: {  	_ =	shalt  }
0x6c: {  	_ =	shalt  }
0x6d: {  	_ =	shalt  }
0x6e: {  	_ =	shalt  }
0x6f: {  	_ =	shalt  }
0x70: {  	_ =	shalt  }
0x71: {  	_ =	shalt  }
0x72: {  	_ =	shalt  }
0x73: {  	_ =	shalt  }
0x74: {  	_ =	shalt  }
0x75: {  	_ =	shalt  }
0x76: {  	_ =	shalt  }
0x77: {  	_ =	shalt  }
0x78: {  	_ =	shalt  }
0x79: {  	_ =	shalt  }
0x7a: {  	_ =	shalt  }
0x7b: {  	_ =	shalt  }
0x7c: {  	_ =	shalt  }
0x7d: {  	_ =	shalt  }
0x7e: {  	_ =	shalt  }
0x7f: {  	_ =	shalt  }
0x80: {  	_ =	shalt  }
0x81: {  	_ =	shalt  }
0x82: {  	_ =	shalt  }
0x83: {  	_ =	shalt  }
0x84: {  	_ =	shalt  }
0x85: {  	_ =	shalt  }
0x86: {  	_ =	shalt  }
0x87: {  	_ =	shalt  }
.Lfunc_end0:
.L_simem_size_0:
called_computation_lowered:
.L_overlay_start_0:
0x88: {  	s2 =	sld [smem:$0x3FD9]  }
0x89: {  	s3 =	sld [smem:$0x3FFE];
	_ =	sdelay $0x1  }
0x8a: {  	s1 =	srdreg.scid  }
0x8b: {  	s0 =	sand.u32 $0x1, s1  }
0x8c: {  	s16 =	sshll.u32 s0, $0xA;
	s2 =	sadd.s32 s3, s2  }
0x8d: {  	s2 =	sadd.s32 s2, s16  }
0x8e: {  	[smem:$0x3FC1] =	sst s2  }
0x8f: {  	_ = 	snop  }
0x90: {  	(tm) =	ssettm $0x1  }
0x91: {  	s17 =	sld [smem:$0x3FFB];
	_ =	sdelay $0x3  }
0x92: {  	_ =	strace s17  }
0x93: {  	s2 =	sld [smem:$0x3FFC];
	_ =	sdelay $0x3  }
0x94: {  	_ =	strace s2  }
0x95: {  	s2 =	sld [smem:$0x3FFD];
	_ =	sdelay $0x3  }
0x96: {  	_ =	strace s2  }
0x97: {  	_ =	strace $0x8FFFFFFF  }
0x98: {  	s18 =	sld [smem:$0x3FDB];
	_ =	sdelay $0x1  }
0x99: {  	s19 =	simm.s32 $_scs_section_size  }
0x9a: {  	s4 =	simm.s32 $_size__tile_overlayer_lowered;
	s5 =	simm.s32 $_tile_overlayer_lowered  }
0x9b: {  	s22 =	simm.s32 $0x1BFF;
	s21 =	sshll.u32 s5, $0x1;
	s2 =	sadd.s32 s19, s18  }
0x9c: {  	s6 =	simm.s32 $0x0;
	s20 =	sshll.u32 s4, $0x1;
	s4 =	sadd.s32 s21, s2  }
0x9d: {  	[timem:s6], [sflag:s22] =	dma.local [hbm:s4], s20  }
0x9e: {  	_ =	swait.ge [sflag:s22], s20  }
0x9f: {  	s3 =	ssub.s32 $0x0, s20;
	[sflag:s22] =	ssyncset.done $0x0  }
0xa0: {  	[sflag:s22] =	ssyncadd.s32 s3;
	_ =	sdelay $0x1  }
0xa1: {  	s23 =	simm.s32 $0x1B8B  }
0xa2: {  	_ =	swait.ge [sflag:s23], $0x1  }
0xa3: {  	[sflag:s23] =	ssyncset.done $0x0  }
0xa4: {  	s25 =	simm.s32 $0x1B8E;
	s24 =	sld [smem:$0x3FFE];
	[sflag:s23] =	ssyncadd.s32 $0xFFFFFFFF  }
0xa5: {  	s26 =	simm.s32 $execute0_lowered;
	[smem:$0x3FD2] =	sst s25  }
0xa6: {  	s4 =	sshll.u32 s26, $0x1;
	_ =	strace $0x80000046;
	[dreg:$0x1] =	wrdreg $0xFFFFFFFF  }
0xa7: {  	s28 =	simm.s32 $_size_execute0_lowered;
	s2 =	sadd.s32 s2, s4;
	[dreg:$0x0] =	wrdreg $0x0  }
0xa8: {  	s4 =	sshll.u32 s28, $0x1;
	[dreg:$0x2] =	wrdreg s2  }
0xa9: {  	[dreg:$0x3] =	wrdreg s4  }
0xaa: {  	[dreg:$0x4] =	wrdreg $0xC0  }
0xab: {  	_ =	task [dreg:s6], $0x5FFFF  }
0xac: {  	[dreg:$0x1] =	wrdreg $0xFFFFFFFF  }
0xad: {  	[dreg:$0x0] =	wrdreg $0x60  }
0xae: {  	[dreg:$0x2] =	wrdreg s24  }
0xaf: {  	[dreg:$0x3] =	wrdreg $0x13A000  }
0xb0: {  	[dreg:$0x4] =	wrdreg $0x9  }
0xb1: {  	_ =	task.clear_ibuf [dreg:s6], $0x5FFFF;
	_ =	strace $0x90000046  }
0xb2: {  	s29 =	simm.s32 $0x9;
	_ =	strace $0x80000048  }
0xb3: {  	_ =	swait.ge [sflag:s29], $0x1  }
0xb4: {  	[sflag:s29] =	ssyncadd.s32 $0xFFFFFFFF  }
0xb5: {  	_ =	strace $0x90000048  }
0xb6: {  	_ =	sfence  }
0xb7: {  	s30 =	sld [smem:$0x0];
	_ =	sdelay $0x2  }
0xb8: {  	s31 =	sshll.u32 s1, $0xD;
	s1 =	sshrl.u32 s1, $0x2  }
0xb9: {  	s3 =	sand.u32 $0x4000, s31;
	s1 =	sadd.s32 s1, s30  }
0xba: {  	s0 =	sor.u32 s3, s0;
	s1 =	sshll.u32 s1, $0x11  }
0xbb: {  	s0 =	sor.u32 s1, s0  }
0xbc: {  	s0 =	sadd.s32 $0x8F2B, s0  }
0xbd: {  	[sflag:s0] =	ssyncadd.remote.s32 $0x1  }
0xbe: {  	_ =	sfence.sel $0xFFFF  }
0xbf: {  	[dreg:$0x0] =	wrdreg $0xFFFFFFFF;
	(pc) =	sbr.abs _section_cstart, $3  }
0xc0: {  	[dreg:$0x1] =	wrdreg $0xFFFFFFFF  }
0xc1: {  	_ =	task.clear_ibuf [dreg:s6], $0x2FFFF;
	_ =	strace $0x9FFFFFFF  }
0xc2: {  	(tm) =	ssettm $0x7FFFFFFF  }
0xc3: {  	_ =	shalt  }
tec
execute0_lowered:
.L_overlay_start_1:
0x0: {  	(tag) =	ssettag $0x1  }
0x1: {  	s0 =	rddreg [dreg:$0x0]  }
0x2: {  	s2 =	rddreg [dreg:$0x1]  }
0x3: {  	s10 =	stileid.u32;
	s1 =	srdreg.scid  }
0x4: {  	s3 =	simm.s32 $0x0;
	s14 =	simm.s32 $0x4;
	s16 =	simm.s32 $0x7A00  }
0x5: {  	s21 =	simm.s32 $0x7880;
	s20 =	simm.s32 $0xBA00;
	s22 =	simm.s32 $0xFA00  }
0x6: {  	s23 =	simm.s32 $0x1;
	s24 =	simm.s32 $0x2;
	s25 =	simm.s32 $0x3  }
0x7: {  	s28 =	simm.s32 $0x7980;
	s29 =	simm.s32 $0x7680;
	s6 =	smul.u32 $0x500, s10  }
0x8: {  	s30 =	simm.s32 $0x7700;
	s31 =	simm.s32 $0x7780;
	s8 =	smul.u32 $0x140, s10  }
0x9: {  	s1 =	sand.u32 $0x1, s1;
	[smem:$0x7FF] =	sst s3;
	s9 =	smul.u32 $0xA00, s10  }
0xa: {  	s4 =	sadd.s32 $0x10200, s0;
	s5 =	sadd.s32 $0x37400, s0;
	s10 =	smul.u32 $0x28000, s10  }
0xb: {  	s7 =	smul.u32 $0x1400, s1;
	_ =	strace $0x80000047;
	s1 =	ssub.s32 $0x2, s1  }
0xc: {  	s6 =	sadd.s32 s6, s0;
	s9 =	sadd.s32 s9, s0;
	s11 =	sshrl.u32 s1, $0x1  }
0xd: {  	s17 =	sshrl.u32 s10, $0x2;
	s8 =	sadd.s32 s8, s7;
	s1 =	ssub.s32 s1, s11  }
0xe: {  	s6 =	sadd.s32 $0x1200, s6;
	s18 =	sadd.s32 $0x6200, s9;
	s19 =	sadd.s32 $0x1400, s7  }
0xf: {  	s11 =	simm.s32 $0x7800;
	s8 =	sshll.u32 s8, $0x4;
	[dreg:$0x3] =	wrdreg s6  }
0x10: {  	[dreg:$0x4] =	wrdreg s18;
	s0 =	sadd.s32 s8, s0;
	s8 =	sadd.s32 s17, s2  }
0x11: {  	s13 =	smax.u32 s1, $0x1;
	s17 =	simm.s32 $0x80;
	s9 =	sadd.s32 $0x4000, s8  }
0x12: {  	s10 =	sadd.s32 $0x8000, s8;
	s26 =	sadd.s32 $0x5E600, s0;
	s12 =	sadd.s32 $0x86600, s0  }
0x13: {  	v2 =	vimm.f32 $0.0e+00;
	v0 =	vmov s7;
	v1 =	vmov s19;
	s0 =	simm.s32 $0x0;
	[dreg:$0x5] =	wrdreg s26;
	s26 =	simm.s32 $0x7600  }
.LBB2_1:
0x14: {  	s1 =	rddreg [dreg:$0x3]  }
0x15: {  	[tilespmem:s3], [sflag:$0x4] =	stream.linear.gather [hbm4b:s1+s3], $0x2800, $0x38;
	[tilespmem:$0x1DA00] =	vst v63  }
0x16: {  	_ =	swait.ge [sflag:s14], $0x2800  }
0x17: {  	[sflag:s14] =	ssyncset.done $0x0  }
0x18: {  	s6 =	simm.s32 $0x2800;
	s18 =	rddreg [dreg:$0x4];
	[sflag:s14] =	ssyncadd.s32 $0xFFFFD800  }
0x19: {  	[tilespmem:s6], [sflag:$0x4] =	stream.linear.gather [hbm4b:s18+s3], $0x5000, $0x38;
	[tilespmem:$0x1DA00] =	vst v63  }
0x1a: {  	_ =	swait.ge [sflag:s14], $0x5000  }
0x1b: {  	[sflag:s14] =	ssyncset.done $0x0  }
0x1c: {  	s19 =	sand.u32 $0x7FE0, s3;
	[sflag:s14] =	ssyncadd.s32 $0xFFFFB000  }
0x1d: {  	v3 =	vld [tilespmem:s19+$0x2800]  }
0x1e: {  	v4 =	vld [tilespmem:s19+$0x2810];
	_ =	sdelay $0x3  }
0x1f: {  	vm0 =	vge.s32 v3, v0;
	vm1 =	vlt.s32 v3, v1;
	v3 =	vsub.s32 v3, v0  }
0x20: {  	vm15 =	vge.s32 v4, v0;
	vm2 =	vlt.s32 v4, v1;
	vm0 =	vmand vm0, vm1  }
0x21: {  	v4 =	vsub.s32 v4, v0;
	vm1 =	vmand vm15, vm2;
	v3 =	vnsel vm0, $0xFFFFFFFF, v3  }
0x22: {  	[tilespmem:s19+$0x2800] =	vst v3;
	v3 =	vnsel vm1, $0xFFFFFFFF, v4  }
0x23: {  	[tilespmem:s19+$0x2810] =	vst v3  }
0x24: {  	v3 =	vld [tilespmem:s3+$0x0];
	_ =	sdelay $0x4  }
0x25: {  	v4 =	vand.u32 $0xFFFF, v3;
	v5 =	vand.u32 $0xFFFF0000, v3  }
0x26: {  	s7 =	simm.s32 $0x0;
	s1 =	simm.s32 $0x0;
	s6 =	simm.s32 $0x20;
	v3 =	vnsel vm0, $0xFFFF, v4;
	v4 =	vnsel vm1, $0xFFFF0000, v5  }
.LBB2_2:
0x27: {  	p0 =	sne.s32 s6, $0x4FE0  }
0x28: {  	v3 =	vor.u32 v4, v3;
	s7 =	sadd.s32 $0x10, s7;
	s15 =	smov.u32 s6;
	s6 =	sadd.s32 $0x20, s6  }
0x29: {  	s15 =	sand.u32 $0x7FE0, s15;
	[tilespmem:s1+$0x0] =	vst v3;
	s1 =	smov.u32 s7  }
0x2a: {  	v3 =	vld [tilespmem:s15+$0x2800]  }
0x2b: {  	v4 =	vld [tilespmem:s15+$0x2810];
	_ =	sdelay $0x3  }
0x2c: {  	vm0 =	vge.s32 v3, v0;
	vm1 =	vlt.s32 v3, v1;
	v3 =	vsub.s32 v3, v0  }
0x2d: {  	vm0 =	vmand vm0, vm1;
	vm1 =	vge.s32 v4, v0;
	vm2 =	vlt.s32 v4, v1  }
0x2e: {  	v4 =	vsub.s32 v4, v0;
	vm1 =	vmand vm1, vm2;
	v3 =	vnsel vm0, $0xFFFFFFFF, v3  }
0x2f: {  	[tilespmem:s15+$0x2800] =	vst v3;
	v3 =	vnsel vm1, $0xFFFFFFFF, v4  }
0x30: {  	[tilespmem:s15+$0x2810] =	vst v3  }
0x31: {  	v3 =	vld [tilespmem:s7+$0x0];
	_ =	sdelay $0x1  }
.Ltmp0:
0x32: {  	(pc) =	sbr.rel @p0 .LBB2_2-.Ltmp0, $3  }
0x33: {  	_ =	sdelay $0x1  }
0x34: {  	v4 =	vand.u32 $0xFFFF, v3;
	v5 =	vand.u32 $0xFFFF0000, v3  }
0x35: {  	v3 =	vnsel vm0, $0xFFFF, v4;
	v4 =	vnsel vm1, $0xFFFF0000, v5  }
0x36: {  	s6 =	simm.s32 $0x0  }
0x37: {  	s7 =	sand.u32 $0xFE00, s6  }
0x38: {  	v3 =	vor.u32 v4, v3;
	s15 =	sand.u32 $0x70, s6;
	s7 =	sshrl.u32 s7, $0x2  }
0x39: {  	[tilespmem:s1+$0x0] =	vst v3;
	s1 =	simm.s32 $0x40;
	s7 =	sor.u32 s15, s7  }
.LBB2_4:
0x3a: {  	p0 =	sne.s32 s1, $0xFFC0  }
0x3b: {  	[tilespmem:s7+$0x7A00] =	vst v2;
	s6 =	sadd.s32 $0x10, s6;
	s7 =	smov.u32 s1;
	s1 =	sadd.s32 $0x40, s1  }
.Ltmp1:
0x3c: {  	(pc) =	sbr.rel @p0 .LBB2_4-.Ltmp1, $4  }
0x3d: {  	_ = 	snop  }
0x3e: {  	s7 =	sand.u32 $0xFE00, s7  }
0x3f: {  	s15 =	sand.u32 $0x70, s6;
	s7 =	sshrl.u32 s7, $0x2  }
0x40: {  	s7 =	sor.u32 s15, s7  }
0x41: {  	[tilespmem:s7+$0x7A00] =	vst v2  }
0x42: {  	[spmem:s8] =	stream.linear.scatter [tilespmem:s16], [sflag:$0x4], $0x4000, $0x38;
	[tilespmem:$0x1DA00] =	vst v63  }
0x43: {  	_ =	swait.ge [sflag:s14], $0x4000  }
0x44: {  	[sflag:s14] =	ssyncset.done $0x0  }
0x45: {  	[sflag:s14] =	ssyncadd.s32 $0xFFFFC000  }
0x46: {  	[spmem:s9] =	stream.linear.scatter [tilespmem:s16], [sflag:$0x4], $0x4000, $0x38;
	[tilespmem:$0x1DA00] =	vst v63  }
0x47: {  	_ =	swait.ge [sflag:s14], $0x4000  }
0x48: {  	[sflag:s14] =	ssyncset.done $0x0  }
0x49: {  	[sflag:s14] =	ssyncadd.s32 $0xFFFFC000  }
0x4a: {  	[spmem:s10] =	stream.linear.scatter [tilespmem:s16], [sflag:$0x4], $0x2000, $0x38;
	[tilespmem:$0x1DA00] =	vst v63  }
0x4b: {  	_ =	swait.ge [sflag:s14], $0x2000  }
0x4c: {  	[sflag:s14] =	ssyncset.done $0x0  }
0x4d: {  	[sflag:s14] =	ssyncadd.s32 $0xFFFFE000  }
0x4e: {  	[bflag:$0x0] =	sbarrier.arrive $0xFFFF  }
0x4f: {  	v3 =	vld [tilespmem:$0x0];
	_ =	sdelay $0x1  }
0x50: {  	v4 =	vld [tilespmem:$0x10];
	_ =	sdelay $0x1  }
0x51: {  	v5 =	vld [tilespmem:$0x20]  }
0x52: {  	v6 =	vand.u32 $0xFFFF, v3  }
0x53: {  	v55 =	vld [tilespmem:$0x30];
	v3 =	vshrl.u32 v3, $0x10;
	[tilespmem:$0x7800] =	vst v6  }
0x54: {  	[tilespmem:$0x7810] =	vst v3;
	v3 =	vand.u32 $0xFFFF, v4  }
0x55: {  	[tilespmem:$0x7820] =	vst v3;
	v3 =	vshrl.u32 v4, $0x10  }
0x56: {  	[tilespmem:$0x7830] =	vst v3;
	v3 =	vand.u32 $0xFFFF, v5  }
0x57: {  	[tilespmem:$0x7840] =	vst v3;
	v3 =	vshrl.u32 v5, $0x10  }
0x58: {  	[tilespmem:$0x7850] =	vst v3;
	v3 =	vand.u32 $0xFFFF, v55  }
0x59: {  	[tilespmem:$0x7860] =	vst v3;
	v3 =	vshrl.u32 v55, $0x10  }
0x5a: {  	[tilespmem:$0x7870] =	vst v3;
	(ifvalue) =	ssetifvalue $0xFFFF  }
0x5b: {  	(ifvalue) =	ssetifvalue $0xFFFF  }
0x5c: {  	[tilespmem:s16], [sflag:$0x1] =	stream.indirect.gather [hbm4b:s4+s17], $0x80, s11, s17, $0x40b8;
	[tilespmem:$0x1DA00] =	vst v63  }
0x5d: {  	v3 =	vld [tilespmem:$0x40];
	_ =	sdelay $0x1  }
0x5e: {  	v56 =	vld [tilespmem:$0x50];
	_ =	sdelay $0x1  }
0x5f: {  	v57 =	vld [tilespmem:$0x60]  }
0x60: {  	v58 =	vand.u32 $0xFFFF, v3  }
0x61: {  	v59 =	vld [tilespmem:$0x70];
	v3 =	vshrl.u32 v3, $0x10;
	[tilespmem:$0x7880] =	vst v58  }
0x62: {  	[tilespmem:$0x7890] =	vst v3;
	v3 =	vand.u32 $0xFFFF, v56  }
0x63: {  	[tilespmem:$0x78A0] =	vst v3;
	v3 =	vshrl.u32 v56, $0x10  }
0x64: {  	[tilespmem:$0x78B0] =	vst v3;
	v3 =	vand.u32 $0xFFFF, v57  }
0x65: {  	[tilespmem:$0x78C0] =	vst v3;
	v3 =	vshrl.u32 v57, $0x10  }
0x66: {  	[tilespmem:$0x78D0] =	vst v3;
	v3 =	vand.u32 $0xFFFF, v59  }
0x67: {  	[tilespmem:$0x78E0] =	vst v3;
	v3 =	vshrl.u32 v59, $0x10  }
0x68: {  	[tilespmem:$0x78F0] =	vst v3;
	(ifvalue) =	ssetifvalue $0xFFFF  }
0x69: {  	(ifvalue) =	ssetifvalue $0xFFFF  }
0x6a: {  	[tilespmem:s20], [sflag:$0x2] =	stream.indirect.gather [hbm4b:s4+s17], $0x80, s21, s17, $0x40b8;
	[tilespmem:$0x1DA00] =	vst v63  }
0x6b: {  	v3 =	vld [tilespmem:$0x80];
	_ =	sdelay $0x1  }
0x6c: {  	v60 =	vld [tilespmem:$0x90];
	_ =	sdelay $0x1  }
0x6d: {  	v61 =	vld [tilespmem:$0xA0]  }
0x6e: {  	v62 =	vand.u32 $0xFFFF, v3  }
0x6f: {  	v63 =	vld [tilespmem:$0xB0];
	v3 =	vshrl.u32 v3, $0x10;
	[tilespmem:$0x7900] =	vst v62  }
0x70: {  	[tilespmem:$0x7910] =	vst v3;
	v3 =	vand.u32 $0xFFFF, v60  }
0x71: {  	[tilespmem:$0x7920] =	vst v3;
	v3 =	vshrl.u32 v60, $0x10  }
0x72: {  	[tilespmem:$0x7930] =	vst v3;
	v3 =	vand.u32 $0xFFFF, v61  }
0x73: {  	[tilespmem:$0x7940] =	vst v3;
	v3 =	vshrl.u32 v61, $0x10  }
0x74: {  	[tilespmem:$0x7950] =	vst v3;
	v3 =	vand.u32 $0xFFFF, v63  }
0x75: {  	[tilespmem:$0x7960] =	vst v3;
	v3 =	vshrl.u32 v63, $0x10  }
0x76: {  	[tilespmem:$0x7970] =	vst v3;
	(ifvalue) =	ssetifvalue $0xFFFF  }
0x77: {  	s1 =	simm.s32 $0x7900;
	s15 =	simm.s32 $0x0;
	(ifvalue) =	ssetifvalue $0xFFFF  }
0x78: {  	[tilespmem:s22], [sflag:$0x3] =	stream.indirect.gather [hbm4b:s4+s17], $0x80, s1, s17, $0x40b8;
	[tilespmem:$0x1DA00] =	vst v63  }
0x79: {  	s6 =	simm.s32 $0x2900;
	s7 =	simm.s32 $0x0;
	s1 =	simm.s32 $0x170  }
.LBB2_6:
0x7a: {  	_ =	swait.ge [sflag:s23], $0x4000  }
0x7b: {  	[sflag:s23] =	ssyncset.done $0x0  }
0x7c: {  	s18 =	sadd.s32 $0xFFFFFF00, s6;
	[sflag:s23] =	ssyncadd.s32 $0xFFFFC000;
	(ifvalue) =	ssetifvalue $0xFFFFFFFF  }
0x7d: {  	[spmem:s2] =	stream.indirect.scatter.add.f32 [tilespmem:s16], [sflag:$0x4], $0x80, s18, s17, $0x40b8;
	[tilespmem:$0x1DA00] =	vst v63  }
0x7e: {  	_ =	swait.ge [sflag:s14], $0x4000  }
0x7f: {  	[sflag:s14] =	ssyncset.done $0x0  }
0x80: {  	[sflag:s14] =	ssyncadd.s32 $0xFFFFC000  }
0x81: {  	v3 =	vld [tilespmem:s1+$0xFFFFFF50];
	_ =	sdelay $0x3  }
0x82: {  	s18 =	sadd.s32 $0x180, s15  }
0x83: {  	s19 =	sand.u32 $0x180, s18;
	v4 =	vand.u32 $0xFFFF, v3  }
0x84: {  	v3 =	vshrl.u32 v3, $0x10;
	[tilespmem:s19+$0x7800] =	vst v4  }
0x85: {  	[tilespmem:s19+$0x7810] =	vst v3  }
0x86: {  	v3 =	vld [tilespmem:s1+$0xFFFFFF60];
	_ =	sdelay $0x4  }
0x87: {  	v53 =	vand.u32 $0xFFFF, v3  }
0x88: {  	v3 =	vshrl.u32 v3, $0x10;
	[tilespmem:s19+$0x7820] =	vst v53  }
0x89: {  	[tilespmem:s19+$0x7830] =	vst v3  }
0x8a: {  	v3 =	vld [tilespmem:s1+$0xFFFFFF70];
	_ =	sdelay $0x4  }
0x8b: {  	v54 =	vand.u32 $0xFFFF, v3  }
0x8c: {  	v3 =	vshrl.u32 v3, $0x10;
	[tilespmem:s19+$0x7840] =	vst v54  }
0x8d: {  	[tilespmem:s19+$0x7850] =	vst v3  }
0x8e: {  	v3 =	vld [tilespmem:s1+$0xFFFFFF80];
	_ =	sdelay $0x4  }
0x8f: {  	v55 =	vand.u32 $0xFFFF, v3  }
0x90: {  	v3 =	vshrl.u32 v3, $0x10;
	[tilespmem:s19+$0x7860] =	vst v55  }
0x91: {  	[tilespmem:s19+$0x7870] =	vst v3;
	(ifvalue) =	ssetifvalue $0xFFFF  }
0x92: {  	s19 =	sor.u32 $0x7800, s19;
	(ifvalue) =	ssetifvalue $0xFFFF  }
0x93: {  	[tilespmem:s16], [sflag:$0x1] =	stream.indirect.gather [hbm4b:s4+s17], $0x80, s19, s17, $0x40b8;
	[tilespmem:$0x1DA00] =	vst v63  }
0x94: {  	_ =	swait.ge [sflag:s24], $0x4000  }
0x95: {  	[sflag:s24] =	ssyncset.done $0x0  }
0x96: {  	s19 =	sadd.s32 $0xFFFFFF80, s6;
	[sflag:s24] =	ssyncadd.s32 $0xFFFFC000;
	(ifvalue) =	ssetifvalue $0xFFFFFFFF  }
0x97: {  	[spmem:s2] =	stream.indirect.scatter.add.f32 [tilespmem:s20], [sflag:$0x4], $0x80, s19, s17, $0x40b8;
	[tilespmem:$0x1DA00] =	vst v63  }
0x98: {  	_ =	swait.ge [sflag:s14], $0x4000  }
0x99: {  	[sflag:s14] =	ssyncset.done $0x0  }
0x9a: {  	s19 =	sand.u32 $0x3FC0, s7;
	[sflag:s14] =	ssyncadd.s32 $0xFFFFC000  }
0x9b: {  	v3 =	vld [tilespmem:s19+$0x100];
	_ =	sdelay $0x4  }
0x9c: {  	s19 =	sand.u32 $0x180, s15;
	v56 =	vand.u32 $0xFFFF, v3  }
0x9d: {  	v3 =	vshrl.u32 v3, $0x10;
	[tilespmem:s19+$0x7800] =	vst v56  }
0x9e: {  	[tilespmem:s19+$0x7810] =	vst v3  }
0x9f: {  	v3 =	vld [tilespmem:s1+$0xFFFFFFA0];
	_ =	sdelay $0x4  }
0xa0: {  	v57 =	vand.u32 $0xFFFF, v3  }
0xa1: {  	v3 =	vshrl.u32 v3, $0x10;
	[tilespmem:s19+$0x7820] =	vst v57  }
0xa2: {  	[tilespmem:s19+$0x7830] =	vst v3  }
0xa3: {  	v3 =	vld [tilespmem:s1+$0xFFFFFFB0];
	_ =	sdelay $0x4  }
0xa4: {  	v58 =	vand.u32 $0xFFFF, v3  }
0xa5: {  	v3 =	vshrl.u32 v3, $0x10;
	[tilespmem:s19+$0x7840] =	vst v58  }
0xa6: {  	[tilespmem:s19+$0x7850] =	vst v3  }
0xa7: {  	v3 =	vld [tilespmem:s1+$0xFFFFFFC0];
	_ =	sdelay $0x4  }
0xa8: {  	v59 =	vand.u32 $0xFFFF, v3  }
0xa9: {  	v3 =	vshrl.u32 v3, $0x10;
	[tilespmem:s19+$0x7860] =	vst v59  }
0xaa: {  	[tilespmem:s19+$0x7870] =	vst v3;
	(ifvalue) =	ssetifvalue $0xFFFF  }
0xab: {  	s19 =	sor.u32 $0x7800, s19;
	(ifvalue) =	ssetifvalue $0xFFFF  }
0xac: {  	[tilespmem:s20], [sflag:$0x2] =	stream.indirect.gather [hbm4b:s4+s17], $0x80, s19, s17, $0x40b8;
	[tilespmem:$0x1DA00] =	vst v63  }
0xad: {  	_ =	swait.ge [sflag:s25], $0x4000  }
0xae: {  	[sflag:s25] =	ssyncset.done $0x0  }
0xaf: {  	[sflag:s25] =	ssyncadd.s32 $0xFFFFC000;
	(ifvalue) =	ssetifvalue $0xFFFFFFFF  }
0xb0: {  	[spmem:s2] =	stream.indirect.scatter.add.f32 [tilespmem:s22], [sflag:$0x4], $0x80, s6, s17, $0x40b8;
	[tilespmem:$0x1DA00] =	vst v63  }
0xb1: {  	_ =	swait.ge [sflag:s14], $0x4000  }
0xb2: {  	[sflag:s14] =	ssyncset.done $0x0  }
0xb3: {  	[sflag:s14] =	ssyncadd.s32 $0xFFFFC000  }
0xb4: {  	v3 =	vld [tilespmem:s1+$0xFFFFFFD0];
	_ =	sdelay $0x3  }
0xb5: {  	s19 =	sadd.s32 $0x280, s15  }
0xb6: {  	s19 =	sand.u32 $0x180, s19;
	v60 =	vand.u32 $0xFFFF, v3  }
0xb7: {  	v3 =	vshrl.u32 v3, $0x10;
	[tilespmem:s19+$0x7800] =	vst v60  }
0xb8: {  	[tilespmem:s19+$0x7810] =	vst v3  }
0xb9: {  	v3 =	vld [tilespmem:s1+$0xFFFFFFE0];
	_ =	sdelay $0x4  }
0xba: {  	v61 =	vand.u32 $0xFFFF, v3  }
0xbb: {  	v3 =	vshrl.u32 v3, $0x10;
	[tilespmem:s19+$0x7820] =	vst v61  }
0xbc: {  	[tilespmem:s19+$0x7830] =	vst v3  }
0xbd: {  	v3 =	vld [tilespmem:s1+$0xFFFFFFF0];
	_ =	sdelay $0x4  }
0xbe: {  	v62 =	vand.u32 $0xFFFF, v3  }
0xbf: {  	v3 =	vshrl.u32 v3, $0x10;
	[tilespmem:s19+$0x7840] =	vst v62  }
0xc0: {  	[tilespmem:s19+$0x7850] =	vst v3  }
0xc1: {  	v3 =	vld [tilespmem:s1+$0x0];
	_ =	sdelay $0x3  }
0xc2: {  	p0 =	sne.s32 s15, $0x4C80  }
.Ltmp2:
0xc3: {  	v63 =	vand.u32 $0xFFFF, v3;
	(pc) =	sbr.rel @p0 .LBB2_6-.Ltmp2, $4  }
0xc4: {  	s7 =	sadd.s32 $0xC0, s7;
	v3 =	vshrl.u32 v3, $0x10;
	[tilespmem:s19+$0x7860] =	vst v63  }
0xc5: {  	s15 =	smov.u32 s18;
	s6 =	sadd.s32 $0x180, s6;
	[tilespmem:s19+$0x7870] =	vst v3;
	(ifvalue) =	ssetifvalue $0xFFFF  }
0xc6: {  	s1 =	sadd.s32 $0xC0, s1;
	s19 =	sor.u32 $0x7800, s19;
	(ifvalue) =	ssetifvalue $0xFFFF  }
0xc7: {  	[tilespmem:s22], [sflag:$0x3] =	stream.indirect.gather [hbm4b:s4+s17], $0x80, s19, s17, $0x40b8;
	[tilespmem:$0x1DA00] =	vst v63  }
0xc8: {  	_ =	swait.ge [sflag:s23], $0x4000  }
0xc9: {  	[sflag:s23] =	ssyncset.done $0x0  }
0xca: {  	[sflag:s23] =	ssyncadd.s32 $0xFFFFC000;
	(ifvalue) =	ssetifvalue $0xFFFFFFFF  }
0xcb: {  	[spmem:s2] =	stream.indirect.scatter.add.f32 [tilespmem:s16], [sflag:$0x4], $0x80, s26, s17, $0x40b8;
	[tilespmem:$0x1DA00] =	vst v63  }
0xcc: {  	_ =	swait.ge [sflag:s14], $0x4000  }
0xcd: {  	[sflag:s14] =	ssyncset.done $0x0  }
0xce: {  	[sflag:s14] =	ssyncadd.s32 $0xFFFFC000  }
0xcf: {  	v3 =	vld [tilespmem:$0x27C0];
	_ =	sdelay $0x1  }
0xd0: {  	v4 =	vld [tilespmem:$0x27D0];
	_ =	sdelay $0x1  }
0xd1: {  	v5 =	vld [tilespmem:$0x27E0]  }
0xd2: {  	v6 =	vand.u32 $0xFFFF, v3  }
0xd3: {  	v63 =	vld [tilespmem:$0x27F0];
	v3 =	vshrl.u32 v3, $0x10;
	[tilespmem:$0x7980] =	vst v6  }
0xd4: {  	[tilespmem:$0x7990] =	vst v3;
	v3 =	vand.u32 $0xFFFF, v4  }
0xd5: {  	[tilespmem:$0x79A0] =	vst v3;
	v3 =	vshrl.u32 v4, $0x10  }
0xd6: {  	[tilespmem:$0x79B0] =	vst v3;
	v3 =	vand.u32 $0xFFFF, v5  }
0xd7: {  	[tilespmem:$0x79C0] =	vst v3;
	v3 =	vshrl.u32 v5, $0x10  }
0xd8: {  	[tilespmem:$0x79D0] =	vst v3;
	v3 =	vand.u32 $0xFFFF, v63  }
0xd9: {  	[tilespmem:$0x79E0] =	vst v3;
	v3 =	vshrl.u32 v63, $0x10  }
0xda: {  	[tilespmem:$0x79F0] =	vst v3;
	(ifvalue) =	ssetifvalue $0xFFFF  }
0xdb: {  	(ifvalue) =	ssetifvalue $0xFFFF  }
0xdc: {  	[tilespmem:s16], [sflag:$0x1] =	stream.indirect.gather [hbm4b:s4+s17], $0x80, s28, s17, $0x40b8;
	[tilespmem:$0x1DA00] =	vst v63  }
0xdd: {  	_ =	swait.ge [sflag:s24], $0x4000  }
0xde: {  	[sflag:s24] =	ssyncset.done $0x0  }
0xdf: {  	[sflag:s24] =	ssyncadd.s32 $0xFFFFC000;
	(ifvalue) =	ssetifvalue $0xFFFFFFFF  }
0xe0: {  	[spmem:s2] =	stream.indirect.scatter.add.f32 [tilespmem:s20], [sflag:$0x4], $0x80, s29, s17, $0x40b8;
	[tilespmem:$0x1DA00] =	vst v63  }
0xe1: {  	_ =	swait.ge [sflag:s14], $0x4000  }
0xe2: {  	[sflag:s14] =	ssyncset.done $0x0  }
0xe3: {  	[sflag:s14] =	ssyncadd.s32 $0xFFFFC000  }
0xe4: {  	_ =	swait.ge [sflag:s25], $0x4000  }
0xe5: {  	[sflag:s25] =	ssyncset.done $0x0  }
0xe6: {  	[sflag:s25] =	ssyncadd.s32 $0xFFFFC000;
	(ifvalue) =	ssetifvalue $0xFFFFFFFF  }
0xe7: {  	[spmem:s2] =	stream.indirect.scatter.add.f32 [tilespmem:s22], [sflag:$0x4], $0x80, s30, s17, $0x40b8;
	[tilespmem:$0x1DA00] =	vst v63  }
0xe8: {  	_ =	swait.ge [sflag:s14], $0x4000  }
0xe9: {  	[sflag:s14] =	ssyncset.done $0x0  }
0xea: {  	[sflag:s14] =	ssyncadd.s32 $0xFFFFC000  }
0xeb: {  	_ =	swait.ge [sflag:s23], $0x4000  }
0xec: {  	[sflag:s23] =	ssyncset.done $0x0  }
0xed: {  	[sflag:s23] =	ssyncadd.s32 $0xFFFFC000;
	(ifvalue) =	ssetifvalue $0xFFFFFFFF  }
0xee: {  	[spmem:s2] =	stream.indirect.scatter.add.f32 [tilespmem:s16], [sflag:$0x4], $0x80, s31, s17, $0x40b8;
	[tilespmem:$0x1DA00] =	vst v63  }
0xef: {  	_ =	swait.ge [sflag:s14], $0x4000  }
0xf0: {  	[sflag:s14] =	ssyncset.done $0x0  }
0xf1: {  	s1 =	stileid.u32;
	[sflag:s14] =	ssyncadd.s32 $0xFFFFC000  }
0xf2: {  	s1 =	sshll.u32 s1, $0x6;
	[bflag:$0x0] =	sbarrier.arrive $0xFFFF  }
0xf3: {  	s15 =	sor.u32 $0x1C04, s1;
	s1 =	sshrl.u32 s8, $0x3;
	s6 =	rddreg [dreg:$0x5]  }
0xf4: {  	[hbm:s6], [sflag:s15] =	dma.local [spmem:s1], $0x1400  }
0xf5: {  	s6 =	simm.s32 $0x0;
	_ =	swait.ge [sflag:s14], $0x1400  }
0xf6: {  	s7 =	sand.u32 $0xFE00, s6;
	[sflag:s14] =	ssyncset.done $0x0  }
0xf7: {  	s18 =	sand.u32 $0x70, s6;
	s19 =	sshrl.u32 s7, $0x2;
	[sflag:s14] =	ssyncadd.s32 $0xFFFFEC00  }
0xf8: {  	s7 =	simm.s32 $0x40;
	s18 =	sor.u32 s18, s19;
	[bflag:$0x0] =	sbarrier.arrive $0xFFFF  }
.LBB2_8:
0xf9: {  	p0 =	sne.s32 s7, $0xFFC0  }
0xfa: {  	[tilespmem:s18+$0x7A00] =	vst v2;
	s6 =	sadd.s32 $0x10, s6;
	s18 =	smov.u32 s7;
	s7 =	sadd.s32 $0x40, s7  }
.Ltmp3:
0xfb: {  	(pc) =	sbr.rel @p0 .LBB2_8-.Ltmp3, $4  }
0xfc: {  	_ = 	snop  }
0xfd: {  	s18 =	sand.u32 $0xFE00, s18  }
0xfe: {  	s19 =	sand.u32 $0x70, s6;
	s18 =	sshrl.u32 s18, $0x2  }
0xff: {  	s18 =	sor.u32 s19, s18  }
0x100: {  	[tilespmem:s18+$0x7A00] =	vst v2  }
0x101: {  	[spmem:s8] =	stream.linear.scatter [tilespmem:s16], [sflag:$0x4], $0x4000, $0x38;
	[tilespmem:$0x1DA00] =	vst v63  }
0x102: {  	_ =	swait.ge [sflag:s14], $0x4000  }
0x103: {  	[sflag:s14] =	ssyncset.done $0x0  }
0x104: {  	[sflag:s14] =	ssyncadd.s32 $0xFFFFC000  }
0x105: {  	[spmem:s9] =	stream.linear.scatter [tilespmem:s16], [sflag:$0x4], $0x4000, $0x38;
	[tilespmem:$0x1DA00] =	vst v63  }
0x106: {  	_ =	swait.ge [sflag:s14], $0x4000  }
0x107: {  	[sflag:s14] =	ssyncset.done $0x0  }
0x108: {  	[sflag:s14] =	ssyncadd.s32 $0xFFFFC000  }
0x109: {  	[spmem:s10] =	stream.linear.scatter [tilespmem:s16], [sflag:$0x4], $0x2000, $0x38;
	[tilespmem:$0x1DA00] =	vst v63  }
0x10a: {  	_ =	swait.ge [sflag:s14], $0x2000  }
0x10b: {  	[sflag:s14] =	ssyncset.done $0x0  }
0x10c: {  	[sflag:s14] =	ssyncadd.s32 $0xFFFFE000  }
0x10d: {  	[bflag:$0x0] =	sbarrier.arrive $0xFFFF  }
0x10e: {  	v3 =	vld [tilespmem:$0x0];
	_ =	sdelay $0x1  }
0x10f: {  	v4 =	vld [tilespmem:$0x10];
	_ =	sdelay $0x1  }
0x110: {  	v5 =	vld [tilespmem:$0x20]  }
0x111: {  	v6 =	vand.u32 $0xFFFF, v3  }
0x112: {  	v55 =	vld [tilespmem:$0x30];
	v3 =	vshrl.u32 v3, $0x10;
	[tilespmem:$0x7800] =	vst v6  }
0x113: {  	[tilespmem:$0x7810] =	vst v3;
	v3 =	vand.u32 $0xFFFF, v4  }
0x114: {  	[tilespmem:$0x7820] =	vst v3;
	v3 =	vshrl.u32 v4, $0x10  }
0x115: {  	[tilespmem:$0x7830] =	vst v3;
	v3 =	vand.u32 $0xFFFF, v5  }
0x116: {  	[tilespmem:$0x7840] =	vst v3;
	v3 =	vshrl.u32 v5, $0x10  }
0x117: {  	[tilespmem:$0x7850] =	vst v3;
	v3 =	vand.u32 $0xFFFF, v55  }
0x118: {  	[tilespmem:$0x7860] =	vst v3;
	v3 =	vshrl.u32 v55, $0x10  }
0x119: {  	[tilespmem:$0x7870] =	vst v3;
	(ifvalue) =	ssetifvalue $0xFFFF  }
0x11a: {  	(ifvalue) =	ssetifvalue $0xFFFF  }
0x11b: {  	[tilespmem:s16], [sflag:$0x1] =	stream.indirect.gather [hbm4b:s5+s17], $0x80, s11, s17, $0x40b8;
	[tilespmem:$0x1DA00] =	vst v63  }
0x11c: {  	v3 =	vld [tilespmem:$0x40];
	_ =	sdelay $0x1  }
0x11d: {  	v56 =	vld [tilespmem:$0x50];
	_ =	sdelay $0x1  }
0x11e: {  	v57 =	vld [tilespmem:$0x60]  }
0x11f: {  	v58 =	vand.u32 $0xFFFF, v3  }
0x120: {  	v59 =	vld [tilespmem:$0x70];
	v3 =	vshrl.u32 v3, $0x10;
	[tilespmem:$0x7880] =	vst v58  }
0x121: {  	[tilespmem:$0x7890] =	vst v3;
	v3 =	vand.u32 $0xFFFF, v56  }
0x122: {  	[tilespmem:$0x78A0] =	vst v3;
	v3 =	vshrl.u32 v56, $0x10  }
0x123: {  	[tilespmem:$0x78B0] =	vst v3;
	v3 =	vand.u32 $0xFFFF, v57  }
0x124: {  	[tilespmem:$0x78C0] =	vst v3;
	v3 =	vshrl.u32 v57, $0x10  }
0x125: {  	[tilespmem:$0x78D0] =	vst v3;
	v3 =	vand.u32 $0xFFFF, v59  }
0x126: {  	[tilespmem:$0x78E0] =	vst v3;
	v3 =	vshrl.u32 v59, $0x10  }
0x127: {  	[tilespmem:$0x78F0] =	vst v3;
	(ifvalue) =	ssetifvalue $0xFFFF  }
0x128: {  	(ifvalue) =	ssetifvalue $0xFFFF  }
0x129: {  	[tilespmem:s20], [sflag:$0x2] =	stream.indirect.gather [hbm4b:s5+s17], $0x80, s21, s17, $0x40b8;
	[tilespmem:$0x1DA00] =	vst v63  }
0x12a: {  	v3 =	vld [tilespmem:$0x80];
	_ =	sdelay $0x1  }
0x12b: {  	v60 =	vld [tilespmem:$0x90];
	_ =	sdelay $0x1  }
0x12c: {  	v61 =	vld [tilespmem:$0xA0]  }
0x12d: {  	v62 =	vand.u32 $0xFFFF, v3  }
0x12e: {  	v63 =	vld [tilespmem:$0xB0];
	v3 =	vshrl.u32 v3, $0x10;
	[tilespmem:$0x7900] =	vst v62  }
0x12f: {  	[tilespmem:$0x7910] =	vst v3;
	v3 =	vand.u32 $0xFFFF, v60  }
0x130: {  	[tilespmem:$0x7920] =	vst v3;
	v3 =	vshrl.u32 v60, $0x10  }
0x131: {  	[tilespmem:$0x7930] =	vst v3;
	v3 =	vand.u32 $0xFFFF, v61  }
0x132: {  	[tilespmem:$0x7940] =	vst v3;
	v3 =	vshrl.u32 v61, $0x10  }
0x133: {  	[tilespmem:$0x7950] =	vst v3;
	v3 =	vand.u32 $0xFFFF, v63  }
0x134: {  	[tilespmem:$0x7960] =	vst v3;
	v3 =	vshrl.u32 v63, $0x10  }
0x135: {  	[tilespmem:$0x7970] =	vst v3;
	(ifvalue) =	ssetifvalue $0xFFFF  }
0x136: {  	s6 =	simm.s32 $0x7900;
	s19 =	simm.s32 $0x0;
	(ifvalue) =	ssetifvalue $0xFFFF  }
0x137: {  	[tilespmem:s22], [sflag:$0x3] =	stream.indirect.gather [hbm4b:s5+s17], $0x80, s6, s17, $0x40b8;
	[tilespmem:$0x1DA00] =	vst v63  }
0x138: {  	s7 =	simm.s32 $0x2900;
	s18 =	simm.s32 $0x0;
	s6 =	simm.s32 $0x170  }
.LBB2_10:
0x139: {  	_ =	swait.ge [sflag:s23], $0x4000  }
0x13a: {  	[sflag:s23] =	ssyncset.done $0x0  }
0x13b: {  	s21 =	sadd.s32 $0xFFFFFF00, s7;
	[sflag:s23] =	ssyncadd.s32 $0xFFFFC000;
	(ifvalue) =	ssetifvalue $0xFFFFFFFF  }
0x13c: {  	[spmem:s2] =	stream.indirect.scatter.add.f32 [tilespmem:s16], [sflag:$0x4], $0x80, s21, s17, $0x40b8;
	[tilespmem:$0x1DA00] =	vst v63  }
0x13d: {  	_ =	swait.ge [sflag:s14], $0x4000  }
0x13e: {  	[sflag:s14] =	ssyncset.done $0x0  }
0x13f: {  	[sflag:s14] =	ssyncadd.s32 $0xFFFFC000  }
0x140: {  	v3 =	vld [tilespmem:s6+$0xFFFFFF50];
	_ =	sdelay $0x3  }
0x141: {  	s21 =	sadd.s32 $0x180, s19  }
0x142: {  	s11 =	sand.u32 $0x180, s21;
	v4 =	vand.u32 $0xFFFF, v3  }
0x143: {  	v3 =	vshrl.u32 v3, $0x10;
	[tilespmem:s11+$0x7800] =	vst v4  }
0x144: {  	[tilespmem:s11+$0x7810] =	vst v3  }
0x145: {  	v3 =	vld [tilespmem:s6+$0xFFFFFF60];
	_ =	sdelay $0x4  }
0x146: {  	v53 =	vand.u32 $0xFFFF, v3  }
0x147: {  	v3 =	vshrl.u32 v3, $0x10;
	[tilespmem:s11+$0x7820] =	vst v53  }
0x148: {  	[tilespmem:s11+$0x7830] =	vst v3  }
0x149: {  	v3 =	vld [tilespmem:s6+$0xFFFFFF70];
	_ =	sdelay $0x4  }
0x14a: {  	v54 =	vand.u32 $0xFFFF, v3  }
0x14b: {  	v3 =	vshrl.u32 v3, $0x10;
	[tilespmem:s11+$0x7840] =	vst v54  }
0x14c: {  	[tilespmem:s11+$0x7850] =	vst v3  }
0x14d: {  	v3 =	vld [tilespmem:s6+$0xFFFFFF80];
	_ =	sdelay $0x4  }
0x14e: {  	v55 =	vand.u32 $0xFFFF, v3  }
0x14f: {  	v3 =	vshrl.u32 v3, $0x10;
	[tilespmem:s11+$0x7860] =	vst v55  }
0x150: {  	[tilespmem:s11+$0x7870] =	vst v3;
	(ifvalue) =	ssetifvalue $0xFFFF  }
0x151: {  	s11 =	sor.u32 $0x7800, s11;
	(ifvalue) =	ssetifvalue $0xFFFF  }
0x152: {  	[tilespmem:s16], [sflag:$0x1] =	stream.indirect.gather [hbm4b:s5+s17], $0x80, s11, s17, $0x40b8;
	[tilespmem:$0x1DA00] =	vst v63  }
0x153: {  	_ =	swait.ge [sflag:s24], $0x4000  }
0x154: {  	[sflag:s24] =	ssyncset.done $0x0  }
0x155: {  	s11 =	sadd.s32 $0xFFFFFF80, s7;
	[sflag:s24] =	ssyncadd.s32 $0xFFFFC000;
	(ifvalue) =	ssetifvalue $0xFFFFFFFF  }
0x156: {  	[spmem:s2] =	stream.indirect.scatter.add.f32 [tilespmem:s20], [sflag:$0x4], $0x80, s11, s17, $0x40b8;
	[tilespmem:$0x1DA00] =	vst v63  }
0x157: {  	_ =	swait.ge [sflag:s14], $0x4000  }
0x158: {  	[sflag:s14] =	ssyncset.done $0x0  }
0x159: {  	s11 =	sand.u32 $0x3FC0, s18;
	[sflag:s14] =	ssyncadd.s32 $0xFFFFC000  }
0x15a: {  	v3 =	vld [tilespmem:s11+$0x100];
	_ =	sdelay $0x4  }
0x15b: {  	s11 =	sand.u32 $0x180, s19;
	v56 =	vand.u32 $0xFFFF, v3  }
0x15c: {  	v3 =	vshrl.u32 v3, $0x10;
	[tilespmem:s11+$0x7800] =	vst v56  }
0x15d: {  	[tilespmem:s11+$0x7810] =	vst v3  }
0x15e: {  	v3 =	vld [tilespmem:s6+$0xFFFFFFA0];
	_ =	sdelay $0x4  }
0x15f: {  	v57 =	vand.u32 $0xFFFF, v3  }
0x160: {  	v3 =	vshrl.u32 v3, $0x10;
	[tilespmem:s11+$0x7820] =	vst v57  }
0x161: {  	[tilespmem:s11+$0x7830] =	vst v3  }
0x162: {  	v3 =	vld [tilespmem:s6+$0xFFFFFFB0];
	_ =	sdelay $0x4  }
0x163: {  	v58 =	vand.u32 $0xFFFF, v3  }
0x164: {  	v3 =	vshrl.u32 v3, $0x10;
	[tilespmem:s11+$0x7840] =	vst v58  }
0x165: {  	[tilespmem:s11+$0x7850] =	vst v3  }
0x166: {  	v3 =	vld [tilespmem:s6+$0xFFFFFFC0];
	_ =	sdelay $0x4  }
0x167: {  	v59 =	vand.u32 $0xFFFF, v3  }
0x168: {  	v3 =	vshrl.u32 v3, $0x10;
	[tilespmem:s11+$0x7860] =	vst v59  }
0x169: {  	[tilespmem:s11+$0x7870] =	vst v3;
	(ifvalue) =	ssetifvalue $0xFFFF  }
0x16a: {  	s11 =	sor.u32 $0x7800, s11;
	(ifvalue) =	ssetifvalue $0xFFFF  }
0x16b: {  	[tilespmem:s20], [sflag:$0x2] =	stream.indirect.gather [hbm4b:s5+s17], $0x80, s11, s17, $0x40b8;
	[tilespmem:$0x1DA00] =	vst v63  }
0x16c: {  	_ =	swait.ge [sflag:s25], $0x4000  }
0x16d: {  	[sflag:s25] =	ssyncset.done $0x0  }
0x16e: {  	[sflag:s25] =	ssyncadd.s32 $0xFFFFC000;
	(ifvalue) =	ssetifvalue $0xFFFFFFFF  }
0x16f: {  	[spmem:s2] =	stream.indirect.scatter.add.f32 [tilespmem:s22], [sflag:$0x4], $0x80, s7, s17, $0x40b8;
	[tilespmem:$0x1DA00] =	vst v63  }
0x170: {  	_ =	swait.ge [sflag:s14], $0x4000  }
0x171: {  	[sflag:s14] =	ssyncset.done $0x0  }
0x172: {  	[sflag:s14] =	ssyncadd.s32 $0xFFFFC000  }
0x173: {  	v3 =	vld [tilespmem:s6+$0xFFFFFFD0];
	_ =	sdelay $0x3  }
0x174: {  	s11 =	sadd.s32 $0x280, s19  }
0x175: {  	s11 =	sand.u32 $0x180, s11;
	v60 =	vand.u32 $0xFFFF, v3  }
0x176: {  	v3 =	vshrl.u32 v3, $0x10;
	[tilespmem:s11+$0x7800] =	vst v60  }
0x177: {  	[tilespmem:s11+$0x7810] =	vst v3  }
0x178: {  	v3 =	vld [tilespmem:s6+$0xFFFFFFE0];
	_ =	sdelay $0x4  }
0x179: {  	v61 =	vand.u32 $0xFFFF, v3  }
0x17a: {  	v3 =	vshrl.u32 v3, $0x10;
	[tilespmem:s11+$0x7820] =	vst v61  }
0x17b: {  	[tilespmem:s11+$0x7830] =	vst v3  }
0x17c: {  	v3 =	vld [tilespmem:s6+$0xFFFFFFF0];
	_ =	sdelay $0x4  }
0x17d: {  	v62 =	vand.u32 $0xFFFF, v3  }
0x17e: {  	v3 =	vshrl.u32 v3, $0x10;
	[tilespmem:s11+$0x7840] =	vst v62  }
0x17f: {  	[tilespmem:s11+$0x7850] =	vst v3  }
0x180: {  	v3 =	vld [tilespmem:s6+$0x0];
	_ =	sdelay $0x3  }
0x181: {  	p0 =	sne.s32 s19, $0x4C80  }
.Ltmp4:
0x182: {  	v63 =	vand.u32 $0xFFFF, v3;
	(pc) =	sbr.rel @p0 .LBB2_10-.Ltmp4, $4  }
0x183: {  	s18 =	sadd.s32 $0xC0, s18;
	v3 =	vshrl.u32 v3, $0x10;
	[tilespmem:s11+$0x7860] =	vst v63  }
0x184: {  	s19 =	smov.u32 s21;
	s7 =	sadd.s32 $0x180, s7;
	[tilespmem:s11+$0x7870] =	vst v3;
	(ifvalue) =	ssetifvalue $0xFFFF  }
0x185: {  	s6 =	sadd.s32 $0xC0, s6;
	s11 =	sor.u32 $0x7800, s11;
	(ifvalue) =	ssetifvalue $0xFFFF  }
0x186: {  	[tilespmem:s22], [sflag:$0x3] =	stream.indirect.gather [hbm4b:s5+s17], $0x80, s11, s17, $0x40b8;
	[tilespmem:$0x1DA00] =	vst v63  }
0x187: {  	_ =	swait.ge [sflag:s23], $0x4000  }
0x188: {  	[sflag:s23] =	ssyncset.done $0x0  }
0x189: {  	[sflag:s23] =	ssyncadd.s32 $0xFFFFC000;
	(ifvalue) =	ssetifvalue $0xFFFFFFFF  }
0x18a: {  	[spmem:s2] =	stream.indirect.scatter.add.f32 [tilespmem:s16], [sflag:$0x4], $0x80, s26, s17, $0x40b8;
	[tilespmem:$0x1DA00] =	vst v63  }
0x18b: {  	_ =	swait.ge [sflag:s14], $0x4000  }
0x18c: {  	[sflag:s14] =	ssyncset.done $0x0  }
0x18d: {  	[sflag:s14] =	ssyncadd.s32 $0xFFFFC000  }
0x18e: {  	v3 =	vld [tilespmem:$0x27C0];
	_ =	sdelay $0x1  }
0x18f: {  	v4 =	vld [tilespmem:$0x27D0];
	_ =	sdelay $0x1  }
0x190: {  	v5 =	vld [tilespmem:$0x27E0]  }
0x191: {  	v6 =	vand.u32 $0xFFFF, v3  }
0x192: {  	v63 =	vld [tilespmem:$0x27F0];
	v3 =	vshrl.u32 v3, $0x10;
	[tilespmem:$0x7980] =	vst v6  }
0x193: {  	[tilespmem:$0x7990] =	vst v3;
	v3 =	vand.u32 $0xFFFF, v4  }
0x194: {  	[tilespmem:$0x79A0] =	vst v3;
	v3 =	vshrl.u32 v4, $0x10  }
0x195: {  	[tilespmem:$0x79B0] =	vst v3;
	v3 =	vand.u32 $0xFFFF, v5  }
0x196: {  	[tilespmem:$0x79C0] =	vst v3;
	v3 =	vshrl.u32 v5, $0x10  }
0x197: {  	[tilespmem:$0x79D0] =	vst v3;
	v3 =	vand.u32 $0xFFFF, v63  }
0x198: {  	[tilespmem:$0x79E0] =	vst v3;
	v3 =	vshrl.u32 v63, $0x10  }
0x199: {  	[tilespmem:$0x79F0] =	vst v3;
	(ifvalue) =	ssetifvalue $0xFFFF  }
0x19a: {  	(ifvalue) =	ssetifvalue $0xFFFF  }
0x19b: {  	[tilespmem:s16], [sflag:$0x1] =	stream.indirect.gather [hbm4b:s5+s17], $0x80, s28, s17, $0x40b8;
	[tilespmem:$0x1DA00] =	vst v63  }
0x19c: {  	_ =	swait.ge [sflag:s24], $0x4000  }
0x19d: {  	[sflag:s24] =	ssyncset.done $0x0  }
0x19e: {  	[sflag:s24] =	ssyncadd.s32 $0xFFFFC000;
	(ifvalue) =	ssetifvalue $0xFFFFFFFF  }
0x19f: {  	[spmem:s2] =	stream.indirect.scatter.add.f32 [tilespmem:s20], [sflag:$0x4], $0x80, s29, s17, $0x40b8;
	[tilespmem:$0x1DA00] =	vst v63  }
0x1a0: {  	_ =	swait.ge [sflag:s14], $0x4000  }
0x1a1: {  	[sflag:s14] =	ssyncset.done $0x0  }
0x1a2: {  	[sflag:s14] =	ssyncadd.s32 $0xFFFFC000  }
0x1a3: {  	_ =	swait.ge [sflag:s25], $0x4000  }
0x1a4: {  	[sflag:s25] =	ssyncset.done $0x0  }
0x1a5: {  	[sflag:s25] =	ssyncadd.s32 $0xFFFFC000;
	(ifvalue) =	ssetifvalue $0xFFFFFFFF  }
0x1a6: {  	[spmem:s2] =	stream.indirect.scatter.add.f32 [tilespmem:s22], [sflag:$0x4], $0x80, s30, s17, $0x40b8;
	[tilespmem:$0x1DA00] =	vst v63  }
0x1a7: {  	_ =	swait.ge [sflag:s14], $0x4000  }
0x1a8: {  	[sflag:s14] =	ssyncset.done $0x0  }
0x1a9: {  	[sflag:s14] =	ssyncadd.s32 $0xFFFFC000  }
0x1aa: {  	_ =	swait.ge [sflag:s23], $0x4000  }
0x1ab: {  	[sflag:s23] =	ssyncset.done $0x0  }
0x1ac: {  	[sflag:s23] =	ssyncadd.s32 $0xFFFFC000;
	(ifvalue) =	ssetifvalue $0xFFFFFFFF  }
0x1ad: {  	[spmem:s2] =	stream.indirect.scatter.add.f32 [tilespmem:s16], [sflag:$0x4], $0x80, s31, s17, $0x40b8;
	[tilespmem:$0x1DA00] =	vst v63  }
0x1ae: {  	_ =	swait.ge [sflag:s14], $0x4000  }
0x1af: {  	[sflag:s14] =	ssyncset.done $0x0  }
0x1b0: {  	s0 =	sadd.s32 $0x1, s0;
	[sflag:s14] =	ssyncadd.s32 $0xFFFFC000  }
0x1b1: {  	p0 =	sne.s32 s0, s13;
	[bflag:$0x0] =	sbarrier.arrive $0xFFFF  }
0x1b2: {  	[hbm:s12], [sflag:s15] =	dma.local [spmem:s1], $0x1400  }
.Ltmp5:
0x1b3: {  	_ =	swait.ge [sflag:s14], $0x1400;
	(pc) =	sbr.rel @p0 .LBB2_1-.Ltmp5, $4  }
0x1b4: {  	[sflag:s14] =	ssyncset.done $0x0  }
0x1b5: {  	[sflag:s14] =	ssyncadd.s32 $0xFFFFEC00  }
0x1b6: {  	[bflag:$0x0] =	sbarrier.arrive $0xFFFF  }
0x1b7: {  	s11 =	simm.s32 $0x7800;
	s21 =	simm.s32 $0x7880  }
0x1b8: {  	_ =	sfence.sel $0x180000  }
0x1b9: {  	[bflag:$0x0] =	sbarrier.arrive $0xFFFF  }
0x1ba: {  	_ =	strace $0x90000047  }
0x1bb: {  	s0 =	stileid.u32;
	[bflag:$0x2] =	sbarrier.arrive $0xFFFF  }
0x1bc: {  	p0 =	sne.s32 s0, $0x0;
	s0 =	rddreg [dreg:$0x2]  }
0x1bd: {  	s0 =	sadd.s32 @!p0 $0x100000, s0  }
0x1be: {  	[sflag:s0] =	ssyncadd.tile.s32 @!p0 $0x1;
	_ =	shalt  }
.Lfunc_end2:
_tile_overlayer_lowered:
.L_overlay_start_2:
0x1bf: {  	(tag) =	ssettag $0x2  }
0x1c0: {  	s0 =	rddreg [dreg:$0x0];
	s2 =	stileid.u32  }
0x1c1: {  	s1 =	rddreg [dreg:$0x1];
	p0 =	sne.s32 s2, $0x0  }
0x1c2: {  	s3 =	rddreg [dreg:$0x2];
	[bflag:$0x3] =	sbarrier.arrive $0xFFFF;
	s2 =	simm.s32 @!p0 $0x1C04  }
0x1c3: {  	[timem:s3], [sflag:s2] =	dma.local @!p0 [hbm:s0], s1  }
0x1c4: {  	s0 =	simm.s32 @!p0 $0x4  }
0x1c5: {  	_ =	swait.ge @!p0 [sflag:s0], s1  }
0x1c6: {  	s1 =	ssub.s32 @!p0 $0x0, s1;
	[sflag:s0] =	ssyncset.done @!p0 $0x0  }
0x1c7: {  	[sflag:s0] =	ssyncadd.s32 @!p0 s1  }
0x1c8: {  	[bflag:$0x3] =	sbarrier.arrive $0xFFFF  }
0x1c9: {  	_ =	shalt  }

</sc_bundles>
